<compile_context>
chip_gen: v7x
topology: tpu7x:2x2x1
jax: 0.10.2.dev20260603
libtpu: 0.0.44.dev20260713+nightly
codegen_flags: <defaults>
</compile_context>

<pallas_src>
import functools

import jax
import jax.numpy as jnp
from jax import lax
from jax.experimental import pallas as pl
from jax.experimental.pallas import tpu as pltpu
from jax.experimental.pallas import tpu_sc as plsc

LANES = 128
BLK = 1280
NSC = 2
NTILES = 16


def _sc_mesh():
    return plsc.VectorSubcoreMesh(core_axis_name="c", subcore_axis_name="s")


def _sc_degrees(dst2d, src2d, zeros1d, n_pad):
    er = dst2d.shape[0]
    rows_per_tile = er // NTILES
    stripe = n_pad // NTILES

    @functools.partial(
        pl.kernel,
        out_type=jax.ShapeDtypeStruct((NSC, n_pad), jnp.float32),
        mesh=_sc_mesh(),
        scratch_types=[
            pltpu.VMEM((rows_per_tile, LANES), jnp.int32),
            pltpu.VMEM((LANES,), jnp.float32),
            pltpu.VMEM_SHARED((n_pad,), jnp.float32),
        ],
    )
    def k(dst_hbm, src_hbm, zeros_hbm, out_hbm, idx_v, ones_v, accum):
        c = lax.axis_index("c")
        s = lax.axis_index("s")
        for j in range(LANES // 16):
            ones_v[pl.ds(j * 16, 16)] = jnp.ones((16,), jnp.float32)
        pltpu.sync_copy(zeros_hbm.at[pl.ds(s * stripe, stripe)],
                        accum.at[pl.ds(s * stripe, stripe)])

        @pl.when(c == 0)
        def _():
            pltpu.sync_copy(dst_hbm.at[pl.ds(s * rows_per_tile, rows_per_tile)],
                            idx_v)

        @pl.when(c == 1)
        def _():
            pltpu.sync_copy(src_hbm.at[pl.ds(s * rows_per_tile, rows_per_tile)],
                            idx_v)

        plsc.subcore_barrier()

        def body(j, carry):
            pltpu.sync_copy(ones_v, accum.at[idx_v.at[j]], add=True)
            return carry

        lax.fori_loop(0, rows_per_tile, body, 0)
        plsc.subcore_barrier()
        pltpu.sync_copy(accum.at[pl.ds(s * stripe, stripe)],
                        out_hbm.at[c, pl.ds(s * stripe, stripe)])

    return k(dst2d, src2d, zeros1d)


SEG = 40


def _spmm_phase(tab, src_v, loc_v, rows2, gsem0, gsem1, accum, nchunks):
    buf0 = rows2.at[0]
    buf1 = rows2.at[1]

    def gstart(i, buf, sem):
        pltpu.async_copy(tab.at[src_v.at[i]], buf, sem)

    def gwait(i, buf, sem):
        pltpu.make_async_copy(tab.at[src_v.at[i]], buf, sem).wait()

    def scat(i, buf):
        pltpu.sync_copy(buf, accum.at[loc_v.at[i]], add=True)

    gstart(0, buf0, gsem0)

    def body(k, carry):
        i0 = 2 * k
        gstart(i0 + 1, buf1, gsem1)
        gwait(i0, buf0, gsem0)
        scat(i0, buf0)
        gstart(i0 + 2, buf0, gsem0)
        gwait(i0 + 1, buf1, gsem1)
        scat(i0 + 1, buf1)
        return carry

    lax.fori_loop(0, nchunks // 2 - 1, body, 0)
    i0 = nchunks - 2
    gstart(i0 + 1, buf1, gsem1)
    gwait(i0, buf0, gsem0)
    scat(i0, buf0)
    gwait(i0 + 1, buf1, gsem1)
    scat(i0 + 1, buf1)


def _zero_accum(zeros_hbm, accum, n_pad, s):
    zstripe = n_pad // NTILES
    pltpu.sync_copy(zeros_hbm.at[pl.ds(s * zstripe, zstripe)],
                    accum.at[pl.ds(s * zstripe, zstripe)])


def _flush_accum(accum, out_hbm, t, n_pad, s):
    fstripe = n_pad // NTILES
    pltpu.sync_copy(
        accum.at[pl.ds(s * fstripe, fstripe)],
        out_hbm.at[t, pl.ds(s * fstripe, fstripe)])


def _spmm_streamed(tab, src_hbm, dst_hbm, src_v, dst_v, rows2, gsem0, gsem1,
                   accum, base, rows):

    def seg_body(g, carry):
        off = base + g * SEG
        pltpu.sync_copy(src_hbm.at[pl.ds(off, SEG)], src_v)
        pltpu.sync_copy(dst_hbm.at[pl.ds(off, SEG)], dst_v)
        _spmm_phase(tab, src_v, dst_v, rows2, gsem0, gsem1, accum, SEG)
        return carry

    lax.fori_loop(0, rows // SEG, seg_body, 0)


def _sc_spmm_split(xprime, src2d, dst2d, zeros2d, n_pad):
    er = src2d.shape[0]
    rows_per_tile = er // (NSC * NTILES)

    @functools.partial(
        pl.kernel,
        out_type=jax.ShapeDtypeStruct((NSC, n_pad, LANES), jnp.float32),
        mesh=_sc_mesh(),
        scratch_types=[
            pltpu.VMEM((SEG, LANES), jnp.int32),
            pltpu.VMEM((SEG, LANES), jnp.int32),
            pltpu.VMEM((2, LANES, LANES), jnp.float32),
            pltpu.SemaphoreType.DMA,
            pltpu.SemaphoreType.DMA,
            pltpu.VMEM_SHARED((n_pad, LANES), jnp.float32),
        ],
    )
    def k(x_hbm, src_hbm, dst_hbm, zeros_hbm, out_hbm, src_v, dst_v,
          rows2, gsem0, gsem1, accum):
        c = lax.axis_index("c")
        s = lax.axis_index("s")
        wid = c * NTILES + s
        _zero_accum(zeros_hbm, accum, n_pad, s)
        plsc.subcore_barrier()
        _spmm_streamed(x_hbm.at[c], src_hbm, dst_hbm, src_v, dst_v, rows2,
                       gsem0, gsem1, accum, wid * rows_per_tile,
                       rows_per_tile)
        plsc.subcore_barrier()
        _flush_accum(accum, out_hbm, c, n_pad, s)

    return k(xprime, src2d, dst2d, zeros2d)


def _sc_spmm_dual(y0, logits, src2d, dst2d, zeros2d, n_pad):
    er = src2d.shape[0]
    rows_per_tile = er // NTILES

    @functools.partial(
        pl.kernel,
        out_type=jax.ShapeDtypeStruct((NSC, n_pad, LANES), jnp.float32),
        mesh=_sc_mesh(),
        scratch_types=[
            pltpu.VMEM((SEG, LANES), jnp.int32),
            pltpu.VMEM((SEG, LANES), jnp.int32),
            pltpu.VMEM((2, LANES, LANES), jnp.float32),
            pltpu.SemaphoreType.DMA,
            pltpu.SemaphoreType.DMA,
            pltpu.VMEM_SHARED((n_pad, LANES), jnp.float32),
        ],
    )
    def k(y0_hbm, lg_hbm, src_hbm, dst_hbm, zeros_hbm, out_hbm, src_v, dst_v,
          rows2, gsem0, gsem1, accum):
        c = lax.axis_index("c")
        s = lax.axis_index("s")
        _zero_accum(zeros_hbm, accum, n_pad, s)
        plsc.subcore_barrier()

        @pl.when(c == 0)
        def _():
            _spmm_streamed(y0_hbm, src_hbm, dst_hbm, src_v, dst_v, rows2,
                           gsem0, gsem1, accum, s * rows_per_tile,
                           rows_per_tile)

        @pl.when(c == 1)
        def _():
            _spmm_streamed(lg_hbm, src_hbm, dst_hbm, src_v, dst_v, rows2,
                           gsem0, gsem1, accum, s * rows_per_tile,
                           rows_per_tile)

        plsc.subcore_barrier()
        _flush_accum(accum, out_hbm, c, n_pad, s)

    return k(y0, logits, src2d, dst2d, zeros2d)


def _tc_scale_x(x_pad, deg_out_col, n_pad):
    grid = n_pad // BLK

    def body(do_ref, x_ref, xp_ref):
        d = jnp.maximum(do_ref[...], 1.0)
        xp = x_ref[...] * lax.rsqrt(d)
        xp_ref[0] = xp
        xp_ref[1] = xp

    return pl.pallas_call(
        body,
        grid=(grid,),
        in_specs=[
            pl.BlockSpec((BLK, 1), lambda i: (i, 0)),
            pl.BlockSpec((BLK, LANES), lambda i: (i, 0)),
        ],
        out_specs=pl.BlockSpec((NSC, BLK, LANES), lambda i: (0, i, 0)),
        out_shape=jax.ShapeDtypeStruct((NSC, n_pad, LANES), jnp.float32),
    )(deg_out_col, x_pad)


def _tc_mid(s1, deg_in_col, deg_out_col, W0, lin_W, n_pad):
    grid = n_pad // BLK

    def body(s1_ref, di_ref, do_ref, w0_ref, lw_ref, h0_ref, y0_ref, lg_ref):
        ssum = s1_ref[0] + s1_ref[1]
        din = jnp.maximum(di_ref[...], 1.0)
        dout = jnp.maximum(do_ref[...], 1.0)
        h0 = jnp.dot(ssum * lax.rsqrt(din), w0_ref[...],
                     preferred_element_type=jnp.float32)
        t = jnp.dot(h0, lw_ref[...], preferred_element_type=jnp.float32)
        t = t - jnp.max(t, axis=1, keepdims=True)
        e = jnp.exp(t)
        lg = e / jnp.sum(e, axis=1, keepdims=True)
        h0_ref[...] = h0
        y0_ref[...] = h0 * lax.rsqrt(dout)
        lg_ref[...] = lg

    return pl.pallas_call(
        body,
        grid=(grid,),
        in_specs=[
            pl.BlockSpec((NSC, BLK, LANES), lambda i: (0, i, 0)),
            pl.BlockSpec((BLK, 1), lambda i: (i, 0)),
            pl.BlockSpec((BLK, 1), lambda i: (i, 0)),
            pl.BlockSpec((LANES, LANES), lambda i: (0, 0)),
            pl.BlockSpec((LANES, LANES), lambda i: (0, 0)),
        ],
        out_specs=[
            pl.BlockSpec((BLK, LANES), lambda i: (i, 0)),
            pl.BlockSpec((BLK, LANES), lambda i: (i, 0)),
            pl.BlockSpec((BLK, LANES), lambda i: (i, 0)),
        ],
        out_shape=[
            jax.ShapeDtypeStruct((n_pad, LANES), jnp.float32),
            jax.ShapeDtypeStruct((n_pad, LANES), jnp.float32),
            jax.ShapeDtypeStruct((n_pad, LANES), jnp.float32),
        ],
    )(s1, deg_in_col, deg_out_col, W0, lin_W)


def _tc_final(s2, h0, logits, deg_in_col, W1, lin_W, tau1, tau2, n_pad):
    grid = n_pad // BLK

    def body(s2_ref, h0_ref, lg_ref, di_ref, w1_ref, lw_ref, t1_ref, t2_ref,
             out_ref):
        din = jnp.maximum(di_ref[...], 1.0)
        agg = s2_ref[0] * lax.rsqrt(din)
        neigh = s2_ref[1] / din
        lg = lg_ref[...]
        score = jnp.sum(lg * neigh, axis=1, keepdims=True)
        z = jax.nn.sigmoid(t1_ref[0, 0] * score + t2_ref[0, 0])
        h1 = z * agg + (1.0 - z) * h0_ref[...]
        w = jnp.dot(w1_ref[...], lw_ref[...],
                    preferred_element_type=jnp.float32)
        out_ref[...] = jnp.dot(h1, w, preferred_element_type=jnp.float32)

    return pl.pallas_call(
        body,
        grid=(grid,),
        in_specs=[
            pl.BlockSpec((NSC, BLK, LANES), lambda i: (0, i, 0)),
            pl.BlockSpec((BLK, LANES), lambda i: (i, 0)),
            pl.BlockSpec((BLK, LANES), lambda i: (i, 0)),
            pl.BlockSpec((BLK, 1), lambda i: (i, 0)),
            pl.BlockSpec((LANES, LANES), lambda i: (0, 0)),
            pl.BlockSpec((LANES, LANES), lambda i: (0, 0)),
            pl.BlockSpec(memory_space=pltpu.SMEM),
            pl.BlockSpec(memory_space=pltpu.SMEM),
        ],
        out_specs=pl.BlockSpec((BLK, LANES), lambda i: (i, 0)),
        out_shape=jax.ShapeDtypeStruct((n_pad, LANES), jnp.float32),
    )(s2, h0, logits, deg_in_col, W1, lin_W, tau1, tau2)


def kernel(x, edge_index, W0, W1, lin_W, init_weight_y, tau1, tau2):
    n, d = x.shape
    e = edge_index.shape[1]
    assert d == LANES

    n_pad = ((n + 1 + BLK - 1) // BLK) * BLK

    er = (e + LANES - 1) // LANES
    er_pad = ((er + 8 * NSC * NTILES - 1) // (8 * NSC * NTILES)) * (8 * NSC * NTILES)
    e_pad = er_pad * LANES

    src = edge_index[0]
    dst = edge_index[1]
    pad = n + (jnp.arange(e_pad - e, dtype=jnp.int32) % (n_pad - n))
    src2d = jnp.concatenate([src, pad]).reshape(er_pad, LANES)
    dst2d = jnp.concatenate([dst, pad]).reshape(er_pad, LANES)

    x_pad = jnp.zeros((n_pad, LANES), jnp.float32).at[:n].set(x)
    zeros2d = jnp.zeros((n_pad, LANES), jnp.float32)
    zeros1d = jnp.zeros((n_pad,), jnp.float32)

    degs = _sc_degrees(dst2d, src2d, zeros1d, n_pad)
    deg_in_col = degs[0].reshape(n_pad, 1)
    deg_out_col = degs[1].reshape(n_pad, 1)

    xprime = _tc_scale_x(x_pad, deg_out_col, n_pad)
    s1 = _sc_spmm_split(xprime, src2d, dst2d, zeros2d, n_pad)
    h0, y0, logits = _tc_mid(s1, deg_in_col, deg_out_col, W0, lin_W, n_pad)
    s2 = _sc_spmm_dual(y0, logits, src2d, dst2d, zeros2d, n_pad)
    out = _tc_final(s2, h0, logits, deg_in_col, W1, lin_W,
                    tau1.reshape(1, 1), tau2.reshape(1, 1), n_pad)
    return out[:n]

# --- scband reference (transcript-rebuilt; emitter-appended) ---
"""Pipeline reference for scband-ala-gcn-89859305766915 (READ-ONLY COPY).

The authoritative reference and input builder live on the scoring server;
editing this copy changes nothing except your own understanding.
"""

import jax, jax.numpy as jnp
import numpy as np

N = 10000
E = 320000
D = 128
H = 128
OUT = 128


def setup_inputs(seed: int = 0):
    key = jax.random.key(seed)
    ks = jax.random.split(key, 8)
    x = jax.random.normal(ks[0], (N, D), dtype=jnp.float32)
    edge_index = jax.random.randint(ks[1], (2, E), 0, N, dtype=jnp.int32)
    W0 = jax.random.normal(ks[2], (D, H), dtype=jnp.float32) / np.sqrt(D)
    W1 = jax.random.normal(ks[3], (H, H), dtype=jnp.float32) / np.sqrt(H)
    lin_W = jax.random.normal(ks[4], (H, OUT), dtype=jnp.float32) / np.sqrt(H)
    init_weight_y = jax.random.normal(ks[5], (D, OUT), dtype=jnp.float32) / np.sqrt(D)
    tau1 = jnp.array(0.5, dtype=jnp.float32)
    tau2 = jnp.array(0.5, dtype=jnp.float32)
    return {"x": x, "edge_index": edge_index, "W0": W0, "W1": W1,
            "lin_W": lin_W, "init_weight_y": init_weight_y,
            "tau1": tau1, "tau2": tau2}


def reference(x, edge_index, W0, W1, lin_W, init_weight_y, tau1, tau2):
    # graph g is represented as edge_index[2, E] (src row 0, dst row 1)
    src = edge_index[0]
    dst = edge_index[1]
    deg_in = jnp.maximum(jnp.zeros((N,), jnp.float32).at[dst].add(1.0), 1.0)
    deg_out = jnp.maximum(jnp.zeros((N,), jnp.float32).at[src].add(1.0), 1.0)
    norm_s = (deg_out ** -0.5)[:, None]
    norm_d = (deg_in ** -0.5)[:, None]

    # ---- lidx 0: computed logits are immediately overwritten (dead in torch code) ----
    logits0 = jax.nn.softmax(x @ init_weight_y, axis=1)
    del logits0
    # GraphConv, norm='both': h = D_in^-1/2 A D_out^-1/2 x W0
    h = x * norm_s
    h = jax.ops.segment_sum(h[src], dst, num_segments=N)
    h = (h * norm_d) @ W0

    # ---- lidx 1: GatedLayer ----
    old_z = jnp.ones((1, 1), dtype=x.dtype)
    logits = jax.nn.softmax(h @ lin_W, axis=1)
    agg = jax.ops.segment_sum((h * norm_s)[src], dst, num_segments=N) * norm_d
    neigh = jax.ops.segment_sum(logits[src], dst, num_segments=N) / deg_in[:, None]
    score = jnp.sum(logits * neigh, axis=1, keepdims=True)
    z = jax.nn.sigmoid(tau1 * score + tau2 * old_z)  # shared (global) taus
    h = z * agg + (1.0 - z) * h
    h = h @ W1
    # dropout: eval mode -> identity

    out = h @ lin_W
    return out


if False:  # reference __main__ guard neutralized (emitter)
    inp = setup_inputs()
    o = reference(**inp)
    print(o.shape, o.dtype)

if __name__ == "__main__":
    import jax
    _d = setup_inputs()
    print(jax.jit(kernel)(*tuple(_d.values())))

</pallas_src>

<mosaic_0001>
#map = affine_map<(d0, d1) -> (0, 0)>
#map1 = affine_map<(d0, d1) -> (0, 0, 0)>
module attributes {stable_mosaic.version = 14 : i64} {
  func.func @k(%arg0: i32, %arg1: i32, %arg2: memref<10240x128xf32, #tpu.memory_space<hbm>>, %arg3: memref<10240x128xf32, #tpu.memory_space<hbm>>, %arg4: memref<2560x128xi32, #tpu.memory_space<hbm>>, %arg5: memref<2560x128xi32, #tpu.memory_space<hbm>>, %arg6: memref<10240x128xf32, #tpu.memory_space<hbm>>, %arg7: memref<2x10240x128xf32, #tpu.memory_space<hbm>>, %arg8: memref<40x128xi32, #tpu.memory_space<vmem>>, %arg9: memref<40x128xi32, #tpu.memory_space<vmem>>, %arg10: memref<2x128x128xf32, #tpu.memory_space<vmem>>, %arg11: memref<!tpu.dma_semaphore, #tpu.memory_space<semaphore_mem>>, %arg12: memref<!tpu.dma_semaphore, #tpu.memory_space<semaphore_mem>>, %arg13: memref<10240x128xf32, #tpu.memory_space<vmem_shared>>) attributes {dimension_semantics = [#tpu.dimension_semantics<core_parallel>, #tpu.dimension_semantics<subcore_parallel>], iteration_bounds = array<i64: 2, 16>, scalar_prefetch = 0 : i64, scratch_operands = 6 : i64, tpu.core_type = #tpu.core_type<sc_vector_subcore>, window_params = [{transform_indices = #map}, {transform_indices = #map}, {transform_indices = #map}, {transform_indices = #map}, {transform_indices = #map}, {transform_indices = #map1}]} {
    %mul3A = arith.constant 640 : i32
    %mul3A_0 = arith.muli %arg1, %mul3A : i32
    %mul3A_1 = arith.constant 640 : i32
    %mul3A_2 = arith.muli %arg1, %mul3A_1 : i32
    "tpu.region"() ({
      %run_scoped3A = tpu.sem_alloc : memref<!tpu.dma_semaphore, #tpu.memory_space<semaphore_mem>>
      %dma_start3A = arith.constant 0 : i32
      %dma_start3A_15 = tpu.memref_slice %arg13[%mul3A_2, %dma_start3A] : memref<10240x128xf32, #tpu.memory_space<vmem_shared>> -> memref<640x128xf32, #tpu.memory_space<vmem_shared>>
      %dma_start3A_16 = arith.constant 0 : i32
      %dma_start3A_17 = tpu.memref_slice %arg6[%mul3A_0, %dma_start3A_16] : memref<10240x128xf32, #tpu.memory_space<hbm>> -> memref<640x128xf32, #tpu.memory_space<hbm>>
      tpu.enqueue_dma source(%dma_start3A_17 : memref<640x128xf32, #tpu.memory_space<hbm>>) target(%dma_start3A_15 : memref<640x128xf32, #tpu.memory_space<vmem_shared>>) target_semaphore(%run_scoped3A : memref<!tpu.dma_semaphore, #tpu.memory_space<semaphore_mem>>)
      %dma_wait3A = arith.constant 0 : i32
      %dma_wait3A_18 = tpu.memref_slice %arg13[%mul3A_2, %dma_wait3A] : memref<10240x128xf32, #tpu.memory_space<vmem_shared>> -> memref<640x128xf32, #tpu.memory_space<vmem_shared>>
      %dma_wait3A_19 = arith.constant 0 : i32
      %dma_wait3A_20 = tpu.memref_slice %arg6[%mul3A_0, %dma_wait3A_19] : memref<10240x128xf32, #tpu.memory_space<hbm>> -> memref<640x128xf32, #tpu.memory_space<hbm>>
      tpu.wait_dma2 semaphore(%run_scoped3A : memref<!tpu.dma_semaphore, #tpu.memory_space<semaphore_mem>>) src(%dma_wait3A_20 : memref<640x128xf32, #tpu.memory_space<hbm>>) dst(%dma_wait3A_18 : memref<640x128xf32, #tpu.memory_space<vmem_shared>>)
      tpu.yield
    }) : () -> ()
    %barrier3A = arith.constant 0 : index
    tpu.barrier barrier_id(%barrier3A)
    %eq3A = arith.constant 0 : i32
    %eq3A_3 = arith.cmpi eq, %arg0, %eq3A : i32
    %convert_element_type3A = arith.extui %eq3A_3 : i1 to i32
    %cond3A = arith.constant 0 : i32
    %cond3A_4 = arith.cmpi ne, %convert_element_type3A, %cond3A : i32
    scf.if %cond3A_4 {
      %mul3A_15 = arith.constant 160 : i32
      %mul3A_16 = arith.muli %arg1, %mul3A_15 : i32
      %scan3A = arith.constant 0 : i32
      %scan3A_17 = arith.constant 0 : i32
      %scan3A_18 = arith.constant 4 : i32
      %scan3A_19 = arith.addi %scan3A_17, %scan3A_18 : i32
      %scan3A_20 = arith.constant 1 : i32
      scf.for %scan3A_22 = %scan3A_17 to %scan3A_19 step %scan3A_20  : i32 {
        %mul3A_23 = arith.constant 40 : i32
        %mul3A_24 = arith.muli %scan3A_22, %mul3A_23 : i32
        %add3A = arith.addi %mul3A_16, %mul3A_24 : i32
        "tpu.region"() ({
          %run_scoped3A_82 = tpu.sem_alloc : memref<!tpu.dma_semaphore, #tpu.memory_space<semaphore_mem>>
          %dma_start3A_83 = arith.constant 0 : i32
          %dma_start3A_84 = tpu.memref_slice %arg4[%add3A, %dma_start3A_83] : memref<2560x128xi32, #tpu.memory_space<hbm>> -> memref<40x128xi32, #tpu.memory_space<hbm>>
          %dma_start3A_85 = arith.constant 0 : i32
          %dma_start3A_86 = tpu.memref_slice %arg4[%add3A, %dma_start3A_85] : memref<2560x128xi32, #tpu.memory_space<hbm>> -> memref<40x128xi32, #tpu.memory_space<hbm>>
          tpu.enqueue_dma source(%dma_start3A_86 : memref<40x128xi32, #tpu.memory_space<hbm>>) target(%arg8 : memref<40x128xi32, #tpu.memory_space<vmem>>) target_semaphore(%run_scoped3A_82 : memref<!tpu.dma_semaphore, #tpu.memory_space<semaphore_mem>>)
          %dma_wait3A_87 = arith.constant 0 : i32
          %dma_wait3A_88 = tpu.memref_slice %arg4[%add3A, %dma_wait3A_87] : memref<2560x128xi32, #tpu.memory_space<hbm>> -> memref<40x128xi32, #tpu.memory_space<hbm>>
          %dma_wait3A_89 = arith.constant 0 : i32
          %dma_wait3A_90 = tpu.memref_slice %arg4[%add3A, %dma_wait3A_89] : memref<2560x128xi32, #tpu.memory_space<hbm>> -> memref<40x128xi32, #tpu.memory_space<hbm>>
          tpu.wait_dma2 semaphore(%run_scoped3A_82 : memref<!tpu.dma_semaphore, #tpu.memory_space<semaphore_mem>>) src(%dma_wait3A_90 : memref<40x128xi32, #tpu.memory_space<hbm>>) dst(%arg8 : memref<40x128xi32, #tpu.memory_space<vmem>>)
          tpu.yield
        }) : () -> ()
        "tpu.region"() ({
          %run_scoped3A_82 = tpu.sem_alloc : memref<!tpu.dma_semaphore, #tpu.memory_space<semaphore_mem>>
          %dma_start3A_83 = arith.constant 0 : i32
          %dma_start3A_84 = tpu.memref_slice %arg5[%add3A, %dma_start3A_83] : memref<2560x128xi32, #tpu.memory_space<hbm>> -> memref<40x128xi32, #tpu.memory_space<hbm>>
          %dma_start3A_85 = arith.constant 0 : i32
          %dma_start3A_86 = tpu.memref_slice %arg5[%add3A, %dma_start3A_85] : memref<2560x128xi32, #tpu.memory_space<hbm>> -> memref<40x128xi32, #tpu.memory_space<hbm>>
          tpu.enqueue_dma source(%dma_start3A_86 : memref<40x128xi32, #tpu.memory_space<hbm>>) target(%arg9 : memref<40x128xi32, #tpu.memory_space<vmem>>) target_semaphore(%run_scoped3A_82 : memref<!tpu.dma_semaphore, #tpu.memory_space<semaphore_mem>>)
          %dma_wait3A_87 = arith.constant 0 : i32
          %dma_wait3A_88 = tpu.memref_slice %arg5[%add3A, %dma_wait3A_87] : memref<2560x128xi32, #tpu.memory_space<hbm>> -> memref<40x128xi32, #tpu.memory_space<hbm>>
          %dma_wait3A_89 = arith.constant 0 : i32
          %dma_wait3A_90 = tpu.memref_slice %arg5[%add3A, %dma_wait3A_89] : memref<2560x128xi32, #tpu.memory_space<hbm>> -> memref<40x128xi32, #tpu.memory_space<hbm>>
          tpu.wait_dma2 semaphore(%run_scoped3A_82 : memref<!tpu.dma_semaphore, #tpu.memory_space<semaphore_mem>>) src(%dma_wait3A_90 : memref<40x128xi32, #tpu.memory_space<hbm>>) dst(%arg9 : memref<40x128xi32, #tpu.memory_space<vmem>>)
          tpu.yield
        }) : () -> ()
        %dma_start3A = arith.constant 0 : i32
        %dma_start3A_25 = arith.constant 0 : i32
        %dma_start3A_26 = arith.constant 0 : i32
        %dma_start3A_27 = arith.constant 0 : i32
        %dma_start3A_28 = tpu.memref_slice %arg10[%dma_start3A_25, %dma_start3A_26, %dma_start3A_27] : memref<2x128x128xf32, #tpu.memory_space<vmem>> -> memref<1x128x128xf32, #tpu.memory_space<vmem>>
        %dma_start3A_29 = tpu.memref_squeeze %dma_start3A_28 : memref<1x128x128xf32, #tpu.memory_space<vmem>> -> memref<128x128xf32, #tpu.memory_space<vmem>>
        %dma_start3A_30 = arith.constant 0 : i32
        %dma_start3A_31 = tpu.memref_slice %arg8[%dma_start3A, %dma_start3A_30] : memref<40x128xi32, #tpu.memory_space<vmem>> -> memref<1x128xi32, #tpu.memory_space<vmem>>
        %dma_start3A_32 = tpu.memref_squeeze %dma_start3A_31 : memref<1x128xi32, #tpu.memory_space<vmem>> -> memref<128xi32, #tpu.memory_space<vmem>>
        %dma_start3A_33 = arith.constant 0 : i32
        %dma_start3A_34 = arith.constant 0 : i32
        %dma_start3A_35 = tpu.memref_slice %arg2[%dma_start3A_33, %dma_start3A_34] : memref<10240x128xf32, #tpu.memory_space<hbm>> -> memref<10240x128xf32, #tpu.memory_space<hbm>>
        tpu.enqueue_indirect_dma source(%dma_start3A_35 : memref<10240x128xf32, #tpu.memory_space<hbm>>) target(%dma_start3A_29 : memref<128x128xf32, #tpu.memory_space<vmem>>) offsets(%dma_start3A_32 : memref<128xi32, #tpu.memory_space<vmem>>) semaphore(%arg11 : memref<!tpu.dma_semaphore, #tpu.memory_space<semaphore_mem>>)
        %scan3A_36 = arith.constant 0 : i32
        %scan3A_37 = arith.constant 1 : i32
        %scan3A_38 = arith.constant 0 : i32
        %scan3A_39 = arith.constant 0 : i32
        %scan3A_40 = arith.constant 19 : i32
        %scan3A_41 = arith.addi %scan3A_39, %scan3A_40 : i32
        %scan3A_42 = arith.constant 1 : i32
        scf.for %scan3A_82 = %scan3A_39 to %scan3A_41 step %scan3A_42  : i32 {
          %mul3A_83 = arith.constant 2 : i32
          %mul3A_84 = arith.muli %mul3A_83, %scan3A_82 : i32
          %add3A_85 = arith.constant 1 : i32
          %add3A_86 = arith.addi %mul3A_84, %add3A_85 : i32
          %dma_start3A_87 = arith.constant 0 : i32
          %dma_start3A_88 = arith.constant 0 : i32
          %dma_start3A_89 = tpu.memref_slice %arg10[%scan3A_37, %dma_start3A_87, %dma_start3A_88] : memref<2x128x128xf32, #tpu.memory_space<vmem>> -> memref<1x128x128xf32, #tpu.memory_space<vmem>>
          %dma_start3A_90 = tpu.memref_squeeze %dma_start3A_89 : memref<1x128x128xf32, #tpu.memory_space<vmem>> -> memref<128x128xf32, #tpu.memory_space<vmem>>
          %dma_start3A_91 = arith.constant 0 : i32
          %dma_start3A_92 = tpu.memref_slice %arg8[%add3A_86, %dma_start3A_91] : memref<40x128xi32, #tpu.memory_space<vmem>> -> memref<1x128xi32, #tpu.memory_space<vmem>>
          %dma_start3A_93 = tpu.memref_squeeze %dma_start3A_92 : memref<1x128xi32, #tpu.memory_space<vmem>> -> memref<128xi32, #tpu.memory_space<vmem>>
          %dma_start3A_94 = arith.constant 0 : i32
          %dma_start3A_95 = arith.constant 0 : i32
          %dma_start3A_96 = tpu.memref_slice %arg2[%dma_start3A_94, %dma_start3A_95] : memref<10240x128xf32, #tpu.memory_space<hbm>> -> memref<10240x128xf32, #tpu.memory_space<hbm>>
          tpu.enqueue_indirect_dma source(%dma_start3A_96 : memref<10240x128xf32, #tpu.memory_space<hbm>>) target(%dma_start3A_90 : memref<128x128xf32, #tpu.memory_space<vmem>>) offsets(%dma_start3A_93 : memref<128xi32, #tpu.memory_space<vmem>>) semaphore(%arg12 : memref<!tpu.dma_semaphore, #tpu.memory_space<semaphore_mem>>)
          %dma_wait3A_97 = arith.constant 0 : i32
          %dma_wait3A_98 = arith.constant 0 : i32
          %dma_wait3A_99 = tpu.memref_slice %arg10[%scan3A_38, %dma_wait3A_97, %dma_wait3A_98] : memref<2x128x128xf32, #tpu.memory_space<vmem>> -> memref<1x128x128xf32, #tpu.memory_space<vmem>>
          %dma_wait3A_100 = tpu.memref_squeeze %dma_wait3A_99 : memref<1x128x128xf32, #tpu.memory_space<vmem>> -> memref<128x128xf32, #tpu.memory_space<vmem>>
          %dma_wait3A_101 = arith.constant 0 : i32
          %dma_wait3A_102 = tpu.memref_slice %arg8[%mul3A_84, %dma_wait3A_101] : memref<40x128xi32, #tpu.memory_space<vmem>> -> memref<1x128xi32, #tpu.memory_space<vmem>>
          %dma_wait3A_103 = tpu.memref_squeeze %dma_wait3A_102 : memref<1x128xi32, #tpu.memory_space<vmem>> -> memref<128xi32, #tpu.memory_space<vmem>>
          %dma_wait3A_104 = arith.constant 0 : i32
          %dma_wait3A_105 = arith.constant 0 : i32
          %dma_wait3A_106 = tpu.memref_slice %arg2[%dma_wait3A_104, %dma_wait3A_105] : memref<10240x128xf32, #tpu.memory_space<hbm>> -> memref<10240x128xf32, #tpu.memory_space<hbm>>
          tpu.wait_indirect_dma semaphore(%arg11 : memref<!tpu.dma_semaphore, #tpu.memory_space<semaphore_mem>>) src(%dma_wait3A_106 : memref<10240x128xf32, #tpu.memory_space<hbm>>) dst(%dma_wait3A_100 : memref<128x128xf32, #tpu.memory_space<vmem>>)
          "tpu.region"() ({
            %run_scoped3A_133 = tpu.sem_alloc : memref<!tpu.dma_semaphore, #tpu.memory_space<semaphore_mem>>
            %dma_start3A_134 = arith.constant 0 : i32
            %dma_start3A_135 = arith.constant 0 : i32
            %dma_start3A_136 = tpu.memref_slice %arg10[%scan3A_38, %dma_start3A_134, %dma_start3A_135] : memref<2x128x128xf32, #tpu.memory_space<vmem>> -> memref<1x128x128xf32, #tpu.memory_space<vmem>>
            %dma_start3A_137 = tpu.memref_squeeze %dma_start3A_136 : memref<1x128x128xf32, #tpu.memory_space<vmem>> -> memref<128x128xf32, #tpu.memory_space<vmem>>
            %dma_start3A_138 = arith.constant 0 : i32
            %dma_start3A_139 = tpu.memref_slice %arg9[%mul3A_84, %dma_start3A_138] : memref<40x128xi32, #tpu.memory_space<vmem>> -> memref<1x128xi32, #tpu.memory_space<vmem>>
            %dma_start3A_140 = tpu.memref_squeeze %dma_start3A_139 : memref<1x128xi32, #tpu.memory_space<vmem>> -> memref<128xi32, #tpu.memory_space<vmem>>
            %dma_start3A_141 = arith.constant 0 : i32
            %dma_start3A_142 = arith.constant 0 : i32
            %dma_start3A_143 = tpu.memref_slice %arg13[%dma_start3A_141, %dma_start3A_142] : memref<10240x128xf32, #tpu.memory_space<vmem_shared>> -> memref<10240x128xf32, #tpu.memory_space<vmem_shared>>
            tpu.enqueue_indirect_dma source(%dma_start3A_137 : memref<128x128xf32, #tpu.memory_space<vmem>>) target(%dma_start3A_143 : memref<10240x128xf32, #tpu.memory_space<vmem_shared>>) offsets(%dma_start3A_140 : memref<128xi32, #tpu.memory_space<vmem>>) semaphore(%run_scoped3A_133 : memref<!tpu.dma_semaphore, #tpu.memory_space<semaphore_mem>>) {add = true}
            %dma_wait3A_144 = arith.constant 0 : i32
            %dma_wait3A_145 = arith.constant 0 : i32
            %dma_wait3A_146 = tpu.memref_slice %arg10[%scan3A_38, %dma_wait3A_144, %dma_wait3A_145] : memref<2x128x128xf32, #tpu.memory_space<vmem>> -> memref<1x128x128xf32, #tpu.memory_space<vmem>>
            %dma_wait3A_147 = tpu.memref_squeeze %dma_wait3A_146 : memref<1x128x128xf32, #tpu.memory_space<vmem>> -> memref<128x128xf32, #tpu.memory_space<vmem>>
            %dma_wait3A_148 = arith.constant 0 : i32
            %dma_wait3A_149 = tpu.memref_slice %arg9[%mul3A_84, %dma_wait3A_148] : memref<40x128xi32, #tpu.memory_space<vmem>> -> memref<1x128xi32, #tpu.memory_space<vmem>>
            %dma_wait3A_150 = tpu.memref_squeeze %dma_wait3A_149 : memref<1x128xi32, #tpu.memory_space<vmem>> -> memref<128xi32, #tpu.memory_space<vmem>>
            %dma_wait3A_151 = arith.constant 0 : i32
            %dma_wait3A_152 = arith.constant 0 : i32
            %dma_wait3A_153 = tpu.memref_slice %arg13[%dma_wait3A_151, %dma_wait3A_152] : memref<10240x128xf32, #tpu.memory_space<vmem_shared>> -> memref<10240x128xf32, #tpu.memory_space<vmem_shared>>
            tpu.wait_indirect_dma semaphore(%run_scoped3A_133 : memref<!tpu.dma_semaphore, #tpu.memory_space<semaphore_mem>>) src(%dma_wait3A_147 : memref<128x128xf32, #tpu.memory_space<vmem>>) dst(%dma_wait3A_153 : memref<10240x128xf32, #tpu.memory_space<vmem_shared>>)
            tpu.yield
          }) : () -> ()
          %add3A_107 = arith.constant 2 : i32
          %add3A_108 = arith.addi %mul3A_84, %add3A_107 : i32
          %dma_start3A_109 = arith.constant 0 : i32
          %dma_start3A_110 = arith.constant 0 : i32
          %dma_start3A_111 = tpu.memref_slice %arg10[%scan3A_38, %dma_start3A_109, %dma_start3A_110] : memref<2x128x128xf32, #tpu.memory_space<vmem>> -> memref<1x128x128xf32, #tpu.memory_space<vmem>>
          %dma_start3A_112 = tpu.memref_squeeze %dma_start3A_111 : memref<1x128x128xf32, #tpu.memory_space<vmem>> -> memref<128x128xf32, #tpu.memory_space<vmem>>
          %dma_start3A_113 = arith.constant 0 : i32
          %dma_start3A_114 = tpu.memref_slice %arg8[%add3A_108, %dma_start3A_113] : memref<40x128xi32, #tpu.memory_space<vmem>> -> memref<1x128xi32, #tpu.memory_space<vmem>>
          %dma_start3A_115 = tpu.memref_squeeze %dma_start3A_114 : memref<1x128xi32, #tpu.memory_space<vmem>> -> memref<128xi32, #tpu.memory_space<vmem>>
          %dma_start3A_116 = arith.constant 0 : i32
          %dma_start3A_117 = arith.constant 0 : i32
          %dma_start3A_118 = tpu.memref_slice %arg2[%dma_start3A_116, %dma_start3A_117] : memref<10240x128xf32, #tpu.memory_space<hbm>> -> memref<10240x128xf32, #tpu.memory_space<hbm>>
          tpu.enqueue_indirect_dma source(%dma_start3A_118 : memref<10240x128xf32, #tpu.memory_space<hbm>>) target(%dma_start3A_112 : memref<128x128xf32, #tpu.memory_space<vmem>>) offsets(%dma_start3A_115 : memref<128xi32, #tpu.memory_space<vmem>>) semaphore(%arg11 : memref<!tpu.dma_semaphore, #tpu.memory_space<semaphore_mem>>)
          %add3A_119 = arith.constant 1 : i32
          %add3A_120 = arith.addi %mul3A_84, %add3A_119 : i32
          %dma_wait3A_121 = arith.constant 0 : i32
          %dma_wait3A_122 = arith.constant 0 : i32
          %dma_wait3A_123 = tpu.memref_slice %arg10[%scan3A_37, %dma_wait3A_121, %dma_wait3A_122] : memref<2x128x128xf32, #tpu.memory_space<vmem>> -> memref<1x128x128xf32, #tpu.memory_space<vmem>>
          %dma_wait3A_124 = tpu.memref_squeeze %dma_wait3A_123 : memref<1x128x128xf32, #tpu.memory_space<vmem>> -> memref<128x128xf32, #tpu.memory_space<vmem>>
          %dma_wait3A_125 = arith.constant 0 : i32
          %dma_wait3A_126 = tpu.memref_slice %arg8[%add3A_120, %dma_wait3A_125] : memref<40x128xi32, #tpu.memory_space<vmem>> -> memref<1x128xi32, #tpu.memory_space<vmem>>
          %dma_wait3A_127 = tpu.memref_squeeze %dma_wait3A_126 : memref<1x128xi32, #tpu.memory_space<vmem>> -> memref<128xi32, #tpu.memory_space<vmem>>
          %dma_wait3A_128 = arith.constant 0 : i32
          %dma_wait3A_129 = arith.constant 0 : i32
          %dma_wait3A_130 = tpu.memref_slice %arg2[%dma_wait3A_128, %dma_wait3A_129] : memref<10240x128xf32, #tpu.memory_space<hbm>> -> memref<10240x128xf32, #tpu.memory_space<hbm>>
          tpu.wait_indirect_dma semaphore(%arg12 : memref<!tpu.dma_semaphore, #tpu.memory_space<semaphore_mem>>) src(%dma_wait3A_130 : memref<10240x128xf32, #tpu.memory_space<hbm>>) dst(%dma_wait3A_124 : memref<128x128xf32, #tpu.memory_space<vmem>>)
          %add3A_131 = arith.constant 1 : i32
          %add3A_132 = arith.addi %mul3A_84, %add3A_131 : i32
          "tpu.region"() ({
            %run_scoped3A_133 = tpu.sem_alloc : memref<!tpu.dma_semaphore, #tpu.memory_space<semaphore_mem>>
            %dma_start3A_134 = arith.constant 0 : i32
            %dma_start3A_135 = arith.constant 0 : i32
            %dma_start3A_136 = tpu.memref_slice %arg10[%scan3A_37, %dma_start3A_134, %dma_start3A_135] : memref<2x128x128xf32, #tpu.memory_space<vmem>> -> memref<1x128x128xf32, #tpu.memory_space<vmem>>
            %dma_start3A_137 = tpu.memref_squeeze %dma_start3A_136 : memref<1x128x128xf32, #tpu.memory_space<vmem>> -> memref<128x128xf32, #tpu.memory_space<vmem>>
            %dma_start3A_138 = arith.constant 0 : i32
            %dma_start3A_139 = tpu.memref_slice %arg9[%add3A_132, %dma_start3A_138] : memref<40x128xi32, #tpu.memory_space<vmem>> -> memref<1x128xi32, #tpu.memory_space<vmem>>
            %dma_start3A_140 = tpu.memref_squeeze %dma_start3A_139 : memref<1x128xi32, #tpu.memory_space<vmem>> -> memref<128xi32, #tpu.memory_space<vmem>>
            %dma_start3A_141 = arith.constant 0 : i32
            %dma_start3A_142 = arith.constant 0 : i32
            %dma_start3A_143 = tpu.memref_slice %arg13[%dma_start3A_141, %dma_start3A_142] : memref<10240x128xf32, #tpu.memory_space<vmem_shared>> -> memref<10240x128xf32, #tpu.memory_space<vmem_shared>>
            tpu.enqueue_indirect_dma source(%dma_start3A_137 : memref<128x128xf32, #tpu.memory_space<vmem>>) target(%dma_start3A_143 : memref<10240x128xf32, #tpu.memory_space<vmem_shared>>) offsets(%dma_start3A_140 : memref<128xi32, #tpu.memory_space<vmem>>) semaphore(%run_scoped3A_133 : memref<!tpu.dma_semaphore, #tpu.memory_space<semaphore_mem>>) {add = true}
            %dma_wait3A_144 = arith.constant 0 : i32
            %dma_wait3A_145 = arith.constant 0 : i32
            %dma_wait3A_146 = tpu.memref_slice %arg10[%scan3A_37, %dma_wait3A_144, %dma_wait3A_145] : memref<2x128x128xf32, #tpu.memory_space<vmem>> -> memref<1x128x128xf32, #tpu.memory_space<vmem>>
            %dma_wait3A_147 = tpu.memref_squeeze %dma_wait3A_146 : memref<1x128x128xf32, #tpu.memory_space<vmem>> -> memref<128x128xf32, #tpu.memory_space<vmem>>
            %dma_wait3A_148 = arith.constant 0 : i32
            %dma_wait3A_149 = tpu.memref_slice %arg9[%add3A_132, %dma_wait3A_148] : memref<40x128xi32, #tpu.memory_space<vmem>> -> memref<1x128xi32, #tpu.memory_space<vmem>>
            %dma_wait3A_150 = tpu.memref_squeeze %dma_wait3A_149 : memref<1x128xi32, #tpu.memory_space<vmem>> -> memref<128xi32, #tpu.memory_space<vmem>>
            %dma_wait3A_151 = arith.constant 0 : i32
            %dma_wait3A_152 = arith.constant 0 : i32
            %dma_wait3A_153 = tpu.memref_slice %arg13[%dma_wait3A_151, %dma_wait3A_152] : memref<10240x128xf32, #tpu.memory_space<vmem_shared>> -> memref<10240x128xf32, #tpu.memory_space<vmem_shared>>
            tpu.wait_indirect_dma semaphore(%run_scoped3A_133 : memref<!tpu.dma_semaphore, #tpu.memory_space<semaphore_mem>>) src(%dma_wait3A_147 : memref<128x128xf32, #tpu.memory_space<vmem>>) dst(%dma_wait3A_153 : memref<10240x128xf32, #tpu.memory_space<vmem_shared>>)
            tpu.yield
          }) : () -> ()
        }
        %scan3A_43 = arith.constant 19 : i32
        %dma_start3A_44 = arith.constant 39 : i32
        %dma_start3A_45 = arith.constant 1 : i32
        %dma_start3A_46 = arith.constant 0 : i32
        %dma_start3A_47 = arith.constant 0 : i32
        %dma_start3A_48 = tpu.memref_slice %arg10[%dma_start3A_45, %dma_start3A_46, %dma_start3A_47] : memref<2x128x128xf32, #tpu.memory_space<vmem>> -> memref<1x128x128xf32, #tpu.memory_space<vmem>>
        %dma_start3A_49 = tpu.memref_squeeze %dma_start3A_48 : memref<1x128x128xf32, #tpu.memory_space<vmem>> -> memref<128x128xf32, #tpu.memory_space<vmem>>
        %dma_start3A_50 = arith.constant 0 : i32
        %dma_start3A_51 = tpu.memref_slice %arg8[%dma_start3A_44, %dma_start3A_50] : memref<40x128xi32, #tpu.memory_space<vmem>> -> memref<1x128xi32, #tpu.memory_space<vmem>>
        %dma_start3A_52 = tpu.memref_squeeze %dma_start3A_51 : memref<1x128xi32, #tpu.memory_space<vmem>> -> memref<128xi32, #tpu.memory_space<vmem>>
        %dma_start3A_53 = arith.constant 0 : i32
        %dma_start3A_54 = arith.constant 0 : i32
        %dma_start3A_55 = tpu.memref_slice %arg2[%dma_start3A_53, %dma_start3A_54] : memref<10240x128xf32, #tpu.memory_space<hbm>> -> memref<10240x128xf32, #tpu.memory_space<hbm>>
        tpu.enqueue_indirect_dma source(%dma_start3A_55 : memref<10240x128xf32, #tpu.memory_space<hbm>>) target(%dma_start3A_49 : memref<128x128xf32, #tpu.memory_space<vmem>>) offsets(%dma_start3A_52 : memref<128xi32, #tpu.memory_space<vmem>>) semaphore(%arg12 : memref<!tpu.dma_semaphore, #tpu.memory_space<semaphore_mem>>)
        %dma_wait3A = arith.constant 38 : i32
        %dma_wait3A_56 = arith.constant 0 : i32
        %dma_wait3A_57 = arith.constant 0 : i32
        %dma_wait3A_58 = arith.constant 0 : i32
        %dma_wait3A_59 = tpu.memref_slice %arg10[%dma_wait3A_56, %dma_wait3A_57, %dma_wait3A_58] : memref<2x128x128xf32, #tpu.memory_space<vmem>> -> memref<1x128x128xf32, #tpu.memory_space<vmem>>
        %dma_wait3A_60 = tpu.memref_squeeze %dma_wait3A_59 : memref<1x128x128xf32, #tpu.memory_space<vmem>> -> memref<128x128xf32, #tpu.memory_space<vmem>>
        %dma_wait3A_61 = arith.constant 0 : i32
        %dma_wait3A_62 = tpu.memref_slice %arg8[%dma_wait3A, %dma_wait3A_61] : memref<40x128xi32, #tpu.memory_space<vmem>> -> memref<1x128xi32, #tpu.memory_space<vmem>>
        %dma_wait3A_63 = tpu.memref_squeeze %dma_wait3A_62 : memref<1x128xi32, #tpu.memory_space<vmem>> -> memref<128xi32, #tpu.memory_space<vmem>>
        %dma_wait3A_64 = arith.constant 0 : i32
        %dma_wait3A_65 = arith.constant 0 : i32
        %dma_wait3A_66 = tpu.memref_slice %arg2[%dma_wait3A_64, %dma_wait3A_65] : memref<10240x128xf32, #tpu.memory_space<hbm>> -> memref<10240x128xf32, #tpu.memory_space<hbm>>
        tpu.wait_indirect_dma semaphore(%arg11 : memref<!tpu.dma_semaphore, #tpu.memory_space<semaphore_mem>>) src(%dma_wait3A_66 : memref<10240x128xf32, #tpu.memory_space<hbm>>) dst(%dma_wait3A_60 : memref<128x128xf32, #tpu.memory_space<vmem>>)
        %run_scoped3A = arith.constant 0 : i32
        %run_scoped3A_67 = arith.constant 38 : i32
        "tpu.region"() ({
          %run_scoped3A_82 = tpu.sem_alloc : memref<!tpu.dma_semaphore, #tpu.memory_space<semaphore_mem>>
          %dma_start3A_83 = arith.constant 0 : i32
          %dma_start3A_84 = arith.constant 0 : i32
          %dma_start3A_85 = tpu.memref_slice %arg10[%run_scoped3A, %dma_start3A_83, %dma_start3A_84] : memref<2x128x128xf32, #tpu.memory_space<vmem>> -> memref<1x128x128xf32, #tpu.memory_space<vmem>>
          %dma_start3A_86 = tpu.memref_squeeze %dma_start3A_85 : memref<1x128x128xf32, #tpu.memory_space<vmem>> -> memref<128x128xf32, #tpu.memory_space<vmem>>
          %dma_start3A_87 = arith.constant 0 : i32
          %dma_start3A_88 = tpu.memref_slice %arg9[%run_scoped3A_67, %dma_start3A_87] : memref<40x128xi32, #tpu.memory_space<vmem>> -> memref<1x128xi32, #tpu.memory_space<vmem>>
          %dma_start3A_89 = tpu.memref_squeeze %dma_start3A_88 : memref<1x128xi32, #tpu.memory_space<vmem>> -> memref<128xi32, #tpu.memory_space<vmem>>
          %dma_start3A_90 = arith.constant 0 : i32
          %dma_start3A_91 = arith.constant 0 : i32
          %dma_start3A_92 = tpu.memref_slice %arg13[%dma_start3A_90, %dma_start3A_91] : memref<10240x128xf32, #tpu.memory_space<vmem_shared>> -> memref<10240x128xf32, #tpu.memory_space<vmem_shared>>
          tpu.enqueue_indirect_dma source(%dma_start3A_86 : memref<128x128xf32, #tpu.memory_space<vmem>>) target(%dma_start3A_92 : memref<10240x128xf32, #tpu.memory_space<vmem_shared>>) offsets(%dma_start3A_89 : memref<128xi32, #tpu.memory_space<vmem>>) semaphore(%run_scoped3A_82 : memref<!tpu.dma_semaphore, #tpu.memory_space<semaphore_mem>>) {add = true}
          %dma_wait3A_93 = arith.constant 0 : i32
          %dma_wait3A_94 = arith.constant 0 : i32
          %dma_wait3A_95 = tpu.memref_slice %arg10[%run_scoped3A, %dma_wait3A_93, %dma_wait3A_94] : memref<2x128x128xf32, #tpu.memory_space<vmem>> -> memref<1x128x128xf32, #tpu.memory_space<vmem>>
          %dma_wait3A_96 = tpu.memref_squeeze %dma_wait3A_95 : memref<1x128x128xf32, #tpu.memory_space<vmem>> -> memref<128x128xf32, #tpu.memory_space<vmem>>
          %dma_wait3A_97 = arith.constant 0 : i32
          %dma_wait3A_98 = tpu.memref_slice %arg9[%run_scoped3A_67, %dma_wait3A_97] : memref<40x128xi32, #tpu.memory_space<vmem>> -> memref<1x128xi32, #tpu.memory_space<vmem>>
          %dma_wait3A_99 = tpu.memref_squeeze %dma_wait3A_98 : memref<1x128xi32, #tpu.memory_space<vmem>> -> memref<128xi32, #tpu.memory_space<vmem>>
          %dma_wait3A_100 = arith.constant 0 : i32
          %dma_wait3A_101 = arith.constant 0 : i32
          %dma_wait3A_102 = tpu.memref_slice %arg13[%dma_wait3A_100, %dma_wait3A_101] : memref<10240x128xf32, #tpu.memory_space<vmem_shared>> -> memref<10240x128xf32, #tpu.memory_space<vmem_shared>>
          tpu.wait_indirect_dma semaphore(%run_scoped3A_82 : memref<!tpu.dma_semaphore, #tpu.memory_space<semaphore_mem>>) src(%dma_wait3A_96 : memref<128x128xf32, #tpu.memory_space<vmem>>) dst(%dma_wait3A_102 : memref<10240x128xf32, #tpu.memory_space<vmem_shared>>)
          tpu.yield
        }) : () -> ()
        %dma_wait3A_68 = arith.constant 39 : i32
        %dma_wait3A_69 = arith.constant 1 : i32
        %dma_wait3A_70 = arith.constant 0 : i32
        %dma_wait3A_71 = arith.constant 0 : i32
        %dma_wait3A_72 = tpu.memref_slice %arg10[%dma_wait3A_69, %dma_wait3A_70, %dma_wait3A_71] : memref<2x128x128xf32, #tpu.memory_space<vmem>> -> memref<1x128x128xf32, #tpu.memory_space<vmem>>
        %dma_wait3A_73 = tpu.memref_squeeze %dma_wait3A_72 : memref<1x128x128xf32, #tpu.memory_space<vmem>> -> memref<128x128xf32, #tpu.memory_space<vmem>>
        %dma_wait3A_74 = arith.constant 0 : i32
        %dma_wait3A_75 = tpu.memref_slice %arg8[%dma_wait3A_68, %dma_wait3A_74] : memref<40x128xi32, #tpu.memory_space<vmem>> -> memref<1x128xi32, #tpu.memory_space<vmem>>
        %dma_wait3A_76 = tpu.memref_squeeze %dma_wait3A_75 : memref<1x128xi32, #tpu.memory_space<vmem>> -> memref<128xi32, #tpu.memory_space<vmem>>
        %dma_wait3A_77 = arith.constant 0 : i32
        %dma_wait3A_78 = arith.constant 0 : i32
        %dma_wait3A_79 = tpu.memref_slice %arg2[%dma_wait3A_77, %dma_wait3A_78] : memref<10240x128xf32, #tpu.memory_space<hbm>> -> memref<10240x128xf32, #tpu.memory_space<hbm>>
        tpu.wait_indirect_dma semaphore(%arg12 : memref<!tpu.dma_semaphore, #tpu.memory_space<semaphore_mem>>) src(%dma_wait3A_79 : memref<10240x128xf32, #tpu.memory_space<hbm>>) dst(%dma_wait3A_73 : memref<128x128xf32, #tpu.memory_space<vmem>>)
        %run_scoped3A_80 = arith.constant 1 : i32
        %run_scoped3A_81 = arith.constant 39 : i32
        "tpu.region"() ({
          %run_scoped3A_82 = tpu.sem_alloc : memref<!tpu.dma_semaphore, #tpu.memory_space<semaphore_mem>>
          %dma_start3A_83 = arith.constant 0 : i32
          %dma_start3A_84 = arith.constant 0 : i32
          %dma_start3A_85 = tpu.memref_slice %arg10[%run_scoped3A_80, %dma_start3A_83, %dma_start3A_84] : memref<2x128x128xf32, #tpu.memory_space<vmem>> -> memref<1x128x128xf32, #tpu.memory_space<vmem>>
          %dma_start3A_86 = tpu.memref_squeeze %dma_start3A_85 : memref<1x128x128xf32, #tpu.memory_space<vmem>> -> memref<128x128xf32, #tpu.memory_space<vmem>>
          %dma_start3A_87 = arith.constant 0 : i32
          %dma_start3A_88 = tpu.memref_slice %arg9[%run_scoped3A_81, %dma_start3A_87] : memref<40x128xi32, #tpu.memory_space<vmem>> -> memref<1x128xi32, #tpu.memory_space<vmem>>
          %dma_start3A_89 = tpu.memref_squeeze %dma_start3A_88 : memref<1x128xi32, #tpu.memory_space<vmem>> -> memref<128xi32, #tpu.memory_space<vmem>>
          %dma_start3A_90 = arith.constant 0 : i32
          %dma_start3A_91 = arith.constant 0 : i32
          %dma_start3A_92 = tpu.memref_slice %arg13[%dma_start3A_90, %dma_start3A_91] : memref<10240x128xf32, #tpu.memory_space<vmem_shared>> -> memref<10240x128xf32, #tpu.memory_space<vmem_shared>>
          tpu.enqueue_indirect_dma source(%dma_start3A_86 : memref<128x128xf32, #tpu.memory_space<vmem>>) target(%dma_start3A_92 : memref<10240x128xf32, #tpu.memory_space<vmem_shared>>) offsets(%dma_start3A_89 : memref<128xi32, #tpu.memory_space<vmem>>) semaphore(%run_scoped3A_82 : memref<!tpu.dma_semaphore, #tpu.memory_space<semaphore_mem>>) {add = true}
          %dma_wait3A_93 = arith.constant 0 : i32
          %dma_wait3A_94 = arith.constant 0 : i32
          %dma_wait3A_95 = tpu.memref_slice %arg10[%run_scoped3A_80, %dma_wait3A_93, %dma_wait3A_94] : memref<2x128x128xf32, #tpu.memory_space<vmem>> -> memref<1x128x128xf32, #tpu.memory_space<vmem>>
          %dma_wait3A_96 = tpu.memref_squeeze %dma_wait3A_95 : memref<1x128x128xf32, #tpu.memory_space<vmem>> -> memref<128x128xf32, #tpu.memory_space<vmem>>
          %dma_wait3A_97 = arith.constant 0 : i32
          %dma_wait3A_98 = tpu.memref_slice %arg9[%run_scoped3A_81, %dma_wait3A_97] : memref<40x128xi32, #tpu.memory_space<vmem>> -> memref<1x128xi32, #tpu.memory_space<vmem>>
          %dma_wait3A_99 = tpu.memref_squeeze %dma_wait3A_98 : memref<1x128xi32, #tpu.memory_space<vmem>> -> memref<128xi32, #tpu.memory_space<vmem>>
          %dma_wait3A_100 = arith.constant 0 : i32
          %dma_wait3A_101 = arith.constant 0 : i32
          %dma_wait3A_102 = tpu.memref_slice %arg13[%dma_wait3A_100, %dma_wait3A_101] : memref<10240x128xf32, #tpu.memory_space<vmem_shared>> -> memref<10240x128xf32, #tpu.memory_space<vmem_shared>>
          tpu.wait_indirect_dma semaphore(%run_scoped3A_82 : memref<!tpu.dma_semaphore, #tpu.memory_space<semaphore_mem>>) src(%dma_wait3A_96 : memref<128x128xf32, #tpu.memory_space<vmem>>) dst(%dma_wait3A_102 : memref<10240x128xf32, #tpu.memory_space<vmem_shared>>)
          tpu.yield
        }) : () -> ()
      }
      %scan3A_21 = arith.constant 4 : i32
    } else {
    }
    %eq3A_5 = arith.constant 1 : i32
    %eq3A_6 = arith.cmpi eq, %arg0, %eq3A_5 : i32
    %convert_element_type3A_7 = arith.extui %eq3A_6 : i1 to i32
    %cond3A_8 = arith.constant 0 : i32
    %cond3A_9 = arith.cmpi ne, %convert_element_type3A_7, %cond3A_8 : i32
    scf.if %cond3A_9 {
      %mul3A_15 = arith.constant 160 : i32
      %mul3A_16 = arith.muli %arg1, %mul3A_15 : i32
      %scan3A = arith.constant 0 : i32
      %scan3A_17 = arith.constant 0 : i32
      %scan3A_18 = arith.constant 4 : i32
      %scan3A_19 = arith.addi %scan3A_17, %scan3A_18 : i32
      %scan3A_20 = arith.constant 1 : i32
      scf.for %scan3A_22 = %scan3A_17 to %scan3A_19 step %scan3A_20  : i32 {
        %mul3A_23 = arith.constant 40 : i32
        %mul3A_24 = arith.muli %scan3A_22, %mul3A_23 : i32
        %add3A = arith.addi %mul3A_16, %mul3A_24 : i32
        "tpu.region"() ({
          %run_scoped3A_82 = tpu.sem_alloc : memref<!tpu.dma_semaphore, #tpu.memory_space<semaphore_mem>>
          %dma_start3A_83 = arith.constant 0 : i32
          %dma_start3A_84 = tpu.memref_slice %arg4[%add3A, %dma_start3A_83] : memref<2560x128xi32, #tpu.memory_space<hbm>> -> memref<40x128xi32, #tpu.memory_space<hbm>>
          %dma_start3A_85 = arith.constant 0 : i32
          %dma_start3A_86 = tpu.memref_slice %arg4[%add3A, %dma_start3A_85] : memref<2560x128xi32, #tpu.memory_space<hbm>> -> memref<40x128xi32, #tpu.memory_space<hbm>>
          tpu.enqueue_dma source(%dma_start3A_86 : memref<40x128xi32, #tpu.memory_space<hbm>>) target(%arg8 : memref<40x128xi32, #tpu.memory_space<vmem>>) target_semaphore(%run_scoped3A_82 : memref<!tpu.dma_semaphore, #tpu.memory_space<semaphore_mem>>)
          %dma_wait3A_87 = arith.constant 0 : i32
          %dma_wait3A_88 = tpu.memref_slice %arg4[%add3A, %dma_wait3A_87] : memref<2560x128xi32, #tpu.memory_space<hbm>> -> memref<40x128xi32, #tpu.memory_space<hbm>>
          %dma_wait3A_89 = arith.constant 0 : i32
          %dma_wait3A_90 = tpu.memref_slice %arg4[%add3A, %dma_wait3A_89] : memref<2560x128xi32, #tpu.memory_space<hbm>> -> memref<40x128xi32, #tpu.memory_space<hbm>>
          tpu.wait_dma2 semaphore(%run_scoped3A_82 : memref<!tpu.dma_semaphore, #tpu.memory_space<semaphore_mem>>) src(%dma_wait3A_90 : memref<40x128xi32, #tpu.memory_space<hbm>>) dst(%arg8 : memref<40x128xi32, #tpu.memory_space<vmem>>)
          tpu.yield
        }) : () -> ()
        "tpu.region"() ({
          %run_scoped3A_82 = tpu.sem_alloc : memref<!tpu.dma_semaphore, #tpu.memory_space<semaphore_mem>>
          %dma_start3A_83 = arith.constant 0 : i32
          %dma_start3A_84 = tpu.memref_slice %arg5[%add3A, %dma_start3A_83] : memref<2560x128xi32, #tpu.memory_space<hbm>> -> memref<40x128xi32, #tpu.memory_space<hbm>>
          %dma_start3A_85 = arith.constant 0 : i32
          %dma_start3A_86 = tpu.memref_slice %arg5[%add3A, %dma_start3A_85] : memref<2560x128xi32, #tpu.memory_space<hbm>> -> memref<40x128xi32, #tpu.memory_space<hbm>>
          tpu.enqueue_dma source(%dma_start3A_86 : memref<40x128xi32, #tpu.memory_space<hbm>>) target(%arg9 : memref<40x128xi32, #tpu.memory_space<vmem>>) target_semaphore(%run_scoped3A_82 : memref<!tpu.dma_semaphore, #tpu.memory_space<semaphore_mem>>)
          %dma_wait3A_87 = arith.constant 0 : i32
          %dma_wait3A_88 = tpu.memref_slice %arg5[%add3A, %dma_wait3A_87] : memref<2560x128xi32, #tpu.memory_space<hbm>> -> memref<40x128xi32, #tpu.memory_space<hbm>>
          %dma_wait3A_89 = arith.constant 0 : i32
          %dma_wait3A_90 = tpu.memref_slice %arg5[%add3A, %dma_wait3A_89] : memref<2560x128xi32, #tpu.memory_space<hbm>> -> memref<40x128xi32, #tpu.memory_space<hbm>>
          tpu.wait_dma2 semaphore(%run_scoped3A_82 : memref<!tpu.dma_semaphore, #tpu.memory_space<semaphore_mem>>) src(%dma_wait3A_90 : memref<40x128xi32, #tpu.memory_space<hbm>>) dst(%arg9 : memref<40x128xi32, #tpu.memory_space<vmem>>)
          tpu.yield
        }) : () -> ()
        %dma_start3A = arith.constant 0 : i32
        %dma_start3A_25 = arith.constant 0 : i32
        %dma_start3A_26 = arith.constant 0 : i32
        %dma_start3A_27 = arith.constant 0 : i32
        %dma_start3A_28 = tpu.memref_slice %arg10[%dma_start3A_25, %dma_start3A_26, %dma_start3A_27] : memref<2x128x128xf32, #tpu.memory_space<vmem>> -> memref<1x128x128xf32, #tpu.memory_space<vmem>>
        %dma_start3A_29 = tpu.memref_squeeze %dma_start3A_28 : memref<1x128x128xf32, #tpu.memory_space<vmem>> -> memref<128x128xf32, #tpu.memory_space<vmem>>
        %dma_start3A_30 = arith.constant 0 : i32
        %dma_start3A_31 = tpu.memref_slice %arg8[%dma_start3A, %dma_start3A_30] : memref<40x128xi32, #tpu.memory_space<vmem>> -> memref<1x128xi32, #tpu.memory_space<vmem>>
        %dma_start3A_32 = tpu.memref_squeeze %dma_start3A_31 : memref<1x128xi32, #tpu.memory_space<vmem>> -> memref<128xi32, #tpu.memory_space<vmem>>
        %dma_start3A_33 = arith.constant 0 : i32
        %dma_start3A_34 = arith.constant 0 : i32
        %dma_start3A_35 = tpu.memref_slice %arg3[%dma_start3A_33, %dma_start3A_34] : memref<10240x128xf32, #tpu.memory_space<hbm>> -> memref<10240x128xf32, #tpu.memory_space<hbm>>
        tpu.enqueue_indirect_dma source(%dma_start3A_35 : memref<10240x128xf32, #tpu.memory_space<hbm>>) target(%dma_start3A_29 : memref<128x128xf32, #tpu.memory_space<vmem>>) offsets(%dma_start3A_32 : memref<128xi32, #tpu.memory_space<vmem>>) semaphore(%arg11 : memref<!tpu.dma_semaphore, #tpu.memory_space<semaphore_mem>>)
        %scan3A_36 = arith.constant 0 : i32
        %scan3A_37 = arith.constant 1 : i32
        %scan3A_38 = arith.constant 0 : i32
        %scan3A_39 = arith.constant 0 : i32
        %scan3A_40 = arith.constant 19 : i32
        %scan3A_41 = arith.addi %scan3A_39, %scan3A_40 : i32
        %scan3A_42 = arith.constant 1 : i32
        scf.for %scan3A_82 = %scan3A_39 to %scan3A_41 step %scan3A_42  : i32 {
          %mul3A_83 = arith.constant 2 : i32
          %mul3A_84 = arith.muli %mul3A_83, %scan3A_82 : i32
          %add3A_85 = arith.constant 1 : i32
          %add3A_86 = arith.addi %mul3A_84, %add3A_85 : i32
          %dma_start3A_87 = arith.constant 0 : i32
          %dma_start3A_88 = arith.constant 0 : i32
          %dma_start3A_89 = tpu.memref_slice %arg10[%scan3A_37, %dma_start3A_87, %dma_start3A_88] : memref<2x128x128xf32, #tpu.memory_space<vmem>> -> memref<1x128x128xf32, #tpu.memory_space<vmem>>
          %dma_start3A_90 = tpu.memref_squeeze %dma_start3A_89 : memref<1x128x128xf32, #tpu.memory_space<vmem>> -> memref<128x128xf32, #tpu.memory_space<vmem>>
          %dma_start3A_91 = arith.constant 0 : i32
          %dma_start3A_92 = tpu.memref_slice %arg8[%add3A_86, %dma_start3A_91] : memref<40x128xi32, #tpu.memory_space<vmem>> -> memref<1x128xi32, #tpu.memory_space<vmem>>
          %dma_start3A_93 = tpu.memref_squeeze %dma_start3A_92 : memref<1x128xi32, #tpu.memory_space<vmem>> -> memref<128xi32, #tpu.memory_space<vmem>>
          %dma_start3A_94 = arith.constant 0 : i32
          %dma_start3A_95 = arith.constant 0 : i32
          %dma_start3A_96 = tpu.memref_slice %arg3[%dma_start3A_94, %dma_start3A_95] : memref<10240x128xf32, #tpu.memory_space<hbm>> -> memref<10240x128xf32, #tpu.memory_space<hbm>>
          tpu.enqueue_indirect_dma source(%dma_start3A_96 : memref<10240x128xf32, #tpu.memory_space<hbm>>) target(%dma_start3A_90 : memref<128x128xf32, #tpu.memory_space<vmem>>) offsets(%dma_start3A_93 : memref<128xi32, #tpu.memory_space<vmem>>) semaphore(%arg12 : memref<!tpu.dma_semaphore, #tpu.memory_space<semaphore_mem>>)
          %dma_wait3A_97 = arith.constant 0 : i32
          %dma_wait3A_98 = arith.constant 0 : i32
          %dma_wait3A_99 = tpu.memref_slice %arg10[%scan3A_38, %dma_wait3A_97, %dma_wait3A_98] : memref<2x128x128xf32, #tpu.memory_space<vmem>> -> memref<1x128x128xf32, #tpu.memory_space<vmem>>
          %dma_wait3A_100 = tpu.memref_squeeze %dma_wait3A_99 : memref<1x128x128xf32, #tpu.memory_space<vmem>> -> memref<128x128xf32, #tpu.memory_space<vmem>>
          %dma_wait3A_101 = arith.constant 0 : i32
          %dma_wait3A_102 = tpu.memref_slice %arg8[%mul3A_84, %dma_wait3A_101] : memref<40x128xi32, #tpu.memory_space<vmem>> -> memref<1x128xi32, #tpu.memory_space<vmem>>
          %dma_wait3A_103 = tpu.memref_squeeze %dma_wait3A_102 : memref<1x128xi32, #tpu.memory_space<vmem>> -> memref<128xi32, #tpu.memory_space<vmem>>
          %dma_wait3A_104 = arith.constant 0 : i32
          %dma_wait3A_105 = arith.constant 0 : i32
          %dma_wait3A_106 = tpu.memref_slice %arg3[%dma_wait3A_104, %dma_wait3A_105] : memref<10240x128xf32, #tpu.memory_space<hbm>> -> memref<10240x128xf32, #tpu.memory_space<hbm>>
          tpu.wait_indirect_dma semaphore(%arg11 : memref<!tpu.dma_semaphore, #tpu.memory_space<semaphore_mem>>) src(%dma_wait3A_106 : memref<10240x128xf32, #tpu.memory_space<hbm>>) dst(%dma_wait3A_100 : memref<128x128xf32, #tpu.memory_space<vmem>>)
          "tpu.region"() ({
            %run_scoped3A_133 = tpu.sem_alloc : memref<!tpu.dma_semaphore, #tpu.memory_space<semaphore_mem>>
            %dma_start3A_134 = arith.constant 0 : i32
            %dma_start3A_135 = arith.constant 0 : i32
            %dma_start3A_136 = tpu.memref_slice %arg10[%scan3A_38, %dma_start3A_134, %dma_start3A_135] : memref<2x128x128xf32, #tpu.memory_space<vmem>> -> memref<1x128x128xf32, #tpu.memory_space<vmem>>
            %dma_start3A_137 = tpu.memref_squeeze %dma_start3A_136 : memref<1x128x128xf32, #tpu.memory_space<vmem>> -> memref<128x128xf32, #tpu.memory_space<vmem>>
            %dma_start3A_138 = arith.constant 0 : i32
            %dma_start3A_139 = tpu.memref_slice %arg9[%mul3A_84, %dma_start3A_138] : memref<40x128xi32, #tpu.memory_space<vmem>> -> memref<1x128xi32, #tpu.memory_space<vmem>>
            %dma_start3A_140 = tpu.memref_squeeze %dma_start3A_139 : memref<1x128xi32, #tpu.memory_space<vmem>> -> memref<128xi32, #tpu.memory_space<vmem>>
            %dma_start3A_141 = arith.constant 0 : i32
            %dma_start3A_142 = arith.constant 0 : i32
            %dma_start3A_143 = tpu.memref_slice %arg13[%dma_start3A_141, %dma_start3A_142] : memref<10240x128xf32, #tpu.memory_space<vmem_shared>> -> memref<10240x128xf32, #tpu.memory_space<vmem_shared>>
            tpu.enqueue_indirect_dma source(%dma_start3A_137 : memref<128x128xf32, #tpu.memory_space<vmem>>) target(%dma_start3A_143 : memref<10240x128xf32, #tpu.memory_space<vmem_shared>>) offsets(%dma_start3A_140 : memref<128xi32, #tpu.memory_space<vmem>>) semaphore(%run_scoped3A_133 : memref<!tpu.dma_semaphore, #tpu.memory_space<semaphore_mem>>) {add = true}
            %dma_wait3A_144 = arith.constant 0 : i32
            %dma_wait3A_145 = arith.constant 0 : i32
            %dma_wait3A_146 = tpu.memref_slice %arg10[%scan3A_38, %dma_wait3A_144, %dma_wait3A_145] : memref<2x128x128xf32, #tpu.memory_space<vmem>> -> memref<1x128x128xf32, #tpu.memory_space<vmem>>
            %dma_wait3A_147 = tpu.memref_squeeze %dma_wait3A_146 : memref<1x128x128xf32, #tpu.memory_space<vmem>> -> memref<128x128xf32, #tpu.memory_space<vmem>>
            %dma_wait3A_148 = arith.constant 0 : i32
            %dma_wait3A_149 = tpu.memref_slice %arg9[%mul3A_84, %dma_wait3A_148] : memref<40x128xi32, #tpu.memory_space<vmem>> -> memref<1x128xi32, #tpu.memory_space<vmem>>
            %dma_wait3A_150 = tpu.memref_squeeze %dma_wait3A_149 : memref<1x128xi32, #tpu.memory_space<vmem>> -> memref<128xi32, #tpu.memory_space<vmem>>
            %dma_wait3A_151 = arith.constant 0 : i32
            %dma_wait3A_152 = arith.constant 0 : i32
            %dma_wait3A_153 = tpu.memref_slice %arg13[%dma_wait3A_151, %dma_wait3A_152] : memref<10240x128xf32, #tpu.memory_space<vmem_shared>> -> memref<10240x128xf32, #tpu.memory_space<vmem_shared>>
            tpu.wait_indirect_dma semaphore(%run_scoped3A_133 : memref<!tpu.dma_semaphore, #tpu.memory_space<semaphore_mem>>) src(%dma_wait3A_147 : memref<128x128xf32, #tpu.memory_space<vmem>>) dst(%dma_wait3A_153 : memref<10240x128xf32, #tpu.memory_space<vmem_shared>>)
            tpu.yield
          }) : () -> ()
          %add3A_107 = arith.constant 2 : i32
          %add3A_108 = arith.addi %mul3A_84, %add3A_107 : i32
          %dma_start3A_109 = arith.constant 0 : i32
          %dma_start3A_110 = arith.constant 0 : i32
          %dma_start3A_111 = tpu.memref_slice %arg10[%scan3A_38, %dma_start3A_109, %dma_start3A_110] : memref<2x128x128xf32, #tpu.memory_space<vmem>> -> memref<1x128x128xf32, #tpu.memory_space<vmem>>
          %dma_start3A_112 = tpu.memref_squeeze %dma_start3A_111 : memref<1x128x128xf32, #tpu.memory_space<vmem>> -> memref<128x128xf32, #tpu.memory_space<vmem>>
          %dma_start3A_113 = arith.constant 0 : i32
          %dma_start3A_114 = tpu.memref_slice %arg8[%add3A_108, %dma_start3A_113] : memref<40x128xi32, #tpu.memory_space<vmem>> -> memref<1x128xi32, #tpu.memory_space<vmem>>
          %dma_start3A_115 = tpu.memref_squeeze %dma_start3A_114 : memref<1x128xi32, #tpu.memory_space<vmem>> -> memref<128xi32, #tpu.memory_space<vmem>>
          %dma_start3A_116 = arith.constant 0 : i32
          %dma_start3A_117 = arith.constant 0 : i32
          %dma_start3A_118 = tpu.memref_slice %arg3[%dma_start3A_116, %dma_start3A_117] : memref<10240x128xf32, #tpu.memory_space<hbm>> -> memref<10240x128xf32, #tpu.memory_space<hbm>>
          tpu.enqueue_indirect_dma source(%dma_start3A_118 : memref<10240x128xf32, #tpu.memory_space<hbm>>) target(%dma_start3A_112 : memref<128x128xf32, #tpu.memory_space<vmem>>) offsets(%dma_start3A_115 : memref<128xi32, #tpu.memory_space<vmem>>) semaphore(%arg11 : memref<!tpu.dma_semaphore, #tpu.memory_space<semaphore_mem>>)
          %add3A_119 = arith.constant 1 : i32
          %add3A_120 = arith.addi %mul3A_84, %add3A_119 : i32
          %dma_wait3A_121 = arith.constant 0 : i32
          %dma_wait3A_122 = arith.constant 0 : i32
          %dma_wait3A_123 = tpu.memref_slice %arg10[%scan3A_37, %dma_wait3A_121, %dma_wait3A_122] : memref<2x128x128xf32, #tpu.memory_space<vmem>> -> memref<1x128x128xf32, #tpu.memory_space<vmem>>
          %dma_wait3A_124 = tpu.memref_squeeze %dma_wait3A_123 : memref<1x128x128xf32, #tpu.memory_space<vmem>> -> memref<128x128xf32, #tpu.memory_space<vmem>>
          %dma_wait3A_125 = arith.constant 0 : i32
          %dma_wait3A_126 = tpu.memref_slice %arg8[%add3A_120, %dma_wait3A_125] : memref<40x128xi32, #tpu.memory_space<vmem>> -> memref<1x128xi32, #tpu.memory_space<vmem>>
          %dma_wait3A_127 = tpu.memref_squeeze %dma_wait3A_126 : memref<1x128xi32, #tpu.memory_space<vmem>> -> memref<128xi32, #tpu.memory_space<vmem>>
          %dma_wait3A_128 = arith.constant 0 : i32
          %dma_wait3A_129 = arith.constant 0 : i32
          %dma_wait3A_130 = tpu.memref_slice %arg3[%dma_wait3A_128, %dma_wait3A_129] : memref<10240x128xf32, #tpu.memory_space<hbm>> -> memref<10240x128xf32, #tpu.memory_space<hbm>>
          tpu.wait_indirect_dma semaphore(%arg12 : memref<!tpu.dma_semaphore, #tpu.memory_space<semaphore_mem>>) src(%dma_wait3A_130 : memref<10240x128xf32, #tpu.memory_space<hbm>>) dst(%dma_wait3A_124 : memref<128x128xf32, #tpu.memory_space<vmem>>)
          %add3A_131 = arith.constant 1 : i32
          %add3A_132 = arith.addi %mul3A_84, %add3A_131 : i32
          "tpu.region"() ({
            %run_scoped3A_133 = tpu.sem_alloc : memref<!tpu.dma_semaphore, #tpu.memory_space<semaphore_mem>>
            %dma_start3A_134 = arith.constant 0 : i32
            %dma_start3A_135 = arith.constant 0 : i32
            %dma_start3A_136 = tpu.memref_slice %arg10[%scan3A_37, %dma_start3A_134, %dma_start3A_135] : memref<2x128x128xf32, #tpu.memory_space<vmem>> -> memref<1x128x128xf32, #tpu.memory_space<vmem>>
            %dma_start3A_137 = tpu.memref_squeeze %dma_start3A_136 : memref<1x128x128xf32, #tpu.memory_space<vmem>> -> memref<128x128xf32, #tpu.memory_space<vmem>>
            %dma_start3A_138 = arith.constant 0 : i32
            %dma_start3A_139 = tpu.memref_slice %arg9[%add3A_132, %dma_start3A_138] : memref<40x128xi32, #tpu.memory_space<vmem>> -> memref<1x128xi32, #tpu.memory_space<vmem>>
            %dma_start3A_140 = tpu.memref_squeeze %dma_start3A_139 : memref<1x128xi32, #tpu.memory_space<vmem>> -> memref<128xi32, #tpu.memory_space<vmem>>
            %dma_start3A_141 = arith.constant 0 : i32
            %dma_start3A_142 = arith.constant 0 : i32
            %dma_start3A_143 = tpu.memref_slice %arg13[%dma_start3A_141, %dma_start3A_142] : memref<10240x128xf32, #tpu.memory_space<vmem_shared>> -> memref<10240x128xf32, #tpu.memory_space<vmem_shared>>
            tpu.enqueue_indirect_dma source(%dma_start3A_137 : memref<128x128xf32, #tpu.memory_space<vmem>>) target(%dma_start3A_143 : memref<10240x128xf32, #tpu.memory_space<vmem_shared>>) offsets(%dma_start3A_140 : memref<128xi32, #tpu.memory_space<vmem>>) semaphore(%run_scoped3A_133 : memref<!tpu.dma_semaphore, #tpu.memory_space<semaphore_mem>>) {add = true}
            %dma_wait3A_144 = arith.constant 0 : i32
            %dma_wait3A_145 = arith.constant 0 : i32
            %dma_wait3A_146 = tpu.memref_slice %arg10[%scan3A_37, %dma_wait3A_144, %dma_wait3A_145] : memref<2x128x128xf32, #tpu.memory_space<vmem>> -> memref<1x128x128xf32, #tpu.memory_space<vmem>>
            %dma_wait3A_147 = tpu.memref_squeeze %dma_wait3A_146 : memref<1x128x128xf32, #tpu.memory_space<vmem>> -> memref<128x128xf32, #tpu.memory_space<vmem>>
            %dma_wait3A_148 = arith.constant 0 : i32
            %dma_wait3A_149 = tpu.memref_slice %arg9[%add3A_132, %dma_wait3A_148] : memref<40x128xi32, #tpu.memory_space<vmem>> -> memref<1x128xi32, #tpu.memory_space<vmem>>
            %dma_wait3A_150 = tpu.memref_squeeze %dma_wait3A_149 : memref<1x128xi32, #tpu.memory_space<vmem>> -> memref<128xi32, #tpu.memory_space<vmem>>
            %dma_wait3A_151 = arith.constant 0 : i32
            %dma_wait3A_152 = arith.constant 0 : i32
            %dma_wait3A_153 = tpu.memref_slice %arg13[%dma_wait3A_151, %dma_wait3A_152] : memref<10240x128xf32, #tpu.memory_space<vmem_shared>> -> memref<10240x128xf32, #tpu.memory_space<vmem_shared>>
            tpu.wait_indirect_dma semaphore(%run_scoped3A_133 : memref<!tpu.dma_semaphore, #tpu.memory_space<semaphore_mem>>) src(%dma_wait3A_147 : memref<128x128xf32, #tpu.memory_space<vmem>>) dst(%dma_wait3A_153 : memref<10240x128xf32, #tpu.memory_space<vmem_shared>>)
            tpu.yield
          }) : () -> ()
        }
        %scan3A_43 = arith.constant 19 : i32
        %dma_start3A_44 = arith.constant 39 : i32
        %dma_start3A_45 = arith.constant 1 : i32
        %dma_start3A_46 = arith.constant 0 : i32
        %dma_start3A_47 = arith.constant 0 : i32
        %dma_start3A_48 = tpu.memref_slice %arg10[%dma_start3A_45, %dma_start3A_46, %dma_start3A_47] : memref<2x128x128xf32, #tpu.memory_space<vmem>> -> memref<1x128x128xf32, #tpu.memory_space<vmem>>
        %dma_start3A_49 = tpu.memref_squeeze %dma_start3A_48 : memref<1x128x128xf32, #tpu.memory_space<vmem>> -> memref<128x128xf32, #tpu.memory_space<vmem>>
        %dma_start3A_50 = arith.constant 0 : i32
        %dma_start3A_51 = tpu.memref_slice %arg8[%dma_start3A_44, %dma_start3A_50] : memref<40x128xi32, #tpu.memory_space<vmem>> -> memref<1x128xi32, #tpu.memory_space<vmem>>
        %dma_start3A_52 = tpu.memref_squeeze %dma_start3A_51 : memref<1x128xi32, #tpu.memory_space<vmem>> -> memref<128xi32, #tpu.memory_space<vmem>>
        %dma_start3A_53 = arith.constant 0 : i32
        %dma_start3A_54 = arith.constant 0 : i32
        %dma_start3A_55 = tpu.memref_slice %arg3[%dma_start3A_53, %dma_start3A_54] : memref<10240x128xf32, #tpu.memory_space<hbm>> -> memref<10240x128xf32, #tpu.memory_space<hbm>>
        tpu.enqueue_indirect_dma source(%dma_start3A_55 : memref<10240x128xf32, #tpu.memory_space<hbm>>) target(%dma_start3A_49 : memref<128x128xf32, #tpu.memory_space<vmem>>) offsets(%dma_start3A_52 : memref<128xi32, #tpu.memory_space<vmem>>) semaphore(%arg12 : memref<!tpu.dma_semaphore, #tpu.memory_space<semaphore_mem>>)
        %dma_wait3A = arith.constant 38 : i32
        %dma_wait3A_56 = arith.constant 0 : i32
        %dma_wait3A_57 = arith.constant 0 : i32
        %dma_wait3A_58 = arith.constant 0 : i32
        %dma_wait3A_59 = tpu.memref_slice %arg10[%dma_wait3A_56, %dma_wait3A_57, %dma_wait3A_58] : memref<2x128x128xf32, #tpu.memory_space<vmem>> -> memref<1x128x128xf32, #tpu.memory_space<vmem>>
        %dma_wait3A_60 = tpu.memref_squeeze %dma_wait3A_59 : memref<1x128x128xf32, #tpu.memory_space<vmem>> -> memref<128x128xf32, #tpu.memory_space<vmem>>
        %dma_wait3A_61 = arith.constant 0 : i32
        %dma_wait3A_62 = tpu.memref_slice %arg8[%dma_wait3A, %dma_wait3A_61] : memref<40x128xi32, #tpu.memory_space<vmem>> -> memref<1x128xi32, #tpu.memory_space<vmem>>
        %dma_wait3A_63 = tpu.memref_squeeze %dma_wait3A_62 : memref<1x128xi32, #tpu.memory_space<vmem>> -> memref<128xi32, #tpu.memory_space<vmem>>
        %dma_wait3A_64 = arith.constant 0 : i32
        %dma_wait3A_65 = arith.constant 0 : i32
        %dma_wait3A_66 = tpu.memref_slice %arg3[%dma_wait3A_64, %dma_wait3A_65] : memref<10240x128xf32, #tpu.memory_space<hbm>> -> memref<10240x128xf32, #tpu.memory_space<hbm>>
        tpu.wait_indirect_dma semaphore(%arg11 : memref<!tpu.dma_semaphore, #tpu.memory_space<semaphore_mem>>) src(%dma_wait3A_66 : memref<10240x128xf32, #tpu.memory_space<hbm>>) dst(%dma_wait3A_60 : memref<128x128xf32, #tpu.memory_space<vmem>>)
        %run_scoped3A = arith.constant 0 : i32
        %run_scoped3A_67 = arith.constant 38 : i32
        "tpu.region"() ({
          %run_scoped3A_82 = tpu.sem_alloc : memref<!tpu.dma_semaphore, #tpu.memory_space<semaphore_mem>>
          %dma_start3A_83 = arith.constant 0 : i32
          %dma_start3A_84 = arith.constant 0 : i32
          %dma_start3A_85 = tpu.memref_slice %arg10[%run_scoped3A, %dma_start3A_83, %dma_start3A_84] : memref<2x128x128xf32, #tpu.memory_space<vmem>> -> memref<1x128x128xf32, #tpu.memory_space<vmem>>
          %dma_start3A_86 = tpu.memref_squeeze %dma_start3A_85 : memref<1x128x128xf32, #tpu.memory_space<vmem>> -> memref<128x128xf32, #tpu.memory_space<vmem>>
          %dma_start3A_87 = arith.constant 0 : i32
          %dma_start3A_88 = tpu.memref_slice %arg9[%run_scoped3A_67, %dma_start3A_87] : memref<40x128xi32, #tpu.memory_space<vmem>> -> memref<1x128xi32, #tpu.memory_space<vmem>>
          %dma_start3A_89 = tpu.memref_squeeze %dma_start3A_88 : memref<1x128xi32, #tpu.memory_space<vmem>> -> memref<128xi32, #tpu.memory_space<vmem>>
          %dma_start3A_90 = arith.constant 0 : i32
          %dma_start3A_91 = arith.constant 0 : i32
          %dma_start3A_92 = tpu.memref_slice %arg13[%dma_start3A_90, %dma_start3A_91] : memref<10240x128xf32, #tpu.memory_space<vmem_shared>> -> memref<10240x128xf32, #tpu.memory_space<vmem_shared>>
          tpu.enqueue_indirect_dma source(%dma_start3A_86 : memref<128x128xf32, #tpu.memory_space<vmem>>) target(%dma_start3A_92 : memref<10240x128xf32, #tpu.memory_space<vmem_shared>>) offsets(%dma_start3A_89 : memref<128xi32, #tpu.memory_space<vmem>>) semaphore(%run_scoped3A_82 : memref<!tpu.dma_semaphore, #tpu.memory_space<semaphore_mem>>) {add = true}
          %dma_wait3A_93 = arith.constant 0 : i32
          %dma_wait3A_94 = arith.constant 0 : i32
          %dma_wait3A_95 = tpu.memref_slice %arg10[%run_scoped3A, %dma_wait3A_93, %dma_wait3A_94] : memref<2x128x128xf32, #tpu.memory_space<vmem>> -> memref<1x128x128xf32, #tpu.memory_space<vmem>>
          %dma_wait3A_96 = tpu.memref_squeeze %dma_wait3A_95 : memref<1x128x128xf32, #tpu.memory_space<vmem>> -> memref<128x128xf32, #tpu.memory_space<vmem>>
          %dma_wait3A_97 = arith.constant 0 : i32
          %dma_wait3A_98 = tpu.memref_slice %arg9[%run_scoped3A_67, %dma_wait3A_97] : memref<40x128xi32, #tpu.memory_space<vmem>> -> memref<1x128xi32, #tpu.memory_space<vmem>>
          %dma_wait3A_99 = tpu.memref_squeeze %dma_wait3A_98 : memref<1x128xi32, #tpu.memory_space<vmem>> -> memref<128xi32, #tpu.memory_space<vmem>>
          %dma_wait3A_100 = arith.constant 0 : i32
          %dma_wait3A_101 = arith.constant 0 : i32
          %dma_wait3A_102 = tpu.memref_slice %arg13[%dma_wait3A_100, %dma_wait3A_101] : memref<10240x128xf32, #tpu.memory_space<vmem_shared>> -> memref<10240x128xf32, #tpu.memory_space<vmem_shared>>
          tpu.wait_indirect_dma semaphore(%run_scoped3A_82 : memref<!tpu.dma_semaphore, #tpu.memory_space<semaphore_mem>>) src(%dma_wait3A_96 : memref<128x128xf32, #tpu.memory_space<vmem>>) dst(%dma_wait3A_102 : memref<10240x128xf32, #tpu.memory_space<vmem_shared>>)
          tpu.yield
        }) : () -> ()
        %dma_wait3A_68 = arith.constant 39 : i32
        %dma_wait3A_69 = arith.constant 1 : i32
        %dma_wait3A_70 = arith.constant 0 : i32
        %dma_wait3A_71 = arith.constant 0 : i32
        %dma_wait3A_72 = tpu.memref_slice %arg10[%dma_wait3A_69, %dma_wait3A_70, %dma_wait3A_71] : memref<2x128x128xf32, #tpu.memory_space<vmem>> -> memref<1x128x128xf32, #tpu.memory_space<vmem>>
        %dma_wait3A_73 = tpu.memref_squeeze %dma_wait3A_72 : memref<1x128x128xf32, #tpu.memory_space<vmem>> -> memref<128x128xf32, #tpu.memory_space<vmem>>
        %dma_wait3A_74 = arith.constant 0 : i32
        %dma_wait3A_75 = tpu.memref_slice %arg8[%dma_wait3A_68, %dma_wait3A_74] : memref<40x128xi32, #tpu.memory_space<vmem>> -> memref<1x128xi32, #tpu.memory_space<vmem>>
        %dma_wait3A_76 = tpu.memref_squeeze %dma_wait3A_75 : memref<1x128xi32, #tpu.memory_space<vmem>> -> memref<128xi32, #tpu.memory_space<vmem>>
        %dma_wait3A_77 = arith.constant 0 : i32
        %dma_wait3A_78 = arith.constant 0 : i32
        %dma_wait3A_79 = tpu.memref_slice %arg3[%dma_wait3A_77, %dma_wait3A_78] : memref<10240x128xf32, #tpu.memory_space<hbm>> -> memref<10240x128xf32, #tpu.memory_space<hbm>>
        tpu.wait_indirect_dma semaphore(%arg12 : memref<!tpu.dma_semaphore, #tpu.memory_space<semaphore_mem>>) src(%dma_wait3A_79 : memref<10240x128xf32, #tpu.memory_space<hbm>>) dst(%dma_wait3A_73 : memref<128x128xf32, #tpu.memory_space<vmem>>)
        %run_scoped3A_80 = arith.constant 1 : i32
        %run_scoped3A_81 = arith.constant 39 : i32
        "tpu.region"() ({
          %run_scoped3A_82 = tpu.sem_alloc : memref<!tpu.dma_semaphore, #tpu.memory_space<semaphore_mem>>
          %dma_start3A_83 = arith.constant 0 : i32
          %dma_start3A_84 = arith.constant 0 : i32
          %dma_start3A_85 = tpu.memref_slice %arg10[%run_scoped3A_80, %dma_start3A_83, %dma_start3A_84] : memref<2x128x128xf32, #tpu.memory_space<vmem>> -> memref<1x128x128xf32, #tpu.memory_space<vmem>>
          %dma_start3A_86 = tpu.memref_squeeze %dma_start3A_85 : memref<1x128x128xf32, #tpu.memory_space<vmem>> -> memref<128x128xf32, #tpu.memory_space<vmem>>
          %dma_start3A_87 = arith.constant 0 : i32
          %dma_start3A_88 = tpu.memref_slice %arg9[%run_scoped3A_81, %dma_start3A_87] : memref<40x128xi32, #tpu.memory_space<vmem>> -> memref<1x128xi32, #tpu.memory_space<vmem>>
          %dma_start3A_89 = tpu.memref_squeeze %dma_start3A_88 : memref<1x128xi32, #tpu.memory_space<vmem>> -> memref<128xi32, #tpu.memory_space<vmem>>
          %dma_start3A_90 = arith.constant 0 : i32
          %dma_start3A_91 = arith.constant 0 : i32
          %dma_start3A_92 = tpu.memref_slice %arg13[%dma_start3A_90, %dma_start3A_91] : memref<10240x128xf32, #tpu.memory_space<vmem_shared>> -> memref<10240x128xf32, #tpu.memory_space<vmem_shared>>
          tpu.enqueue_indirect_dma source(%dma_start3A_86 : memref<128x128xf32, #tpu.memory_space<vmem>>) target(%dma_start3A_92 : memref<10240x128xf32, #tpu.memory_space<vmem_shared>>) offsets(%dma_start3A_89 : memref<128xi32, #tpu.memory_space<vmem>>) semaphore(%run_scoped3A_82 : memref<!tpu.dma_semaphore, #tpu.memory_space<semaphore_mem>>) {add = true}
          %dma_wait3A_93 = arith.constant 0 : i32
          %dma_wait3A_94 = arith.constant 0 : i32
          %dma_wait3A_95 = tpu.memref_slice %arg10[%run_scoped3A_80, %dma_wait3A_93, %dma_wait3A_94] : memref<2x128x128xf32, #tpu.memory_space<vmem>> -> memref<1x128x128xf32, #tpu.memory_space<vmem>>
          %dma_wait3A_96 = tpu.memref_squeeze %dma_wait3A_95 : memref<1x128x128xf32, #tpu.memory_space<vmem>> -> memref<128x128xf32, #tpu.memory_space<vmem>>
          %dma_wait3A_97 = arith.constant 0 : i32
          %dma_wait3A_98 = tpu.memref_slice %arg9[%run_scoped3A_81, %dma_wait3A_97] : memref<40x128xi32, #tpu.memory_space<vmem>> -> memref<1x128xi32, #tpu.memory_space<vmem>>
          %dma_wait3A_99 = tpu.memref_squeeze %dma_wait3A_98 : memref<1x128xi32, #tpu.memory_space<vmem>> -> memref<128xi32, #tpu.memory_space<vmem>>
          %dma_wait3A_100 = arith.constant 0 : i32
          %dma_wait3A_101 = arith.constant 0 : i32
          %dma_wait3A_102 = tpu.memref_slice %arg13[%dma_wait3A_100, %dma_wait3A_101] : memref<10240x128xf32, #tpu.memory_space<vmem_shared>> -> memref<10240x128xf32, #tpu.memory_space<vmem_shared>>
          tpu.wait_indirect_dma semaphore(%run_scoped3A_82 : memref<!tpu.dma_semaphore, #tpu.memory_space<semaphore_mem>>) src(%dma_wait3A_96 : memref<128x128xf32, #tpu.memory_space<vmem>>) dst(%dma_wait3A_102 : memref<10240x128xf32, #tpu.memory_space<vmem_shared>>)
          tpu.yield
        }) : () -> ()
      }
      %scan3A_21 = arith.constant 4 : i32
    } else {
    }
    %barrier3A_10 = arith.constant 0 : index
    tpu.barrier barrier_id(%barrier3A_10)
    %mul3A_11 = arith.constant 640 : i32
    %mul3A_12 = arith.muli %arg1, %mul3A_11 : i32
    %mul3A_13 = arith.constant 640 : i32
    %mul3A_14 = arith.muli %arg1, %mul3A_13 : i32
    "tpu.region"() ({
      %run_scoped3A = tpu.sem_alloc : memref<!tpu.dma_semaphore, #tpu.memory_space<semaphore_mem>>
      %dma_start3A = arith.constant 0 : i32
      %dma_start3A_15 = tpu.memref_slice %arg7[%arg0, %mul3A_14, %dma_start3A] : memref<2x10240x128xf32, #tpu.memory_space<hbm>> -> memref<1x640x128xf32, #tpu.memory_space<hbm>>
      %dma_start3A_16 = tpu.memref_squeeze %dma_start3A_15 : memref<1x640x128xf32, #tpu.memory_space<hbm>> -> memref<640x128xf32, #tpu.memory_space<hbm>>
      %dma_start3A_17 = arith.constant 0 : i32
      %dma_start3A_18 = tpu.memref_slice %arg13[%mul3A_12, %dma_start3A_17] : memref<10240x128xf32, #tpu.memory_space<vmem_shared>> -> memref<640x128xf32, #tpu.memory_space<vmem_shared>>
      tpu.enqueue_dma source(%dma_start3A_18 : memref<640x128xf32, #tpu.memory_space<vmem_shared>>) target(%dma_start3A_16 : memref<640x128xf32, #tpu.memory_space<hbm>>) target_semaphore(%run_scoped3A : memref<!tpu.dma_semaphore, #tpu.memory_space<semaphore_mem>>)
      %dma_wait3A = arith.constant 0 : i32
      %dma_wait3A_19 = tpu.memref_slice %arg7[%arg0, %mul3A_14, %dma_wait3A] : memref<2x10240x128xf32, #tpu.memory_space<hbm>> -> memref<1x640x128xf32, #tpu.memory_space<hbm>>
      %dma_wait3A_20 = tpu.memref_squeeze %dma_wait3A_19 : memref<1x640x128xf32, #tpu.memory_space<hbm>> -> memref<640x128xf32, #tpu.memory_space<hbm>>
      %dma_wait3A_21 = arith.constant 0 : i32
      %dma_wait3A_22 = tpu.memref_slice %arg13[%mul3A_12, %dma_wait3A_21] : memref<10240x128xf32, #tpu.memory_space<vmem_shared>> -> memref<640x128xf32, #tpu.memory_space<vmem_shared>>
      tpu.wait_dma2 semaphore(%run_scoped3A : memref<!tpu.dma_semaphore, #tpu.memory_space<semaphore_mem>>) src(%dma_wait3A_22 : memref<640x128xf32, #tpu.memory_space<vmem_shared>>) dst(%dma_wait3A_20 : memref<640x128xf32, #tpu.memory_space<hbm>>)
      tpu.yield
    }) : () -> ()
    return
  }
}

#map = affine_map<(d0, d1) -> (0, 0, 0)>
#map1 = affine_map<(d0, d1) -> (0, 0)>
module attributes {stable_mosaic.version = 14 : i64} {
  func.func @k(%arg0: i32, %arg1: i32, %arg2: memref<2x10240x128xf32, #tpu.memory_space<hbm>>, %arg3: memref<2560x128xi32, #tpu.memory_space<hbm>>, %arg4: memref<2560x128xi32, #tpu.memory_space<hbm>>, %arg5: memref<10240x128xf32, #tpu.memory_space<hbm>>, %arg6: memref<2x10240x128xf32, #tpu.memory_space<hbm>>, %arg7: memref<40x128xi32, #tpu.memory_space<vmem>>, %arg8: memref<40x128xi32, #tpu.memory_space<vmem>>, %arg9: memref<2x128x128xf32, #tpu.memory_space<vmem>>, %arg10: memref<!tpu.dma_semaphore, #tpu.memory_space<semaphore_mem>>, %arg11: memref<!tpu.dma_semaphore, #tpu.memory_space<semaphore_mem>>, %arg12: memref<10240x128xf32, #tpu.memory_space<vmem_shared>>) attributes {dimension_semantics = [#tpu.dimension_semantics<core_parallel>, #tpu.dimension_semantics<subcore_parallel>], iteration_bounds = array<i64: 2, 16>, scalar_prefetch = 0 : i64, scratch_operands = 6 : i64, tpu.core_type = #tpu.core_type<sc_vector_subcore>, window_params = [{transform_indices = #map}, {transform_indices = #map1}, {transform_indices = #map1}, {transform_indices = #map1}, {transform_indices = #map}]} {
    %mul3A = arith.constant 16 : i32
    %mul3A_0 = arith.muli %arg0, %mul3A : i32
    %add3A = arith.addi %mul3A_0, %arg1 : i32
    %mul3A_1 = arith.constant 640 : i32
    %mul3A_2 = arith.muli %arg1, %mul3A_1 : i32
    %mul3A_3 = arith.constant 640 : i32
    %mul3A_4 = arith.muli %arg1, %mul3A_3 : i32
    "tpu.region"() ({
      %run_scoped3A = tpu.sem_alloc : memref<!tpu.dma_semaphore, #tpu.memory_space<semaphore_mem>>
      %dma_start3A = arith.constant 0 : i32
      %dma_start3A_17 = tpu.memref_slice %arg12[%mul3A_4, %dma_start3A] : memref<10240x128xf32, #tpu.memory_space<vmem_shared>> -> memref<640x128xf32, #tpu.memory_space<vmem_shared>>
      %dma_start3A_18 = arith.constant 0 : i32
      %dma_start3A_19 = tpu.memref_slice %arg5[%mul3A_2, %dma_start3A_18] : memref<10240x128xf32, #tpu.memory_space<hbm>> -> memref<640x128xf32, #tpu.memory_space<hbm>>
      tpu.enqueue_dma source(%dma_start3A_19 : memref<640x128xf32, #tpu.memory_space<hbm>>) target(%dma_start3A_17 : memref<640x128xf32, #tpu.memory_space<vmem_shared>>) target_semaphore(%run_scoped3A : memref<!tpu.dma_semaphore, #tpu.memory_space<semaphore_mem>>)
      %dma_wait3A = arith.constant 0 : i32
      %dma_wait3A_20 = tpu.memref_slice %arg12[%mul3A_4, %dma_wait3A] : memref<10240x128xf32, #tpu.memory_space<vmem_shared>> -> memref<640x128xf32, #tpu.memory_space<vmem_shared>>
      %dma_wait3A_21 = arith.constant 0 : i32
      %dma_wait3A_22 = tpu.memref_slice %arg5[%mul3A_2, %dma_wait3A_21] : memref<10240x128xf32, #tpu.memory_space<hbm>> -> memref<640x128xf32, #tpu.memory_space<hbm>>
      tpu.wait_dma2 semaphore(%run_scoped3A : memref<!tpu.dma_semaphore, #tpu.memory_space<semaphore_mem>>) src(%dma_wait3A_22 : memref<640x128xf32, #tpu.memory_space<hbm>>) dst(%dma_wait3A_20 : memref<640x128xf32, #tpu.memory_space<vmem_shared>>)
      tpu.yield
    }) : () -> ()
    %barrier3A = arith.constant 0 : index
    tpu.barrier barrier_id(%barrier3A)
    %mul3A_5 = arith.constant 80 : i32
    %mul3A_6 = arith.muli %add3A, %mul3A_5 : i32
    %scan3A = arith.constant 0 : i32
    %scan3A_7 = arith.constant 0 : i32
    %scan3A_8 = arith.constant 2 : i32
    %scan3A_9 = arith.addi %scan3A_7, %scan3A_8 : i32
    %scan3A_10 = arith.constant 1 : i32
    scf.for %scan3A_17 = %scan3A_7 to %scan3A_9 step %scan3A_10  : i32 {
      %mul3A_18 = arith.constant 40 : i32
      %mul3A_19 = arith.muli %scan3A_17, %mul3A_18 : i32
      %add3A_20 = arith.addi %mul3A_6, %mul3A_19 : i32
      "tpu.region"() ({
        %run_scoped3A_94 = tpu.sem_alloc : memref<!tpu.dma_semaphore, #tpu.memory_space<semaphore_mem>>
        %dma_start3A_95 = arith.constant 0 : i32
        %dma_start3A_96 = tpu.memref_slice %arg3[%add3A_20, %dma_start3A_95] : memref<2560x128xi32, #tpu.memory_space<hbm>> -> memref<40x128xi32, #tpu.memory_space<hbm>>
        %dma_start3A_97 = arith.constant 0 : i32
        %dma_start3A_98 = tpu.memref_slice %arg3[%add3A_20, %dma_start3A_97] : memref<2560x128xi32, #tpu.memory_space<hbm>> -> memref<40x128xi32, #tpu.memory_space<hbm>>
        tpu.enqueue_dma source(%dma_start3A_98 : memref<40x128xi32, #tpu.memory_space<hbm>>) target(%arg7 : memref<40x128xi32, #tpu.memory_space<vmem>>) target_semaphore(%run_scoped3A_94 : memref<!tpu.dma_semaphore, #tpu.memory_space<semaphore_mem>>)
        %dma_wait3A_99 = arith.constant 0 : i32
        %dma_wait3A_100 = tpu.memref_slice %arg3[%add3A_20, %dma_wait3A_99] : memref<2560x128xi32, #tpu.memory_space<hbm>> -> memref<40x128xi32, #tpu.memory_space<hbm>>
        %dma_wait3A_101 = arith.constant 0 : i32
        %dma_wait3A_102 = tpu.memref_slice %arg3[%add3A_20, %dma_wait3A_101] : memref<2560x128xi32, #tpu.memory_space<hbm>> -> memref<40x128xi32, #tpu.memory_space<hbm>>
        tpu.wait_dma2 semaphore(%run_scoped3A_94 : memref<!tpu.dma_semaphore, #tpu.memory_space<semaphore_mem>>) src(%dma_wait3A_102 : memref<40x128xi32, #tpu.memory_space<hbm>>) dst(%arg7 : memref<40x128xi32, #tpu.memory_space<vmem>>)
        tpu.yield
      }) : () -> ()
      "tpu.region"() ({
        %run_scoped3A_94 = tpu.sem_alloc : memref<!tpu.dma_semaphore, #tpu.memory_space<semaphore_mem>>
        %dma_start3A_95 = arith.constant 0 : i32
        %dma_start3A_96 = tpu.memref_slice %arg4[%add3A_20, %dma_start3A_95] : memref<2560x128xi32, #tpu.memory_space<hbm>> -> memref<40x128xi32, #tpu.memory_space<hbm>>
        %dma_start3A_97 = arith.constant 0 : i32
        %dma_start3A_98 = tpu.memref_slice %arg4[%add3A_20, %dma_start3A_97] : memref<2560x128xi32, #tpu.memory_space<hbm>> -> memref<40x128xi32, #tpu.memory_space<hbm>>
        tpu.enqueue_dma source(%dma_start3A_98 : memref<40x128xi32, #tpu.memory_space<hbm>>) target(%arg8 : memref<40x128xi32, #tpu.memory_space<vmem>>) target_semaphore(%run_scoped3A_94 : memref<!tpu.dma_semaphore, #tpu.memory_space<semaphore_mem>>)
        %dma_wait3A_99 = arith.constant 0 : i32
        %dma_wait3A_100 = tpu.memref_slice %arg4[%add3A_20, %dma_wait3A_99] : memref<2560x128xi32, #tpu.memory_space<hbm>> -> memref<40x128xi32, #tpu.memory_space<hbm>>
        %dma_wait3A_101 = arith.constant 0 : i32
        %dma_wait3A_102 = tpu.memref_slice %arg4[%add3A_20, %dma_wait3A_101] : memref<2560x128xi32, #tpu.memory_space<hbm>> -> memref<40x128xi32, #tpu.memory_space<hbm>>
        tpu.wait_dma2 semaphore(%run_scoped3A_94 : memref<!tpu.dma_semaphore, #tpu.memory_space<semaphore_mem>>) src(%dma_wait3A_102 : memref<40x128xi32, #tpu.memory_space<hbm>>) dst(%arg8 : memref<40x128xi32, #tpu.memory_space<vmem>>)
        tpu.yield
      }) : () -> ()
      %dma_start3A = arith.constant 0 : i32
      %dma_start3A_21 = arith.constant 0 : i32
      %dma_start3A_22 = arith.constant 0 : i32
      %dma_start3A_23 = arith.constant 0 : i32
      %dma_start3A_24 = tpu.memref_slice %arg9[%dma_start3A_21, %dma_start3A_22, %dma_start3A_23] : memref<2x128x128xf32, #tpu.memory_space<vmem>> -> memref<1x128x128xf32, #tpu.memory_space<vmem>>
      %dma_start3A_25 = tpu.memref_squeeze %dma_start3A_24 : memref<1x128x128xf32, #tpu.memory_space<vmem>> -> memref<128x128xf32, #tpu.memory_space<vmem>>
      %dma_start3A_26 = arith.constant 0 : i32
      %dma_start3A_27 = tpu.memref_slice %arg7[%dma_start3A, %dma_start3A_26] : memref<40x128xi32, #tpu.memory_space<vmem>> -> memref<1x128xi32, #tpu.memory_space<vmem>>
      %dma_start3A_28 = tpu.memref_squeeze %dma_start3A_27 : memref<1x128xi32, #tpu.memory_space<vmem>> -> memref<128xi32, #tpu.memory_space<vmem>>
      %dma_start3A_29 = arith.constant 0 : i32
      %dma_start3A_30 = arith.constant 0 : i32
      %dma_start3A_31 = tpu.memref_slice %arg2[%arg0, %dma_start3A_29, %dma_start3A_30] : memref<2x10240x128xf32, #tpu.memory_space<hbm>> -> memref<1x10240x128xf32, #tpu.memory_space<hbm>>
      %dma_start3A_32 = tpu.memref_squeeze %dma_start3A_31 : memref<1x10240x128xf32, #tpu.memory_space<hbm>> -> memref<10240x128xf32, #tpu.memory_space<hbm>>
      %dma_start3A_33 = arith.constant 0 : i32
      %dma_start3A_34 = arith.constant 0 : i32
      %dma_start3A_35 = tpu.memref_slice %dma_start3A_32[%dma_start3A_33, %dma_start3A_34] : memref<10240x128xf32, #tpu.memory_space<hbm>> -> memref<10240x128xf32, #tpu.memory_space<hbm>>
      tpu.enqueue_indirect_dma source(%dma_start3A_35 : memref<10240x128xf32, #tpu.memory_space<hbm>>) target(%dma_start3A_25 : memref<128x128xf32, #tpu.memory_space<vmem>>) offsets(%dma_start3A_28 : memref<128xi32, #tpu.memory_space<vmem>>) semaphore(%arg10 : memref<!tpu.dma_semaphore, #tpu.memory_space<semaphore_mem>>)
      %scan3A_36 = arith.constant 0 : i32
      %scan3A_37 = arith.constant 1 : i32
      %scan3A_38 = arith.constant 0 : i32
      %scan3A_39 = arith.constant 0 : i32
      %scan3A_40 = arith.constant 19 : i32
      %scan3A_41 = arith.addi %scan3A_39, %scan3A_40 : i32
      %scan3A_42 = arith.constant 1 : i32
      scf.for %scan3A_94 = %scan3A_39 to %scan3A_41 step %scan3A_42  : i32 {
        %mul3A_95 = arith.constant 2 : i32
        %mul3A_96 = arith.muli %mul3A_95, %scan3A_94 : i32
        %add3A_97 = arith.constant 1 : i32
        %add3A_98 = arith.addi %mul3A_96, %add3A_97 : i32
        %dma_start3A_99 = arith.constant 0 : i32
        %dma_start3A_100 = arith.constant 0 : i32
        %dma_start3A_101 = tpu.memref_slice %arg9[%scan3A_37, %dma_start3A_99, %dma_start3A_100] : memref<2x128x128xf32, #tpu.memory_space<vmem>> -> memref<1x128x128xf32, #tpu.memory_space<vmem>>
        %dma_start3A_102 = tpu.memref_squeeze %dma_start3A_101 : memref<1x128x128xf32, #tpu.memory_space<vmem>> -> memref<128x128xf32, #tpu.memory_space<vmem>>
        %dma_start3A_103 = arith.constant 0 : i32
        %dma_start3A_104 = tpu.memref_slice %arg7[%add3A_98, %dma_start3A_103] : memref<40x128xi32, #tpu.memory_space<vmem>> -> memref<1x128xi32, #tpu.memory_space<vmem>>
        %dma_start3A_105 = tpu.memref_squeeze %dma_start3A_104 : memref<1x128xi32, #tpu.memory_space<vmem>> -> memref<128xi32, #tpu.memory_space<vmem>>
        %dma_start3A_106 = arith.constant 0 : i32
        %dma_start3A_107 = arith.constant 0 : i32
        %dma_start3A_108 = tpu.memref_slice %arg2[%arg0, %dma_start3A_106, %dma_start3A_107] : memref<2x10240x128xf32, #tpu.memory_space<hbm>> -> memref<1x10240x128xf32, #tpu.memory_space<hbm>>
        %dma_start3A_109 = tpu.memref_squeeze %dma_start3A_108 : memref<1x10240x128xf32, #tpu.memory_space<hbm>> -> memref<10240x128xf32, #tpu.memory_space<hbm>>
        %dma_start3A_110 = arith.constant 0 : i32
        %dma_start3A_111 = arith.constant 0 : i32
        %dma_start3A_112 = tpu.memref_slice %dma_start3A_109[%dma_start3A_110, %dma_start3A_111] : memref<10240x128xf32, #tpu.memory_space<hbm>> -> memref<10240x128xf32, #tpu.memory_space<hbm>>
        tpu.enqueue_indirect_dma source(%dma_start3A_112 : memref<10240x128xf32, #tpu.memory_space<hbm>>) target(%dma_start3A_102 : memref<128x128xf32, #tpu.memory_space<vmem>>) offsets(%dma_start3A_105 : memref<128xi32, #tpu.memory_space<vmem>>) semaphore(%arg11 : memref<!tpu.dma_semaphore, #tpu.memory_space<semaphore_mem>>)
        %dma_wait3A_113 = arith.constant 0 : i32
        %dma_wait3A_114 = arith.constant 0 : i32
        %dma_wait3A_115 = tpu.memref_slice %arg9[%scan3A_38, %dma_wait3A_113, %dma_wait3A_114] : memref<2x128x128xf32, #tpu.memory_space<vmem>> -> memref<1x128x128xf32, #tpu.memory_space<vmem>>
        %dma_wait3A_116 = tpu.memref_squeeze %dma_wait3A_115 : memref<1x128x128xf32, #tpu.memory_space<vmem>> -> memref<128x128xf32, #tpu.memory_space<vmem>>
        %dma_wait3A_117 = arith.constant 0 : i32
        %dma_wait3A_118 = tpu.memref_slice %arg7[%mul3A_96, %dma_wait3A_117] : memref<40x128xi32, #tpu.memory_space<vmem>> -> memref<1x128xi32, #tpu.memory_space<vmem>>
        %dma_wait3A_119 = tpu.memref_squeeze %dma_wait3A_118 : memref<1x128xi32, #tpu.memory_space<vmem>> -> memref<128xi32, #tpu.memory_space<vmem>>
        %dma_wait3A_120 = arith.constant 0 : i32
        %dma_wait3A_121 = arith.constant 0 : i32
        %dma_wait3A_122 = tpu.memref_slice %arg2[%arg0, %dma_wait3A_120, %dma_wait3A_121] : memref<2x10240x128xf32, #tpu.memory_space<hbm>> -> memref<1x10240x128xf32, #tpu.memory_space<hbm>>
        %dma_wait3A_123 = tpu.memref_squeeze %dma_wait3A_122 : memref<1x10240x128xf32, #tpu.memory_space<hbm>> -> memref<10240x128xf32, #tpu.memory_space<hbm>>
        %dma_wait3A_124 = arith.constant 0 : i32
        %dma_wait3A_125 = arith.constant 0 : i32
        %dma_wait3A_126 = tpu.memref_slice %dma_wait3A_123[%dma_wait3A_124, %dma_wait3A_125] : memref<10240x128xf32, #tpu.memory_space<hbm>> -> memref<10240x128xf32, #tpu.memory_space<hbm>>
        tpu.wait_indirect_dma semaphore(%arg10 : memref<!tpu.dma_semaphore, #tpu.memory_space<semaphore_mem>>) src(%dma_wait3A_126 : memref<10240x128xf32, #tpu.memory_space<hbm>>) dst(%dma_wait3A_116 : memref<128x128xf32, #tpu.memory_space<vmem>>)
        "tpu.region"() ({
          %run_scoped3A_161 = tpu.sem_alloc : memref<!tpu.dma_semaphore, #tpu.memory_space<semaphore_mem>>
          %dma_start3A_162 = arith.constant 0 : i32
          %dma_start3A_163 = arith.constant 0 : i32
          %dma_start3A_164 = tpu.memref_slice %arg9[%scan3A_38, %dma_start3A_162, %dma_start3A_163] : memref<2x128x128xf32, #tpu.memory_space<vmem>> -> memref<1x128x128xf32, #tpu.memory_space<vmem>>
          %dma_start3A_165 = tpu.memref_squeeze %dma_start3A_164 : memref<1x128x128xf32, #tpu.memory_space<vmem>> -> memref<128x128xf32, #tpu.memory_space<vmem>>
          %dma_start3A_166 = arith.constant 0 : i32
          %dma_start3A_167 = tpu.memref_slice %arg8[%mul3A_96, %dma_start3A_166] : memref<40x128xi32, #tpu.memory_space<vmem>> -> memref<1x128xi32, #tpu.memory_space<vmem>>
          %dma_start3A_168 = tpu.memref_squeeze %dma_start3A_167 : memref<1x128xi32, #tpu.memory_space<vmem>> -> memref<128xi32, #tpu.memory_space<vmem>>
          %dma_start3A_169 = arith.constant 0 : i32
          %dma_start3A_170 = arith.constant 0 : i32
          %dma_start3A_171 = tpu.memref_slice %arg12[%dma_start3A_169, %dma_start3A_170] : memref<10240x128xf32, #tpu.memory_space<vmem_shared>> -> memref<10240x128xf32, #tpu.memory_space<vmem_shared>>
          tpu.enqueue_indirect_dma source(%dma_start3A_165 : memref<128x128xf32, #tpu.memory_space<vmem>>) target(%dma_start3A_171 : memref<10240x128xf32, #tpu.memory_space<vmem_shared>>) offsets(%dma_start3A_168 : memref<128xi32, #tpu.memory_space<vmem>>) semaphore(%run_scoped3A_161 : memref<!tpu.dma_semaphore, #tpu.memory_space<semaphore_mem>>) {add = true}
          %dma_wait3A_172 = arith.constant 0 : i32
          %dma_wait3A_173 = arith.constant 0 : i32
          %dma_wait3A_174 = tpu.memref_slice %arg9[%scan3A_38, %dma_wait3A_172, %dma_wait3A_173] : memref<2x128x128xf32, #tpu.memory_space<vmem>> -> memref<1x128x128xf32, #tpu.memory_space<vmem>>
          %dma_wait3A_175 = tpu.memref_squeeze %dma_wait3A_174 : memref<1x128x128xf32, #tpu.memory_space<vmem>> -> memref<128x128xf32, #tpu.memory_space<vmem>>
          %dma_wait3A_176 = arith.constant 0 : i32
          %dma_wait3A_177 = tpu.memref_slice %arg8[%mul3A_96, %dma_wait3A_176] : memref<40x128xi32, #tpu.memory_space<vmem>> -> memref<1x128xi32, #tpu.memory_space<vmem>>
          %dma_wait3A_178 = tpu.memref_squeeze %dma_wait3A_177 : memref<1x128xi32, #tpu.memory_space<vmem>> -> memref<128xi32, #tpu.memory_space<vmem>>
          %dma_wait3A_179 = arith.constant 0 : i32
          %dma_wait3A_180 = arith.constant 0 : i32
          %dma_wait3A_181 = tpu.memref_slice %arg12[%dma_wait3A_179, %dma_wait3A_180] : memref<10240x128xf32, #tpu.memory_space<vmem_shared>> -> memref<10240x128xf32, #tpu.memory_space<vmem_shared>>
          tpu.wait_indirect_dma semaphore(%run_scoped3A_161 : memref<!tpu.dma_semaphore, #tpu.memory_space<semaphore_mem>>) src(%dma_wait3A_175 : memref<128x128xf32, #tpu.memory_space<vmem>>) dst(%dma_wait3A_181 : memref<10240x128xf32, #tpu.memory_space<vmem_shared>>)
          tpu.yield
        }) : () -> ()
        %add3A_127 = arith.constant 2 : i32
        %add3A_128 = arith.addi %mul3A_96, %add3A_127 : i32
        %dma_start3A_129 = arith.constant 0 : i32
        %dma_start3A_130 = arith.constant 0 : i32
        %dma_start3A_131 = tpu.memref_slice %arg9[%scan3A_38, %dma_start3A_129, %dma_start3A_130] : memref<2x128x128xf32, #tpu.memory_space<vmem>> -> memref<1x128x128xf32, #tpu.memory_space<vmem>>
        %dma_start3A_132 = tpu.memref_squeeze %dma_start3A_131 : memref<1x128x128xf32, #tpu.memory_space<vmem>> -> memref<128x128xf32, #tpu.memory_space<vmem>>
        %dma_start3A_133 = arith.constant 0 : i32
        %dma_start3A_134 = tpu.memref_slice %arg7[%add3A_128, %dma_start3A_133] : memref<40x128xi32, #tpu.memory_space<vmem>> -> memref<1x128xi32, #tpu.memory_space<vmem>>
        %dma_start3A_135 = tpu.memref_squeeze %dma_start3A_134 : memref<1x128xi32, #tpu.memory_space<vmem>> -> memref<128xi32, #tpu.memory_space<vmem>>
        %dma_start3A_136 = arith.constant 0 : i32
        %dma_start3A_137 = arith.constant 0 : i32
        %dma_start3A_138 = tpu.memref_slice %arg2[%arg0, %dma_start3A_136, %dma_start3A_137] : memref<2x10240x128xf32, #tpu.memory_space<hbm>> -> memref<1x10240x128xf32, #tpu.memory_space<hbm>>
        %dma_start3A_139 = tpu.memref_squeeze %dma_start3A_138 : memref<1x10240x128xf32, #tpu.memory_space<hbm>> -> memref<10240x128xf32, #tpu.memory_space<hbm>>
        %dma_start3A_140 = arith.constant 0 : i32
        %dma_start3A_141 = arith.constant 0 : i32
        %dma_start3A_142 = tpu.memref_slice %dma_start3A_139[%dma_start3A_140, %dma_start3A_141] : memref<10240x128xf32, #tpu.memory_space<hbm>> -> memref<10240x128xf32, #tpu.memory_space<hbm>>
        tpu.enqueue_indirect_dma source(%dma_start3A_142 : memref<10240x128xf32, #tpu.memory_space<hbm>>) target(%dma_start3A_132 : memref<128x128xf32, #tpu.memory_space<vmem>>) offsets(%dma_start3A_135 : memref<128xi32, #tpu.memory_space<vmem>>) semaphore(%arg10 : memref<!tpu.dma_semaphore, #tpu.memory_space<semaphore_mem>>)
        %add3A_143 = arith.constant 1 : i32
        %add3A_144 = arith.addi %mul3A_96, %add3A_143 : i32
        %dma_wait3A_145 = arith.constant 0 : i32
        %dma_wait3A_146 = arith.constant 0 : i32
        %dma_wait3A_147 = tpu.memref_slice %arg9[%scan3A_37, %dma_wait3A_145, %dma_wait3A_146] : memref<2x128x128xf32, #tpu.memory_space<vmem>> -> memref<1x128x128xf32, #tpu.memory_space<vmem>>
        %dma_wait3A_148 = tpu.memref_squeeze %dma_wait3A_147 : memref<1x128x128xf32, #tpu.memory_space<vmem>> -> memref<128x128xf32, #tpu.memory_space<vmem>>
        %dma_wait3A_149 = arith.constant 0 : i32
        %dma_wait3A_150 = tpu.memref_slice %arg7[%add3A_144, %dma_wait3A_149] : memref<40x128xi32, #tpu.memory_space<vmem>> -> memref<1x128xi32, #tpu.memory_space<vmem>>
        %dma_wait3A_151 = tpu.memref_squeeze %dma_wait3A_150 : memref<1x128xi32, #tpu.memory_space<vmem>> -> memref<128xi32, #tpu.memory_space<vmem>>
        %dma_wait3A_152 = arith.constant 0 : i32
        %dma_wait3A_153 = arith.constant 0 : i32
        %dma_wait3A_154 = tpu.memref_slice %arg2[%arg0, %dma_wait3A_152, %dma_wait3A_153] : memref<2x10240x128xf32, #tpu.memory_space<hbm>> -> memref<1x10240x128xf32, #tpu.memory_space<hbm>>
        %dma_wait3A_155 = tpu.memref_squeeze %dma_wait3A_154 : memref<1x10240x128xf32, #tpu.memory_space<hbm>> -> memref<10240x128xf32, #tpu.memory_space<hbm>>
        %dma_wait3A_156 = arith.constant 0 : i32
        %dma_wait3A_157 = arith.constant 0 : i32
        %dma_wait3A_158 = tpu.memref_slice %dma_wait3A_155[%dma_wait3A_156, %dma_wait3A_157] : memref<10240x128xf32, #tpu.memory_space<hbm>> -> memref<10240x128xf32, #tpu.memory_space<hbm>>
        tpu.wait_indirect_dma semaphore(%arg11 : memref<!tpu.dma_semaphore, #tpu.memory_space<semaphore_mem>>) src(%dma_wait3A_158 : memref<10240x128xf32, #tpu.memory_space<hbm>>) dst(%dma_wait3A_148 : memref<128x128xf32, #tpu.memory_space<vmem>>)
        %add3A_159 = arith.constant 1 : i32
        %add3A_160 = arith.addi %mul3A_96, %add3A_159 : i32
        "tpu.region"() ({
          %run_scoped3A_161 = tpu.sem_alloc : memref<!tpu.dma_semaphore, #tpu.memory_space<semaphore_mem>>
          %dma_start3A_162 = arith.constant 0 : i32
          %dma_start3A_163 = arith.constant 0 : i32
          %dma_start3A_164 = tpu.memref_slice %arg9[%scan3A_37, %dma_start3A_162, %dma_start3A_163] : memref<2x128x128xf32, #tpu.memory_space<vmem>> -> memref<1x128x128xf32, #tpu.memory_space<vmem>>
          %dma_start3A_165 = tpu.memref_squeeze %dma_start3A_164 : memref<1x128x128xf32, #tpu.memory_space<vmem>> -> memref<128x128xf32, #tpu.memory_space<vmem>>
          %dma_start3A_166 = arith.constant 0 : i32
          %dma_start3A_167 = tpu.memref_slice %arg8[%add3A_160, %dma_start3A_166] : memref<40x128xi32, #tpu.memory_space<vmem>> -> memref<1x128xi32, #tpu.memory_space<vmem>>
          %dma_start3A_168 = tpu.memref_squeeze %dma_start3A_167 : memref<1x128xi32, #tpu.memory_space<vmem>> -> memref<128xi32, #tpu.memory_space<vmem>>
          %dma_start3A_169 = arith.constant 0 : i32
          %dma_start3A_170 = arith.constant 0 : i32
          %dma_start3A_171 = tpu.memref_slice %arg12[%dma_start3A_169, %dma_start3A_170] : memref<10240x128xf32, #tpu.memory_space<vmem_shared>> -> memref<10240x128xf32, #tpu.memory_space<vmem_shared>>
          tpu.enqueue_indirect_dma source(%dma_start3A_165 : memref<128x128xf32, #tpu.memory_space<vmem>>) target(%dma_start3A_171 : memref<10240x128xf32, #tpu.memory_space<vmem_shared>>) offsets(%dma_start3A_168 : memref<128xi32, #tpu.memory_space<vmem>>) semaphore(%run_scoped3A_161 : memref<!tpu.dma_semaphore, #tpu.memory_space<semaphore_mem>>) {add = true}
          %dma_wait3A_172 = arith.constant 0 : i32
          %dma_wait3A_173 = arith.constant 0 : i32
          %dma_wait3A_174 = tpu.memref_slice %arg9[%scan3A_37, %dma_wait3A_172, %dma_wait3A_173] : memref<2x128x128xf32, #tpu.memory_space<vmem>> -> memref<1x128x128xf32, #tpu.memory_space<vmem>>
          %dma_wait3A_175 = tpu.memref_squeeze %dma_wait3A_174 : memref<1x128x128xf32, #tpu.memory_space<vmem>> -> memref<128x128xf32, #tpu.memory_space<vmem>>
          %dma_wait3A_176 = arith.constant 0 : i32
          %dma_wait3A_177 = tpu.memref_slice %arg8[%add3A_160, %dma_wait3A_176] : memref<40x128xi32, #tpu.memory_space<vmem>> -> memref<1x128xi32, #tpu.memory_space<vmem>>
          %dma_wait3A_178 = tpu.memref_squeeze %dma_wait3A_177 : memref<1x128xi32, #tpu.memory_space<vmem>> -> memref<128xi32, #tpu.memory_space<vmem>>
          %dma_wait3A_179 = arith.constant 0 : i32
          %dma_wait3A_180 = arith.constant 0 : i32
          %dma_wait3A_181 = tpu.memref_slice %arg12[%dma_wait3A_179, %dma_wait3A_180] : memref<10240x128xf32, #tpu.memory_space<vmem_shared>> -> memref<10240x128xf32, #tpu.memory_space<vmem_shared>>
          tpu.wait_indirect_dma semaphore(%run_scoped3A_161 : memref<!tpu.dma_semaphore, #tpu.memory_space<semaphore_mem>>) src(%dma_wait3A_175 : memref<128x128xf32, #tpu.memory_space<vmem>>) dst(%dma_wait3A_181 : memref<10240x128xf32, #tpu.memory_space<vmem_shared>>)
          tpu.yield
        }) : () -> ()
      }
      %scan3A_43 = arith.constant 19 : i32
      %dma_start3A_44 = arith.constant 39 : i32
      %dma_start3A_45 = arith.constant 1 : i32
      %dma_start3A_46 = arith.constant 0 : i32
      %dma_start3A_47 = arith.constant 0 : i32
      %dma_start3A_48 = tpu.memref_slice %arg9[%dma_start3A_45, %dma_start3A_46, %dma_start3A_47] : memref<2x128x128xf32, #tpu.memory_space<vmem>> -> memref<1x128x128xf32, #tpu.memory_space<vmem>>
      %dma_start3A_49 = tpu.memref_squeeze %dma_start3A_48 : memref<1x128x128xf32, #tpu.memory_space<vmem>> -> memref<128x128xf32, #tpu.memory_space<vmem>>
      %dma_start3A_50 = arith.constant 0 : i32
      %dma_start3A_51 = tpu.memref_slice %arg7[%dma_start3A_44, %dma_start3A_50] : memref<40x128xi32, #tpu.memory_space<vmem>> -> memref<1x128xi32, #tpu.memory_space<vmem>>
      %dma_start3A_52 = tpu.memref_squeeze %dma_start3A_51 : memref<1x128xi32, #tpu.memory_space<vmem>> -> memref<128xi32, #tpu.memory_space<vmem>>
      %dma_start3A_53 = arith.constant 0 : i32
      %dma_start3A_54 = arith.constant 0 : i32
      %dma_start3A_55 = tpu.memref_slice %arg2[%arg0, %dma_start3A_53, %dma_start3A_54] : memref<2x10240x128xf32, #tpu.memory_space<hbm>> -> memref<1x10240x128xf32, #tpu.memory_space<hbm>>
      %dma_start3A_56 = tpu.memref_squeeze %dma_start3A_55 : memref<1x10240x128xf32, #tpu.memory_space<hbm>> -> memref<10240x128xf32, #tpu.memory_space<hbm>>
      %dma_start3A_57 = arith.constant 0 : i32
      %dma_start3A_58 = arith.constant 0 : i32
      %dma_start3A_59 = tpu.memref_slice %dma_start3A_56[%dma_start3A_57, %dma_start3A_58] : memref<10240x128xf32, #tpu.memory_space<hbm>> -> memref<10240x128xf32, #tpu.memory_space<hbm>>
      tpu.enqueue_indirect_dma source(%dma_start3A_59 : memref<10240x128xf32, #tpu.memory_space<hbm>>) target(%dma_start3A_49 : memref<128x128xf32, #tpu.memory_space<vmem>>) offsets(%dma_start3A_52 : memref<128xi32, #tpu.memory_space<vmem>>) semaphore(%arg11 : memref<!tpu.dma_semaphore, #tpu.memory_space<semaphore_mem>>)
      %dma_wait3A = arith.constant 38 : i32
      %dma_wait3A_60 = arith.constant 0 : i32
      %dma_wait3A_61 = arith.constant 0 : i32
      %dma_wait3A_62 = arith.constant 0 : i32
      %dma_wait3A_63 = tpu.memref_slice %arg9[%dma_wait3A_60, %dma_wait3A_61, %dma_wait3A_62] : memref<2x128x128xf32, #tpu.memory_space<vmem>> -> memref<1x128x128xf32, #tpu.memory_space<vmem>>
      %dma_wait3A_64 = tpu.memref_squeeze %dma_wait3A_63 : memref<1x128x128xf32, #tpu.memory_space<vmem>> -> memref<128x128xf32, #tpu.memory_space<vmem>>
      %dma_wait3A_65 = arith.constant 0 : i32
      %dma_wait3A_66 = tpu.memref_slice %arg7[%dma_wait3A, %dma_wait3A_65] : memref<40x128xi32, #tpu.memory_space<vmem>> -> memref<1x128xi32, #tpu.memory_space<vmem>>
      %dma_wait3A_67 = tpu.memref_squeeze %dma_wait3A_66 : memref<1x128xi32, #tpu.memory_space<vmem>> -> memref<128xi32, #tpu.memory_space<vmem>>
      %dma_wait3A_68 = arith.constant 0 : i32
      %dma_wait3A_69 = arith.constant 0 : i32
      %dma_wait3A_70 = tpu.memref_slice %arg2[%arg0, %dma_wait3A_68, %dma_wait3A_69] : memref<2x10240x128xf32, #tpu.memory_space<hbm>> -> memref<1x10240x128xf32, #tpu.memory_space<hbm>>
      %dma_wait3A_71 = tpu.memref_squeeze %dma_wait3A_70 : memref<1x10240x128xf32, #tpu.memory_space<hbm>> -> memref<10240x128xf32, #tpu.memory_space<hbm>>
      %dma_wait3A_72 = arith.constant 0 : i32
      %dma_wait3A_73 = arith.constant 0 : i32
      %dma_wait3A_74 = tpu.memref_slice %dma_wait3A_71[%dma_wait3A_72, %dma_wait3A_73] : memref<10240x128xf32, #tpu.memory_space<hbm>> -> memref<10240x128xf32, #tpu.memory_space<hbm>>
      tpu.wait_indirect_dma semaphore(%arg10 : memref<!tpu.dma_semaphore, #tpu.memory_space<semaphore_mem>>) src(%dma_wait3A_74 : memref<10240x128xf32, #tpu.memory_space<hbm>>) dst(%dma_wait3A_64 : memref<128x128xf32, #tpu.memory_space<vmem>>)
      %run_scoped3A = arith.constant 0 : i32
      %run_scoped3A_75 = arith.constant 38 : i32
      "tpu.region"() ({
        %run_scoped3A_94 = tpu.sem_alloc : memref<!tpu.dma_semaphore, #tpu.memory_space<semaphore_mem>>
        %dma_start3A_95 = arith.constant 0 : i32
        %dma_start3A_96 = arith.constant 0 : i32
        %dma_start3A_97 = tpu.memref_slice %arg9[%run_scoped3A, %dma_start3A_95, %dma_start3A_96] : memref<2x128x128xf32, #tpu.memory_space<vmem>> -> memref<1x128x128xf32, #tpu.memory_space<vmem>>
        %dma_start3A_98 = tpu.memref_squeeze %dma_start3A_97 : memref<1x128x128xf32, #tpu.memory_space<vmem>> -> memref<128x128xf32, #tpu.memory_space<vmem>>
        %dma_start3A_99 = arith.constant 0 : i32
        %dma_start3A_100 = tpu.memref_slice %arg8[%run_scoped3A_75, %dma_start3A_99] : memref<40x128xi32, #tpu.memory_space<vmem>> -> memref<1x128xi32, #tpu.memory_space<vmem>>
        %dma_start3A_101 = tpu.memref_squeeze %dma_start3A_100 : memref<1x128xi32, #tpu.memory_space<vmem>> -> memref<128xi32, #tpu.memory_space<vmem>>
        %dma_start3A_102 = arith.constant 0 : i32
        %dma_start3A_103 = arith.constant 0 : i32
        %dma_start3A_104 = tpu.memref_slice %arg12[%dma_start3A_102, %dma_start3A_103] : memref<10240x128xf32, #tpu.memory_space<vmem_shared>> -> memref<10240x128xf32, #tpu.memory_space<vmem_shared>>
        tpu.enqueue_indirect_dma source(%dma_start3A_98 : memref<128x128xf32, #tpu.memory_space<vmem>>) target(%dma_start3A_104 : memref<10240x128xf32, #tpu.memory_space<vmem_shared>>) offsets(%dma_start3A_101 : memref<128xi32, #tpu.memory_space<vmem>>) semaphore(%run_scoped3A_94 : memref<!tpu.dma_semaphore, #tpu.memory_space<semaphore_mem>>) {add = true}
        %dma_wait3A_105 = arith.constant 0 : i32
        %dma_wait3A_106 = arith.constant 0 : i32
        %dma_wait3A_107 = tpu.memref_slice %arg9[%run_scoped3A, %dma_wait3A_105, %dma_wait3A_106] : memref<2x128x128xf32, #tpu.memory_space<vmem>> -> memref<1x128x128xf32, #tpu.memory_space<vmem>>
        %dma_wait3A_108 = tpu.memref_squeeze %dma_wait3A_107 : memref<1x128x128xf32, #tpu.memory_space<vmem>> -> memref<128x128xf32, #tpu.memory_space<vmem>>
        %dma_wait3A_109 = arith.constant 0 : i32
        %dma_wait3A_110 = tpu.memref_slice %arg8[%run_scoped3A_75, %dma_wait3A_109] : memref<40x128xi32, #tpu.memory_space<vmem>> -> memref<1x128xi32, #tpu.memory_space<vmem>>
        %dma_wait3A_111 = tpu.memref_squeeze %dma_wait3A_110 : memref<1x128xi32, #tpu.memory_space<vmem>> -> memref<128xi32, #tpu.memory_space<vmem>>
        %dma_wait3A_112 = arith.constant 0 : i32
        %dma_wait3A_113 = arith.constant 0 : i32
        %dma_wait3A_114 = tpu.memref_slice %arg12[%dma_wait3A_112, %dma_wait3A_113] : memref<10240x128xf32, #tpu.memory_space<vmem_shared>> -> memref<10240x128xf32, #tpu.memory_space<vmem_shared>>
        tpu.wait_indirect_dma semaphore(%run_scoped3A_94 : memref<!tpu.dma_semaphore, #tpu.memory_space<semaphore_mem>>) src(%dma_wait3A_108 : memref<128x128xf32, #tpu.memory_space<vmem>>) dst(%dma_wait3A_114 : memref<10240x128xf32, #tpu.memory_space<vmem_shared>>)
        tpu.yield
      }) : () -> ()
      %dma_wait3A_76 = arith.constant 39 : i32
      %dma_wait3A_77 = arith.constant 1 : i32
      %dma_wait3A_78 = arith.constant 0 : i32
      %dma_wait3A_79 = arith.constant 0 : i32
      %dma_wait3A_80 = tpu.memref_slice %arg9[%dma_wait3A_77, %dma_wait3A_78, %dma_wait3A_79] : memref<2x128x128xf32, #tpu.memory_space<vmem>> -> memref<1x128x128xf32, #tpu.memory_space<vmem>>
      %dma_wait3A_81 = tpu.memref_squeeze %dma_wait3A_80 : memref<1x128x128xf32, #tpu.memory_space<vmem>> -> memref<128x128xf32, #tpu.memory_space<vmem>>
      %dma_wait3A_82 = arith.constant 0 : i32
      %dma_wait3A_83 = tpu.memref_slice %arg7[%dma_wait3A_76, %dma_wait3A_82] : memref<40x128xi32, #tpu.memory_space<vmem>> -> memref<1x128xi32, #tpu.memory_space<vmem>>
      %dma_wait3A_84 = tpu.memref_squeeze %dma_wait3A_83 : memref<1x128xi32, #tpu.memory_space<vmem>> -> memref<128xi32, #tpu.memory_space<vmem>>
      %dma_wait3A_85 = arith.constant 0 : i32
      %dma_wait3A_86 = arith.constant 0 : i32
      %dma_wait3A_87 = tpu.memref_slice %arg2[%arg0, %dma_wait3A_85, %dma_wait3A_86] : memref<2x10240x128xf32, #tpu.memory_space<hbm>> -> memref<1x10240x128xf32, #tpu.memory_space<hbm>>
      %dma_wait3A_88 = tpu.memref_squeeze %dma_wait3A_87 : memref<1x10240x128xf32, #tpu.memory_space<hbm>> -> memref<10240x128xf32, #tpu.memory_space<hbm>>
      %dma_wait3A_89 = arith.constant 0 : i32
      %dma_wait3A_90 = arith.constant 0 : i32
      %dma_wait3A_91 = tpu.memref_slice %dma_wait3A_88[%dma_wait3A_89, %dma_wait3A_90] : memref<10240x128xf32, #tpu.memory_space<hbm>> -> memref<10240x128xf32, #tpu.memory_space<hbm>>
      tpu.wait_indirect_dma semaphore(%arg11 : memref<!tpu.dma_semaphore, #tpu.memory_space<semaphore_mem>>) src(%dma_wait3A_91 : memref<10240x128xf32, #tpu.memory_space<hbm>>) dst(%dma_wait3A_81 : memref<128x128xf32, #tpu.memory_space<vmem>>)
      %run_scoped3A_92 = arith.constant 1 : i32
      %run_scoped3A_93 = arith.constant 39 : i32
      "tpu.region"() ({
        %run_scoped3A_94 = tpu.sem_alloc : memref<!tpu.dma_semaphore, #tpu.memory_space<semaphore_mem>>
        %dma_start3A_95 = arith.constant 0 : i32
        %dma_start3A_96 = arith.constant 0 : i32
        %dma_start3A_97 = tpu.memref_slice %arg9[%run_scoped3A_92, %dma_start3A_95, %dma_start3A_96] : memref<2x128x128xf32, #tpu.memory_space<vmem>> -> memref<1x128x128xf32, #tpu.memory_space<vmem>>
        %dma_start3A_98 = tpu.memref_squeeze %dma_start3A_97 : memref<1x128x128xf32, #tpu.memory_space<vmem>> -> memref<128x128xf32, #tpu.memory_space<vmem>>
        %dma_start3A_99 = arith.constant 0 : i32
        %dma_start3A_100 = tpu.memref_slice %arg8[%run_scoped3A_93, %dma_start3A_99] : memref<40x128xi32, #tpu.memory_space<vmem>> -> memref<1x128xi32, #tpu.memory_space<vmem>>
        %dma_start3A_101 = tpu.memref_squeeze %dma_start3A_100 : memref<1x128xi32, #tpu.memory_space<vmem>> -> memref<128xi32, #tpu.memory_space<vmem>>
        %dma_start3A_102 = arith.constant 0 : i32
        %dma_start3A_103 = arith.constant 0 : i32
        %dma_start3A_104 = tpu.memref_slice %arg12[%dma_start3A_102, %dma_start3A_103] : memref<10240x128xf32, #tpu.memory_space<vmem_shared>> -> memref<10240x128xf32, #tpu.memory_space<vmem_shared>>
        tpu.enqueue_indirect_dma source(%dma_start3A_98 : memref<128x128xf32, #tpu.memory_space<vmem>>) target(%dma_start3A_104 : memref<10240x128xf32, #tpu.memory_space<vmem_shared>>) offsets(%dma_start3A_101 : memref<128xi32, #tpu.memory_space<vmem>>) semaphore(%run_scoped3A_94 : memref<!tpu.dma_semaphore, #tpu.memory_space<semaphore_mem>>) {add = true}
        %dma_wait3A_105 = arith.constant 0 : i32
        %dma_wait3A_106 = arith.constant 0 : i32
        %dma_wait3A_107 = tpu.memref_slice %arg9[%run_scoped3A_92, %dma_wait3A_105, %dma_wait3A_106] : memref<2x128x128xf32, #tpu.memory_space<vmem>> -> memref<1x128x128xf32, #tpu.memory_space<vmem>>
        %dma_wait3A_108 = tpu.memref_squeeze %dma_wait3A_107 : memref<1x128x128xf32, #tpu.memory_space<vmem>> -> memref<128x128xf32, #tpu.memory_space<vmem>>
        %dma_wait3A_109 = arith.constant 0 : i32
        %dma_wait3A_110 = tpu.memref_slice %arg8[%run_scoped3A_93, %dma_wait3A_109] : memref<40x128xi32, #tpu.memory_space<vmem>> -> memref<1x128xi32, #tpu.memory_space<vmem>>
        %dma_wait3A_111 = tpu.memref_squeeze %dma_wait3A_110 : memref<1x128xi32, #tpu.memory_space<vmem>> -> memref<128xi32, #tpu.memory_space<vmem>>
        %dma_wait3A_112 = arith.constant 0 : i32
        %dma_wait3A_113 = arith.constant 0 : i32
        %dma_wait3A_114 = tpu.memref_slice %arg12[%dma_wait3A_112, %dma_wait3A_113] : memref<10240x128xf32, #tpu.memory_space<vmem_shared>> -> memref<10240x128xf32, #tpu.memory_space<vmem_shared>>
        tpu.wait_indirect_dma semaphore(%run_scoped3A_94 : memref<!tpu.dma_semaphore, #tpu.memory_space<semaphore_mem>>) src(%dma_wait3A_108 : memref<128x128xf32, #tpu.memory_space<vmem>>) dst(%dma_wait3A_114 : memref<10240x128xf32, #tpu.memory_space<vmem_shared>>)
        tpu.yield
      }) : () -> ()
    }
    %scan3A_11 = arith.constant 2 : i32
    %barrier3A_12 = arith.constant 0 : index
    tpu.barrier barrier_id(%barrier3A_12)
    %mul3A_13 = arith.constant 640 : i32
    %mul3A_14 = arith.muli %arg1, %mul3A_13 : i32
    %mul3A_15 = arith.constant 640 : i32
    %mul3A_16 = arith.muli %arg1, %mul3A_15 : i32
    "tpu.region"() ({
      %run_scoped3A = tpu.sem_alloc : memref<!tpu.dma_semaphore, #tpu.memory_space<semaphore_mem>>
      %dma_start3A = arith.constant 0 : i32
      %dma_start3A_17 = tpu.memref_slice %arg6[%arg0, %mul3A_16, %dma_start3A] : memref<2x10240x128xf32, #tpu.memory_space<hbm>> -> memref<1x640x128xf32, #tpu.memory_space<hbm>>
      %dma_start3A_18 = tpu.memref_squeeze %dma_start3A_17 : memref<1x640x128xf32, #tpu.memory_space<hbm>> -> memref<640x128xf32, #tpu.memory_space<hbm>>
      %dma_start3A_19 = arith.constant 0 : i32
      %dma_start3A_20 = tpu.memref_slice %arg12[%mul3A_14, %dma_start3A_19] : memref<10240x128xf32, #tpu.memory_space<vmem_shared>> -> memref<640x128xf32, #tpu.memory_space<vmem_shared>>
      tpu.enqueue_dma source(%dma_start3A_20 : memref<640x128xf32, #tpu.memory_space<vmem_shared>>) target(%dma_start3A_18 : memref<640x128xf32, #tpu.memory_space<hbm>>) target_semaphore(%run_scoped3A : memref<!tpu.dma_semaphore, #tpu.memory_space<semaphore_mem>>)
      %dma_wait3A = arith.constant 0 : i32
      %dma_wait3A_21 = tpu.memref_slice %arg6[%arg0, %mul3A_16, %dma_wait3A] : memref<2x10240x128xf32, #tpu.memory_space<hbm>> -> memref<1x640x128xf32, #tpu.memory_space<hbm>>
      %dma_wait3A_22 = tpu.memref_squeeze %dma_wait3A_21 : memref<1x640x128xf32, #tpu.memory_space<hbm>> -> memref<640x128xf32, #tpu.memory_space<hbm>>
      %dma_wait3A_23 = arith.constant 0 : i32
      %dma_wait3A_24 = tpu.memref_slice %arg12[%mul3A_14, %dma_wait3A_23] : memref<10240x128xf32, #tpu.memory_space<vmem_shared>> -> memref<640x128xf32, #tpu.memory_space<vmem_shared>>
      tpu.wait_dma2 semaphore(%run_scoped3A : memref<!tpu.dma_semaphore, #tpu.memory_space<semaphore_mem>>) src(%dma_wait3A_24 : memref<640x128xf32, #tpu.memory_space<vmem_shared>>) dst(%dma_wait3A_22 : memref<640x128xf32, #tpu.memory_space<hbm>>)
      tpu.yield
    }) : () -> ()
    return
  }
}

#map = affine_map<(d0, d1) -> (0, 0)>
#map1 = affine_map<(d0, d1) -> (0)>
module attributes {stable_mosaic.version = 14 : i64} {
  func.func @k(%arg0: i32, %arg1: i32, %arg2: memref<2560x128xi32, #tpu.memory_space<hbm>>, %arg3: memref<2560x128xi32, #tpu.memory_space<hbm>>, %arg4: memref<10240xf32, #tpu.memory_space<hbm>>, %arg5: memref<2x10240xf32, #tpu.memory_space<hbm>>, %arg6: memref<160x128xi32, #tpu.memory_space<vmem>>, %arg7: memref<128xf32, #tpu.memory_space<vmem>>, %arg8: memref<10240xf32, #tpu.memory_space<vmem_shared>>) attributes {dimension_semantics = [#tpu.dimension_semantics<core_parallel>, #tpu.dimension_semantics<subcore_parallel>], iteration_bounds = array<i64: 2, 16>, scalar_prefetch = 0 : i64, scratch_operands = 3 : i64, tpu.core_type = #tpu.core_type<sc_vector_subcore>, window_params = [{transform_indices = #map}, {transform_indices = #map}, {transform_indices = #map1}, {transform_indices = #map}]} {
    %broadcast_in_dim3A = arith.constant 1.000000e+00 : f32
    %broadcast_in_dim3A_0 = vector.broadcast %broadcast_in_dim3A : f32 to vector<16xf32>
    %swap3A = arith.constant 0 : index
    %swap3A_1 = tpu.vector_load %arg7[%swap3A] {strides = array<i32>} : memref<128xf32, #tpu.memory_space<vmem>>, vector<16xf32>,
    %swap3A_2 = vector.shape_cast %swap3A_1 : vector<16xf32> to vector<16xf32>
    %swap3A_3 = vector.shape_cast %broadcast_in_dim3A_0 : vector<16xf32> to vector<16xf32>
    tpu.vector_store %arg7[%swap3A], %swap3A_3 {strides = array<i32>} : memref<128xf32, #tpu.memory_space<vmem>>, vector<16xf32>,
    %broadcast_in_dim3A_4 = arith.constant 1.000000e+00 : f32
    %broadcast_in_dim3A_5 = vector.broadcast %broadcast_in_dim3A_4 : f32 to vector<16xf32>
    %swap3A_6 = arith.constant 16 : index
    %swap3A_7 = tpu.vector_load %arg7[%swap3A_6] {strides = array<i32>} : memref<128xf32, #tpu.memory_space<vmem>>, vector<16xf32>,
    %swap3A_8 = vector.shape_cast %swap3A_7 : vector<16xf32> to vector<16xf32>
    %swap3A_9 = vector.shape_cast %broadcast_in_dim3A_5 : vector<16xf32> to vector<16xf32>
    tpu.vector_store %arg7[%swap3A_6], %swap3A_9 {strides = array<i32>} : memref<128xf32, #tpu.memory_space<vmem>>, vector<16xf32>,
    %broadcast_in_dim3A_10 = arith.constant 1.000000e+00 : f32
    %broadcast_in_dim3A_11 = vector.broadcast %broadcast_in_dim3A_10 : f32 to vector<16xf32>
    %swap3A_12 = arith.constant 32 : index
    %swap3A_13 = tpu.vector_load %arg7[%swap3A_12] {strides = array<i32>} : memref<128xf32, #tpu.memory_space<vmem>>, vector<16xf32>,
    %swap3A_14 = vector.shape_cast %swap3A_13 : vector<16xf32> to vector<16xf32>
    %swap3A_15 = vector.shape_cast %broadcast_in_dim3A_11 : vector<16xf32> to vector<16xf32>
    tpu.vector_store %arg7[%swap3A_12], %swap3A_15 {strides = array<i32>} : memref<128xf32, #tpu.memory_space<vmem>>, vector<16xf32>,
    %broadcast_in_dim3A_16 = arith.constant 1.000000e+00 : f32
    %broadcast_in_dim3A_17 = vector.broadcast %broadcast_in_dim3A_16 : f32 to vector<16xf32>
    %swap3A_18 = arith.constant 48 : index
    %swap3A_19 = tpu.vector_load %arg7[%swap3A_18] {strides = array<i32>} : memref<128xf32, #tpu.memory_space<vmem>>, vector<16xf32>,
    %swap3A_20 = vector.shape_cast %swap3A_19 : vector<16xf32> to vector<16xf32>
    %swap3A_21 = vector.shape_cast %broadcast_in_dim3A_17 : vector<16xf32> to vector<16xf32>
    tpu.vector_store %arg7[%swap3A_18], %swap3A_21 {strides = array<i32>} : memref<128xf32, #tpu.memory_space<vmem>>, vector<16xf32>,
    %broadcast_in_dim3A_22 = arith.constant 1.000000e+00 : f32
    %broadcast_in_dim3A_23 = vector.broadcast %broadcast_in_dim3A_22 : f32 to vector<16xf32>
    %swap3A_24 = arith.constant 64 : index
    %swap3A_25 = tpu.vector_load %arg7[%swap3A_24] {strides = array<i32>} : memref<128xf32, #tpu.memory_space<vmem>>, vector<16xf32>,
    %swap3A_26 = vector.shape_cast %swap3A_25 : vector<16xf32> to vector<16xf32>
    %swap3A_27 = vector.shape_cast %broadcast_in_dim3A_23 : vector<16xf32> to vector<16xf32>
    tpu.vector_store %arg7[%swap3A_24], %swap3A_27 {strides = array<i32>} : memref<128xf32, #tpu.memory_space<vmem>>, vector<16xf32>,
    %broadcast_in_dim3A_28 = arith.constant 1.000000e+00 : f32
    %broadcast_in_dim3A_29 = vector.broadcast %broadcast_in_dim3A_28 : f32 to vector<16xf32>
    %swap3A_30 = arith.constant 80 : index
    %swap3A_31 = tpu.vector_load %arg7[%swap3A_30] {strides = array<i32>} : memref<128xf32, #tpu.memory_space<vmem>>, vector<16xf32>,
    %swap3A_32 = vector.shape_cast %swap3A_31 : vector<16xf32> to vector<16xf32>
    %swap3A_33 = vector.shape_cast %broadcast_in_dim3A_29 : vector<16xf32> to vector<16xf32>
    tpu.vector_store %arg7[%swap3A_30], %swap3A_33 {strides = array<i32>} : memref<128xf32, #tpu.memory_space<vmem>>, vector<16xf32>,
    %broadcast_in_dim3A_34 = arith.constant 1.000000e+00 : f32
    %broadcast_in_dim3A_35 = vector.broadcast %broadcast_in_dim3A_34 : f32 to vector<16xf32>
    %swap3A_36 = arith.constant 96 : index
    %swap3A_37 = tpu.vector_load %arg7[%swap3A_36] {strides = array<i32>} : memref<128xf32, #tpu.memory_space<vmem>>, vector<16xf32>,
    %swap3A_38 = vector.shape_cast %swap3A_37 : vector<16xf32> to vector<16xf32>
    %swap3A_39 = vector.shape_cast %broadcast_in_dim3A_35 : vector<16xf32> to vector<16xf32>
    tpu.vector_store %arg7[%swap3A_36], %swap3A_39 {strides = array<i32>} : memref<128xf32, #tpu.memory_space<vmem>>, vector<16xf32>,
    %broadcast_in_dim3A_40 = arith.constant 1.000000e+00 : f32
    %broadcast_in_dim3A_41 = vector.broadcast %broadcast_in_dim3A_40 : f32 to vector<16xf32>
    %swap3A_42 = arith.constant 112 : index
    %swap3A_43 = tpu.vector_load %arg7[%swap3A_42] {strides = array<i32>} : memref<128xf32, #tpu.memory_space<vmem>>, vector<16xf32>,
    %swap3A_44 = vector.shape_cast %swap3A_43 : vector<16xf32> to vector<16xf32>
    %swap3A_45 = vector.shape_cast %broadcast_in_dim3A_41 : vector<16xf32> to vector<16xf32>
    tpu.vector_store %arg7[%swap3A_42], %swap3A_45 {strides = array<i32>} : memref<128xf32, #tpu.memory_space<vmem>>, vector<16xf32>,
    %mul3A = arith.constant 640 : i32
    %mul3A_46 = arith.muli %arg1, %mul3A : i32
    %mul3A_47 = arith.constant 640 : i32
    %mul3A_48 = arith.muli %arg1, %mul3A_47 : i32
    "tpu.region"() ({
      %run_scoped3A = tpu.sem_alloc : memref<!tpu.dma_semaphore, #tpu.memory_space<semaphore_mem>>
      %dma_start3A = tpu.memref_slice %arg8[%mul3A_48] : memref<10240xf32, #tpu.memory_space<vmem_shared>> -> memref<640xf32, #tpu.memory_space<vmem_shared>>
      %dma_start3A_66 = tpu.memref_slice %arg4[%mul3A_46] : memref<10240xf32, #tpu.memory_space<hbm>> -> memref<640xf32, #tpu.memory_space<hbm>>
      tpu.enqueue_dma source(%dma_start3A_66 : memref<640xf32, #tpu.memory_space<hbm>>) target(%dma_start3A : memref<640xf32, #tpu.memory_space<vmem_shared>>) target_semaphore(%run_scoped3A : memref<!tpu.dma_semaphore, #tpu.memory_space<semaphore_mem>>)
      %dma_wait3A = tpu.memref_slice %arg8[%mul3A_48] : memref<10240xf32, #tpu.memory_space<vmem_shared>> -> memref<640xf32, #tpu.memory_space<vmem_shared>>
      %dma_wait3A_67 = tpu.memref_slice %arg4[%mul3A_46] : memref<10240xf32, #tpu.memory_space<hbm>> -> memref<640xf32, #tpu.memory_space<hbm>>
      tpu.wait_dma2 semaphore(%run_scoped3A : memref<!tpu.dma_semaphore, #tpu.memory_space<semaphore_mem>>) src(%dma_wait3A_67 : memref<640xf32, #tpu.memory_space<hbm>>) dst(%dma_wait3A : memref<640xf32, #tpu.memory_space<vmem_shared>>)
      tpu.yield
    }) : () -> ()
    %eq3A = arith.constant 0 : i32
    %eq3A_49 = arith.cmpi eq, %arg0, %eq3A : i32
    %convert_element_type3A = arith.extui %eq3A_49 : i1 to i32
    %cond3A = arith.constant 0 : i32
    %cond3A_50 = arith.cmpi ne, %convert_element_type3A, %cond3A : i32
    scf.if %cond3A_50 {
      %mul3A_66 = arith.constant 160 : i32
      %mul3A_67 = arith.muli %arg1, %mul3A_66 : i32
      "tpu.region"() ({
        %run_scoped3A = tpu.sem_alloc : memref<!tpu.dma_semaphore, #tpu.memory_space<semaphore_mem>>
        %dma_start3A = arith.constant 0 : i32
        %dma_start3A_68 = tpu.memref_slice %arg2[%mul3A_67, %dma_start3A] : memref<2560x128xi32, #tpu.memory_space<hbm>> -> memref<160x128xi32, #tpu.memory_space<hbm>>
        %dma_start3A_69 = arith.constant 0 : i32
        %dma_start3A_70 = tpu.memref_slice %arg2[%mul3A_67, %dma_start3A_69] : memref<2560x128xi32, #tpu.memory_space<hbm>> -> memref<160x128xi32, #tpu.memory_space<hbm>>
        tpu.enqueue_dma source(%dma_start3A_70 : memref<160x128xi32, #tpu.memory_space<hbm>>) target(%arg6 : memref<160x128xi32, #tpu.memory_space<vmem>>) target_semaphore(%run_scoped3A : memref<!tpu.dma_semaphore, #tpu.memory_space<semaphore_mem>>)
        %dma_wait3A = arith.constant 0 : i32
        %dma_wait3A_71 = tpu.memref_slice %arg2[%mul3A_67, %dma_wait3A] : memref<2560x128xi32, #tpu.memory_space<hbm>> -> memref<160x128xi32, #tpu.memory_space<hbm>>
        %dma_wait3A_72 = arith.constant 0 : i32
        %dma_wait3A_73 = tpu.memref_slice %arg2[%mul3A_67, %dma_wait3A_72] : memref<2560x128xi32, #tpu.memory_space<hbm>> -> memref<160x128xi32, #tpu.memory_space<hbm>>
        tpu.wait_dma2 semaphore(%run_scoped3A : memref<!tpu.dma_semaphore, #tpu.memory_space<semaphore_mem>>) src(%dma_wait3A_73 : memref<160x128xi32, #tpu.memory_space<hbm>>) dst(%arg6 : memref<160x128xi32, #tpu.memory_space<vmem>>)
        tpu.yield
      }) : () -> ()
    } else {
    }
    %eq3A_51 = arith.constant 1 : i32
    %eq3A_52 = arith.cmpi eq, %arg0, %eq3A_51 : i32
    %convert_element_type3A_53 = arith.extui %eq3A_52 : i1 to i32
    %cond3A_54 = arith.constant 0 : i32
    %cond3A_55 = arith.cmpi ne, %convert_element_type3A_53, %cond3A_54 : i32
    scf.if %cond3A_55 {
      %mul3A_66 = arith.constant 160 : i32
      %mul3A_67 = arith.muli %arg1, %mul3A_66 : i32
      "tpu.region"() ({
        %run_scoped3A = tpu.sem_alloc : memref<!tpu.dma_semaphore, #tpu.memory_space<semaphore_mem>>
        %dma_start3A = arith.constant 0 : i32
        %dma_start3A_68 = tpu.memref_slice %arg3[%mul3A_67, %dma_start3A] : memref<2560x128xi32, #tpu.memory_space<hbm>> -> memref<160x128xi32, #tpu.memory_space<hbm>>
        %dma_start3A_69 = arith.constant 0 : i32
        %dma_start3A_70 = tpu.memref_slice %arg3[%mul3A_67, %dma_start3A_69] : memref<2560x128xi32, #tpu.memory_space<hbm>> -> memref<160x128xi32, #tpu.memory_space<hbm>>
        tpu.enqueue_dma source(%dma_start3A_70 : memref<160x128xi32, #tpu.memory_space<hbm>>) target(%arg6 : memref<160x128xi32, #tpu.memory_space<vmem>>) target_semaphore(%run_scoped3A : memref<!tpu.dma_semaphore, #tpu.memory_space<semaphore_mem>>)
        %dma_wait3A = arith.constant 0 : i32
        %dma_wait3A_71 = tpu.memref_slice %arg3[%mul3A_67, %dma_wait3A] : memref<2560x128xi32, #tpu.memory_space<hbm>> -> memref<160x128xi32, #tpu.memory_space<hbm>>
        %dma_wait3A_72 = arith.constant 0 : i32
        %dma_wait3A_73 = tpu.memref_slice %arg3[%mul3A_67, %dma_wait3A_72] : memref<2560x128xi32, #tpu.memory_space<hbm>> -> memref<160x128xi32, #tpu.memory_space<hbm>>
        tpu.wait_dma2 semaphore(%run_scoped3A : memref<!tpu.dma_semaphore, #tpu.memory_space<semaphore_mem>>) src(%dma_wait3A_73 : memref<160x128xi32, #tpu.memory_space<hbm>>) dst(%arg6 : memref<160x128xi32, #tpu.memory_space<vmem>>)
        tpu.yield
      }) : () -> ()
    } else {
    }
    %barrier3A = arith.constant 0 : index
    tpu.barrier barrier_id(%barrier3A)
    %scan3A = arith.constant 0 : i32
    %scan3A_56 = arith.constant 0 : i32
    %scan3A_57 = arith.constant 160 : i32
    %scan3A_58 = arith.addi %scan3A_56, %scan3A_57 : i32
    %scan3A_59 = arith.constant 1 : i32
    scf.for %scan3A_66 = %scan3A_56 to %scan3A_58 step %scan3A_59  : i32 {
      "tpu.region"() ({
        %run_scoped3A = tpu.sem_alloc : memref<!tpu.dma_semaphore, #tpu.memory_space<semaphore_mem>>
        %dma_start3A = arith.constant 0 : i32
        %dma_start3A_67 = tpu.memref_slice %arg6[%scan3A_66, %dma_start3A] : memref<160x128xi32, #tpu.memory_space<vmem>> -> memref<1x128xi32, #tpu.memory_space<vmem>>
        %dma_start3A_68 = tpu.memref_squeeze %dma_start3A_67 : memref<1x128xi32, #tpu.memory_space<vmem>> -> memref<128xi32, #tpu.memory_space<vmem>>
        %dma_start3A_69 = arith.constant 0 : i32
        %dma_start3A_70 = tpu.memref_slice %arg8[%dma_start3A_69] : memref<10240xf32, #tpu.memory_space<vmem_shared>> -> memref<10240xf32, #tpu.memory_space<vmem_shared>>
        tpu.enqueue_indirect_dma source(%arg7 : memref<128xf32, #tpu.memory_space<vmem>>) target(%dma_start3A_70 : memref<10240xf32, #tpu.memory_space<vmem_shared>>) offsets(%dma_start3A_68 : memref<128xi32, #tpu.memory_space<vmem>>) semaphore(%run_scoped3A : memref<!tpu.dma_semaphore, #tpu.memory_space<semaphore_mem>>) {add = true}
        %dma_wait3A = arith.constant 0 : i32
        %dma_wait3A_71 = tpu.memref_slice %arg6[%scan3A_66, %dma_wait3A] : memref<160x128xi32, #tpu.memory_space<vmem>> -> memref<1x128xi32, #tpu.memory_space<vmem>>
        %dma_wait3A_72 = tpu.memref_squeeze %dma_wait3A_71 : memref<1x128xi32, #tpu.memory_space<vmem>> -> memref<128xi32, #tpu.memory_space<vmem>>
        %dma_wait3A_73 = arith.constant 0 : i32
        %dma_wait3A_74 = tpu.memref_slice %arg8[%dma_wait3A_73] : memref<10240xf32, #tpu.memory_space<vmem_shared>> -> memref<10240xf32, #tpu.memory_space<vmem_shared>>
        tpu.wait_indirect_dma semaphore(%run_scoped3A : memref<!tpu.dma_semaphore, #tpu.memory_space<semaphore_mem>>) src(%arg7 : memref<128xf32, #tpu.memory_space<vmem>>) dst(%dma_wait3A_74 : memref<10240xf32, #tpu.memory_space<vmem_shared>>)
        tpu.yield
      }) : () -> ()
    }
    %scan3A_60 = arith.constant 160 : i32
    %barrier3A_61 = arith.constant 0 : index
    tpu.barrier barrier_id(%barrier3A_61)
    %mul3A_62 = arith.constant 640 : i32
    %mul3A_63 = arith.muli %arg1, %mul3A_62 : i32
    %mul3A_64 = arith.constant 640 : i32
    %mul3A_65 = arith.muli %arg1, %mul3A_64 : i32
    "tpu.region"() ({
      %run_scoped3A = tpu.sem_alloc : memref<!tpu.dma_semaphore, #tpu.memory_space<semaphore_mem>>
      %dma_start3A = tpu.memref_slice %arg5[%arg0, %mul3A_65] : memref<2x10240xf32, #tpu.memory_space<hbm>> -> memref<1x640xf32, #tpu.memory_space<hbm>>
      %dma_start3A_66 = tpu.memref_squeeze %dma_start3A : memref<1x640xf32, #tpu.memory_space<hbm>> -> memref<640xf32, #tpu.memory_space<hbm>>
      %dma_start3A_67 = tpu.memref_slice %arg8[%mul3A_63] : memref<10240xf32, #tpu.memory_space<vmem_shared>> -> memref<640xf32, #tpu.memory_space<vmem_shared>>
      tpu.enqueue_dma source(%dma_start3A_67 : memref<640xf32, #tpu.memory_space<vmem_shared>>) target(%dma_start3A_66 : memref<640xf32, #tpu.memory_space<hbm>>) target_semaphore(%run_scoped3A : memref<!tpu.dma_semaphore, #tpu.memory_space<semaphore_mem>>)
      %dma_wait3A = tpu.memref_slice %arg5[%arg0, %mul3A_65] : memref<2x10240xf32, #tpu.memory_space<hbm>> -> memref<1x640xf32, #tpu.memory_space<hbm>>
      %dma_wait3A_68 = tpu.memref_squeeze %dma_wait3A : memref<1x640xf32, #tpu.memory_space<hbm>> -> memref<640xf32, #tpu.memory_space<hbm>>
      %dma_wait3A_69 = tpu.memref_slice %arg8[%mul3A_63] : memref<10240xf32, #tpu.memory_space<vmem_shared>> -> memref<640xf32, #tpu.memory_space<vmem_shared>>
      tpu.wait_dma2 semaphore(%run_scoped3A : memref<!tpu.dma_semaphore, #tpu.memory_space<semaphore_mem>>) src(%dma_wait3A_69 : memref<640xf32, #tpu.memory_space<vmem_shared>>) dst(%dma_wait3A_68 : memref<640xf32, #tpu.memory_space<hbm>>)
      tpu.yield
    }) : () -> ()
    return
  }
}

module attributes {stable_mosaic.version = 14 : i64} {
  func.func @body(%arg0: i32, %arg1: memref<1280x1xf32, #tpu.memory_space<vmem>>, %arg2: memref<1280x128xf32, #tpu.memory_space<vmem>>, %arg3: memref<2x1280x128xf32, #tpu.memory_space<vmem>>) attributes {dimension_semantics = [#tpu.dimension_semantics<arbitrary>], iteration_bounds = array<i64: 8>, scalar_prefetch = 0 : i64, scratch_operands = 0 : i64, tpu.core_type = #tpu.core_type<tc>, window_params = [{transform_indices = @transform_0, window_bounds = array<i64: 1280, 1>}, {transform_indices = @transform_1, window_bounds = array<i64: 1280, 128>}, {transform_indices = @transform_2, window_bounds = array<i64: 2, 1280, 128>}]} {
    %get3A = arith.constant 0 : index
    %get3A_0 = arith.constant 0 : index
    %get3A_1 = vector.load %arg1[%get3A, %get3A_0] : memref<1280x1xf32, #tpu.memory_space<vmem>>, vector<1280x1xf32>
    %max3A = arith.constant 1.000000e+00 : f32
    %max3A_2 = vector.broadcast %max3A : f32 to vector<1280x1xf32>
    %max3A_3 = arith.maximumf %get3A_1, %max3A_2 : vector<1280x1xf32>
    %get3A_4 = arith.constant 0 : index
    %get3A_5 = arith.constant 0 : index
    %get3A_6 = vector.load %arg2[%get3A_4, %get3A_5] : memref<1280x128xf32, #tpu.memory_space<vmem>>, vector<1280x128xf32>
    %rsqrt3A = math.rsqrt %max3A_3 : vector<1280x1xf32>
    %mul3A = vector.broadcast %rsqrt3A : vector<1280x1xf32> to vector<1280x128xf32>
    %mul3A_7 = arith.mulf %get3A_6, %mul3A : vector<1280x128xf32>
    %swap3A = arith.constant 0 : index
    %swap3A_8 = arith.constant 0 : index
    %swap3A_9 = arith.constant 0 : index
    %swap3A_10 = vector.load %arg3[%swap3A, %swap3A_8, %swap3A_9] : memref<2x1280x128xf32, #tpu.memory_space<vmem>>, vector<1x1280x128xf32>
    %swap3A_11 = vector.shape_cast %swap3A_10 : vector<1x1280x128xf32> to vector<1280x128xf32>
    %swap3A_12 = vector.shape_cast %mul3A_7 : vector<1280x128xf32> to vector<1x1280x128xf32>
    tpu.vector_store %arg3[%swap3A, %swap3A_8, %swap3A_9], %swap3A_12 {strides = array<i32>} : memref<2x1280x128xf32, #tpu.memory_space<vmem>>, vector<1x1280x128xf32>,
    %swap3A_13 = arith.constant 1 : index
    %swap3A_14 = arith.constant 0 : index
    %swap3A_15 = arith.constant 0 : index
    %swap3A_16 = vector.load %arg3[%swap3A_13, %swap3A_14, %swap3A_15] : memref<2x1280x128xf32, #tpu.memory_space<vmem>>, vector<1x1280x128xf32>
    %swap3A_17 = vector.shape_cast %swap3A_16 : vector<1x1280x128xf32> to vector<1280x128xf32>
    %swap3A_18 = vector.shape_cast %mul3A_7 : vector<1280x128xf32> to vector<1x1280x128xf32>
    tpu.vector_store %arg3[%swap3A_13, %swap3A_14, %swap3A_15], %swap3A_18 {strides = array<i32>} : memref<2x1280x128xf32, #tpu.memory_space<vmem>>, vector<1x1280x128xf32>,
    return
  }
  func.func @transform_0(%arg0: i32) -> (i32, i32) {
    %c0_i32 = arith.constant 0 : i32
    %c0_i32_0 = arith.constant 0 : i32
    return %arg0, %c0_i32 : i32, i32
  }
  func.func @transform_1(%arg0: i32) -> (i32, i32) {
    %c0_i32 = arith.constant 0 : i32
    %c0_i32_0 = arith.constant 0 : i32
    return %arg0, %c0_i32 : i32, i32
  }
  func.func @transform_2(%arg0: i32) -> (i32, i32, i32) {
    %c0_i32 = arith.constant 0 : i32
    %c0_i32_0 = arith.constant 0 : i32
    %c0_i32_1 = arith.constant 0 : i32
    return %c0_i32, %arg0, %c0_i32_0 : i32, i32, i32
  }
}

module attributes {stable_mosaic.version = 14 : i64} {
  func.func @body(%arg0: i32, %arg1: memref<2x1280x128xf32, #tpu.memory_space<vmem>>, %arg2: memref<1280x1xf32, #tpu.memory_space<vmem>>, %arg3: memref<1280x1xf32, #tpu.memory_space<vmem>>, %arg4: memref<128x128xf32, #tpu.memory_space<vmem>>, %arg5: memref<128x128xf32, #tpu.memory_space<vmem>>, %arg6: memref<1280x128xf32, #tpu.memory_space<vmem>>, %arg7: memref<1280x128xf32, #tpu.memory_space<vmem>>, %arg8: memref<1280x128xf32, #tpu.memory_space<vmem>>) attributes {dimension_semantics = [#tpu.dimension_semantics<arbitrary>], iteration_bounds = array<i64: 8>, scalar_prefetch = 0 : i64, scratch_operands = 0 : i64, tpu.core_type = #tpu.core_type<tc>, window_params = [{transform_indices = @transform_0, window_bounds = array<i64: 2, 1280, 128>}, {transform_indices = @transform_1, window_bounds = array<i64: 1280, 1>}, {transform_indices = @transform_2, window_bounds = array<i64: 1280, 1>}, {pipeline_mode = #tpu.pipeline_mode<synchronous>, transform_indices = @transform_3, window_bounds = array<i64: 128, 128>}, {pipeline_mode = #tpu.pipeline_mode<synchronous>, transform_indices = @transform_4, window_bounds = array<i64: 128, 128>}, {transform_indices = @transform_5, window_bounds = array<i64: 1280, 128>}, {transform_indices = @transform_6, window_bounds = array<i64: 1280, 128>}, {transform_indices = @transform_7, window_bounds = array<i64: 1280, 128>}]} {
    %get3A = arith.constant 0 : index
    %get3A_0 = arith.constant 0 : index
    %get3A_1 = arith.constant 0 : index
    %get3A_2 = vector.load %arg1[%get3A, %get3A_0, %get3A_1] : memref<2x1280x128xf32, #tpu.memory_space<vmem>>, vector<1x1280x128xf32>
    %get3A_3 = vector.shape_cast %get3A_2 : vector<1x1280x128xf32> to vector<1280x128xf32>
    %get3A_4 = arith.constant 1 : index
    %get3A_5 = arith.constant 0 : index
    %get3A_6 = arith.constant 0 : index
    %get3A_7 = vector.load %arg1[%get3A_4, %get3A_5, %get3A_6] : memref<2x1280x128xf32, #tpu.memory_space<vmem>>, vector<1x1280x128xf32>
    %get3A_8 = vector.shape_cast %get3A_7 : vector<1x1280x128xf32> to vector<1280x128xf32>
    %add3A = arith.addf %get3A_3, %get3A_8 : vector<1280x128xf32>
    %get3A_9 = arith.constant 0 : index
    %get3A_10 = arith.constant 0 : index
    %get3A_11 = vector.load %arg2[%get3A_9, %get3A_10] : memref<1280x1xf32, #tpu.memory_space<vmem>>, vector<1280x1xf32>
    %max3A = arith.constant 1.000000e+00 : f32
    %max3A_12 = vector.broadcast %max3A : f32 to vector<1280x1xf32>
    %max3A_13 = arith.maximumf %get3A_11, %max3A_12 : vector<1280x1xf32>
    %get3A_14 = arith.constant 0 : index
    %get3A_15 = arith.constant 0 : index
    %get3A_16 = vector.load %arg3[%get3A_14, %get3A_15] : memref<1280x1xf32, #tpu.memory_space<vmem>>, vector<1280x1xf32>
    %max3A_17 = arith.constant 1.000000e+00 : f32
    %max3A_18 = vector.broadcast %max3A_17 : f32 to vector<1280x1xf32>
    %max3A_19 = arith.maximumf %get3A_16, %max3A_18 : vector<1280x1xf32>
    %rsqrt3A = math.rsqrt %max3A_13 : vector<1280x1xf32>
    %mul3A = vector.broadcast %rsqrt3A : vector<1280x1xf32> to vector<1280x128xf32>
    %mul3A_20 = arith.mulf %add3A, %mul3A : vector<1280x128xf32>
    %get3A_21 = arith.constant 0 : index
    %get3A_22 = arith.constant 0 : index
    %get3A_23 = vector.load %arg4[%get3A_21, %get3A_22] : memref<128x128xf32, #tpu.memory_space<vmem>>, vector<128x128xf32>
    %dot_general3A = arith.constant dense<0.000000e+00> : vector<1280x128xf32>
    %dot_general3A_24 = tpu.matmul %mul3A_20, %get3A_23, %dot_general3A {dimension_numbers = #tpu.dot_dimension_numbers<[1], [0], [0], [1], [0, 0, 1, 1], [], []>, transpose_lhs_hint = false} : vector<1280x128xf32>, vector<128x128xf32>, vector<1280x128xf32> -> vector<1280x128xf32>
    %get3A_25 = arith.constant 0 : index
    %get3A_26 = arith.constant 0 : index
    %get3A_27 = vector.load %arg5[%get3A_25, %get3A_26] : memref<128x128xf32, #tpu.memory_space<vmem>>, vector<128x128xf32>
    %dot_general3A_28 = arith.constant dense<0.000000e+00> : vector<1280x128xf32>
    %dot_general3A_29 = tpu.matmul %dot_general3A_24, %get3A_27, %dot_general3A_28 {dimension_numbers = #tpu.dot_dimension_numbers<[1], [0], [0], [1], [0, 0, 1, 1], [], []>, transpose_lhs_hint = false} : vector<1280x128xf32>, vector<128x128xf32>, vector<1280x128xf32> -> vector<1280x128xf32>
    %reduce_max3A = arith.constant dense<0xFF800000> : vector<1280xf32>
    %reduce_max3A_30 = vector.multi_reduction <maximumf>, %dot_general3A_29, %reduce_max3A [1] : vector<1280x128xf32> to vector<1280xf32>
    %broadcast_in_dim3A = vector.shape_cast %reduce_max3A_30 : vector<1280xf32> to vector<1280x1xf32>
    %sub3A = vector.broadcast %broadcast_in_dim3A : vector<1280x1xf32> to vector<1280x128xf32>
    %sub3A_31 = arith.subf %dot_general3A_29, %sub3A : vector<1280x128xf32>
    %exp3A = math.exp %sub3A_31 : vector<1280x128xf32>
    %reduce_sum3A = arith.constant dense<0.000000e+00> : vector<1280xf32>
    %reduce_sum3A_32 = vector.multi_reduction <add>, %exp3A, %reduce_sum3A [1] : vector<1280x128xf32> to vector<1280xf32>
    %broadcast_in_dim3A_33 = vector.shape_cast %reduce_sum3A_32 : vector<1280xf32> to vector<1280x1xf32>
    %div3A = vector.broadcast %broadcast_in_dim3A_33 : vector<1280x1xf32> to vector<1280x128xf32>
    %div3A_34 = arith.divf %exp3A, %div3A : vector<1280x128xf32>
    %swap3A = arith.constant 0 : index
    %swap3A_35 = arith.constant 0 : index
    %swap3A_36 = vector.load %arg6[%swap3A, %swap3A_35] : memref<1280x128xf32, #tpu.memory_space<vmem>>, vector<1280x128xf32>
    tpu.vector_store %arg6[%swap3A, %swap3A_35], %dot_general3A_24 {strides = array<i32>} : memref<1280x128xf32, #tpu.memory_space<vmem>>, vector<1280x128xf32>,
    %rsqrt3A_37 = math.rsqrt %max3A_19 : vector<1280x1xf32>
    %mul3A_38 = vector.broadcast %rsqrt3A_37 : vector<1280x1xf32> to vector<1280x128xf32>
    %mul3A_39 = arith.mulf %dot_general3A_24, %mul3A_38 : vector<1280x128xf32>
    %swap3A_40 = arith.constant 0 : index
    %swap3A_41 = arith.constant 0 : index
    %swap3A_42 = vector.load %arg7[%swap3A_40, %swap3A_41] : memref<1280x128xf32, #tpu.memory_space<vmem>>, vector<1280x128xf32>
    tpu.vector_store %arg7[%swap3A_40, %swap3A_41], %mul3A_39 {strides = array<i32>} : memref<1280x128xf32, #tpu.memory_space<vmem>>, vector<1280x128xf32>,
    %swap3A_43 = arith.constant 0 : index
    %swap3A_44 = arith.constant 0 : index
    %swap3A_45 = vector.load %arg8[%swap3A_43, %swap3A_44] : memref<1280x128xf32, #tpu.memory_space<vmem>>, vector<1280x128xf32>
    tpu.vector_store %arg8[%swap3A_43, %swap3A_44], %div3A_34 {strides = array<i32>} : memref<1280x128xf32, #tpu.memory_space<vmem>>, vector<1280x128xf32>,
    return
  }
  func.func @transform_0(%arg0: i32) -> (i32, i32, i32) {
    %c0_i32 = arith.constant 0 : i32
    %c0_i32_0 = arith.constant 0 : i32
    %c0_i32_1 = arith.constant 0 : i32
    return %c0_i32, %arg0, %c0_i32_0 : i32, i32, i32
  }
  func.func @transform_1(%arg0: i32) -> (i32, i32) {
    %c0_i32 = arith.constant 0 : i32
    %c0_i32_0 = arith.constant 0 : i32
    return %arg0, %c0_i32 : i32, i32
  }
  func.func @transform_2(%arg0: i32) -> (i32, i32) {
    %c0_i32 = arith.constant 0 : i32
    %c0_i32_0 = arith.constant 0 : i32
    return %arg0, %c0_i32 : i32, i32
  }
  func.func @transform_3(%arg0: i32) -> (i32, i32) {
    %c0_i32 = arith.constant 0 : i32
    %c0_i32_0 = arith.constant 0 : i32
    %c0_i32_1 = arith.constant 0 : i32
    return %c0_i32, %c0_i32_0 : i32, i32
  }
  func.func @transform_4(%arg0: i32) -> (i32, i32) {
    %c0_i32 = arith.constant 0 : i32
    %c0_i32_0 = arith.constant 0 : i32
    %c0_i32_1 = arith.constant 0 : i32
    return %c0_i32, %c0_i32_0 : i32, i32
  }
  func.func @transform_5(%arg0: i32) -> (i32, i32) {
    %c0_i32 = arith.constant 0 : i32
    %c0_i32_0 = arith.constant 0 : i32
    return %arg0, %c0_i32 : i32, i32
  }
  func.func @transform_6(%arg0: i32) -> (i32, i32) {
    %c0_i32 = arith.constant 0 : i32
    %c0_i32_0 = arith.constant 0 : i32
    return %arg0, %c0_i32 : i32, i32
  }
  func.func @transform_7(%arg0: i32) -> (i32, i32) {
    %c0_i32 = arith.constant 0 : i32
    %c0_i32_0 = arith.constant 0 : i32
    return %arg0, %c0_i32 : i32, i32
  }
}

module attributes {stable_mosaic.version = 14 : i64} {
  func.func @body(%arg0: i32, %arg1: memref<2x1280x128xf32, #tpu.memory_space<vmem>>, %arg2: memref<1280x128xf32, #tpu.memory_space<vmem>>, %arg3: memref<1280x128xf32, #tpu.memory_space<vmem>>, %arg4: memref<1280x1xf32, #tpu.memory_space<vmem>>, %arg5: memref<128x128xf32, #tpu.memory_space<vmem>>, %arg6: memref<128x128xf32, #tpu.memory_space<vmem>>, %arg7: memref<1x1xf32, #tpu.memory_space<smem>>, %arg8: memref<1x1xf32, #tpu.memory_space<smem>>, %arg9: memref<1280x128xf32, #tpu.memory_space<vmem>>) attributes {dimension_semantics = [#tpu.dimension_semantics<arbitrary>], iteration_bounds = array<i64: 8>, scalar_prefetch = 0 : i64, scratch_operands = 0 : i64, tpu.core_type = #tpu.core_type<tc>, window_params = [{transform_indices = @transform_0, window_bounds = array<i64: 2, 1280, 128>}, {transform_indices = @transform_1, window_bounds = array<i64: 1280, 128>}, {transform_indices = @transform_2, window_bounds = array<i64: 1280, 128>}, {transform_indices = @transform_3, window_bounds = array<i64: 1280, 1>}, {pipeline_mode = #tpu.pipeline_mode<synchronous>, transform_indices = @transform_4, window_bounds = array<i64: 128, 128>}, {pipeline_mode = #tpu.pipeline_mode<synchronous>, transform_indices = @transform_5, window_bounds = array<i64: 128, 128>}, {transform_indices = @transform_6, window_bounds = array<i64: 1, 1>}, {transform_indices = @transform_7, window_bounds = array<i64: 1, 1>}, {transform_indices = @transform_8, window_bounds = array<i64: 1280, 128>}]} {
    %get3A = arith.constant 0 : index
    %get3A_0 = arith.constant 0 : index
    %get3A_1 = vector.load %arg4[%get3A, %get3A_0] : memref<1280x1xf32, #tpu.memory_space<vmem>>, vector<1280x1xf32>
    %max3A = arith.constant 1.000000e+00 : f32
    %max3A_2 = vector.broadcast %max3A : f32 to vector<1280x1xf32>
    %max3A_3 = arith.maximumf %get3A_1, %max3A_2 : vector<1280x1xf32>
    %get3A_4 = arith.constant 0 : index
    %get3A_5 = arith.constant 0 : index
    %get3A_6 = arith.constant 0 : index
    %get3A_7 = vector.load %arg1[%get3A_4, %get3A_5, %get3A_6] : memref<2x1280x128xf32, #tpu.memory_space<vmem>>, vector<1x1280x128xf32>
    %get3A_8 = vector.shape_cast %get3A_7 : vector<1x1280x128xf32> to vector<1280x128xf32>
    %rsqrt3A = math.rsqrt %max3A_3 : vector<1280x1xf32>
    %mul3A = vector.broadcast %rsqrt3A : vector<1280x1xf32> to vector<1280x128xf32>
    %mul3A_9 = arith.mulf %get3A_8, %mul3A : vector<1280x128xf32>
    %get3A_10 = arith.constant 1 : index
    %get3A_11 = arith.constant 0 : index
    %get3A_12 = arith.constant 0 : index
    %get3A_13 = vector.load %arg1[%get3A_10, %get3A_11, %get3A_12] : memref<2x1280x128xf32, #tpu.memory_space<vmem>>, vector<1x1280x128xf32>
    %get3A_14 = vector.shape_cast %get3A_13 : vector<1x1280x128xf32> to vector<1280x128xf32>
    %div3A = vector.broadcast %max3A_3 : vector<1280x1xf32> to vector<1280x128xf32>
    %div3A_15 = arith.divf %get3A_14, %div3A : vector<1280x128xf32>
    %get3A_16 = arith.constant 0 : index
    %get3A_17 = arith.constant 0 : index
    %get3A_18 = vector.load %arg3[%get3A_16, %get3A_17] : memref<1280x128xf32, #tpu.memory_space<vmem>>, vector<1280x128xf32>
    %mul3A_19 = arith.mulf %get3A_18, %div3A_15 : vector<1280x128xf32>
    %reduce_sum3A = arith.constant dense<0.000000e+00> : vector<1280xf32>
    %reduce_sum3A_20 = vector.multi_reduction <add>, %mul3A_19, %reduce_sum3A [1] : vector<1280x128xf32> to vector<1280xf32>
    %broadcast_in_dim3A = vector.shape_cast %reduce_sum3A_20 : vector<1280xf32> to vector<1280x1xf32>
    %get3A_21 = arith.constant 0 : index
    %get3A_22 = arith.constant 0 : index
    %get3A_23 = memref.load %arg7[%get3A_21, %get3A_22] : memref<1x1xf32, #tpu.memory_space<smem>>
    %mul3A_24 = vector.broadcast %get3A_23 : f32 to vector<1280x1xf32>
    %mul3A_25 = arith.mulf %mul3A_24, %broadcast_in_dim3A : vector<1280x1xf32>
    %get3A_26 = arith.constant 0 : index
    %get3A_27 = arith.constant 0 : index
    %get3A_28 = memref.load %arg8[%get3A_26, %get3A_27] : memref<1x1xf32, #tpu.memory_space<smem>>
    %add3A = vector.broadcast %get3A_28 : f32 to vector<1280x1xf32>
    %add3A_29 = arith.addf %mul3A_25, %add3A : vector<1280x1xf32>
    %logistic3A = arith.negf %add3A_29 : vector<1280x1xf32>
    %logistic3A_30 = math.exp %logistic3A : vector<1280x1xf32>
    %logistic3A_31 = arith.constant 1.000000e+00 : f32
    %logistic3A_32 = vector.broadcast %logistic3A_31 : f32 to vector<1280x1xf32>
    %logistic3A_33 = arith.addf %logistic3A_32, %logistic3A_30 : vector<1280x1xf32>
    %logistic3A_34 = arith.divf %logistic3A_32, %logistic3A_33 : vector<1280x1xf32>
    %mul3A_35 = vector.broadcast %logistic3A_34 : vector<1280x1xf32> to vector<1280x128xf32>
    %mul3A_36 = arith.mulf %mul3A_35, %mul3A_9 : vector<1280x128xf32>
    %sub3A = arith.constant 1.000000e+00 : f32
    %sub3A_37 = vector.broadcast %sub3A : f32 to vector<1280x1xf32>
    %sub3A_38 = arith.subf %sub3A_37, %logistic3A_34 : vector<1280x1xf32>
    %get3A_39 = arith.constant 0 : index
    %get3A_40 = arith.constant 0 : index
    %get3A_41 = vector.load %arg2[%get3A_39, %get3A_40] : memref<1280x128xf32, #tpu.memory_space<vmem>>, vector<1280x128xf32>
    %mul3A_42 = vector.broadcast %sub3A_38 : vector<1280x1xf32> to vector<1280x128xf32>
    %mul3A_43 = arith.mulf %mul3A_42, %get3A_41 : vector<1280x128xf32>
    %add3A_44 = arith.addf %mul3A_36, %mul3A_43 : vector<1280x128xf32>
    %get3A_45 = arith.constant 0 : index
    %get3A_46 = arith.constant 0 : index
    %get3A_47 = vector.load %arg5[%get3A_45, %get3A_46] : memref<128x128xf32, #tpu.memory_space<vmem>>, vector<128x128xf32>
    %get3A_48 = arith.constant 0 : index
    %get3A_49 = arith.constant 0 : index
    %get3A_50 = vector.load %arg6[%get3A_48, %get3A_49] : memref<128x128xf32, #tpu.memory_space<vmem>>, vector<128x128xf32>
    %dot_general3A = arith.constant dense<0.000000e+00> : vector<128x128xf32>
    %dot_general3A_51 = tpu.matmul %get3A_47, %get3A_50, %dot_general3A {dimension_numbers = #tpu.dot_dimension_numbers<[1], [0], [0], [1], [0, 0, 1, 1], [], []>, transpose_lhs_hint = false} : vector<128x128xf32>, vector<128x128xf32>, vector<128x128xf32> -> vector<128x128xf32>
    %dot_general3A_52 = arith.constant dense<0.000000e+00> : vector<1280x128xf32>
    %dot_general3A_53 = tpu.matmul %add3A_44, %dot_general3A_51, %dot_general3A_52 {dimension_numbers = #tpu.dot_dimension_numbers<[1], [0], [0], [1], [0, 0, 1, 1], [], []>, transpose_lhs_hint = false} : vector<1280x128xf32>, vector<128x128xf32>, vector<1280x128xf32> -> vector<1280x128xf32>
    %swap3A = arith.constant 0 : index
    %swap3A_54 = arith.constant 0 : index
    %swap3A_55 = vector.load %arg9[%swap3A, %swap3A_54] : memref<1280x128xf32, #tpu.memory_space<vmem>>, vector<1280x128xf32>
    tpu.vector_store %arg9[%swap3A, %swap3A_54], %dot_general3A_53 {strides = array<i32>} : memref<1280x128xf32, #tpu.memory_space<vmem>>, vector<1280x128xf32>,
    return
  }
  func.func @transform_0(%arg0: i32) -> (i32, i32, i32) {
    %c0_i32 = arith.constant 0 : i32
    %c0_i32_0 = arith.constant 0 : i32
    %c0_i32_1 = arith.constant 0 : i32
    return %c0_i32, %arg0, %c0_i32_0 : i32, i32, i32
  }
  func.func @transform_1(%arg0: i32) -> (i32, i32) {
    %c0_i32 = arith.constant 0 : i32
    %c0_i32_0 = arith.constant 0 : i32
    return %arg0, %c0_i32 : i32, i32
  }
  func.func @transform_2(%arg0: i32) -> (i32, i32) {
    %c0_i32 = arith.constant 0 : i32
    %c0_i32_0 = arith.constant 0 : i32
    return %arg0, %c0_i32 : i32, i32
  }
  func.func @transform_3(%arg0: i32) -> (i32, i32) {
    %c0_i32 = arith.constant 0 : i32
    %c0_i32_0 = arith.constant 0 : i32
    return %arg0, %c0_i32 : i32, i32
  }
  func.func @transform_4(%arg0: i32) -> (i32, i32) {
    %c0_i32 = arith.constant 0 : i32
    %c0_i32_0 = arith.constant 0 : i32
    %c0_i32_1 = arith.constant 0 : i32
    return %c0_i32, %c0_i32_0 : i32, i32
  }
  func.func @transform_5(%arg0: i32) -> (i32, i32) {
    %c0_i32 = arith.constant 0 : i32
    %c0_i32_0 = arith.constant 0 : i32
    %c0_i32_1 = arith.constant 0 : i32
    return %c0_i32, %c0_i32_0 : i32, i32
  }
  func.func @transform_6(%arg0: i32) -> (i32, i32) {
    %c0_i32 = arith.constant 0 : i32
    %c0_i32_0 = arith.constant 0 : i32
    %c0_i32_1 = arith.constant 0 : i32
    return %c0_i32, %c0_i32_0 : i32, i32
  }
  func.func @transform_7(%arg0: i32) -> (i32, i32) {
    %c0_i32 = arith.constant 0 : i32
    %c0_i32_0 = arith.constant 0 : i32
    %c0_i32_1 = arith.constant 0 : i32
    return %c0_i32, %c0_i32_0 : i32, i32
  }
  func.func @transform_8(%arg0: i32) -> (i32, i32) {
    %c0_i32 = arith.constant 0 : i32
    %c0_i32_0 = arith.constant 0 : i32
    return %arg0, %c0_i32 : i32, i32
  }
}

</mosaic_0001>

<sc_bundles>
// kernel: kernel.11.cloned.1.call-start
scs
__scs_entry_jumppad:
0x0: {  	(pc) =	sbr.rel $0x88, $3  }
0x1: {  	(tag) =	ssettag $0x0;
	lr =	simm.s32 $0x1  }
0x2: {  	[smem:$0x3F9A] =	sst lr;
	_ =	strace $0xD0000000  }
0x3: {  	_ = 	snop  }
0x4: {  	_ = 	snop  }
0x5: {  	_ = 	snop  }
0x6: {  	_ = 	snop  }
0x7: {  	_ = 	snop  }
__scs_overlays_trampoline_lowered:
0x8: {  	[smem:$0x3FA9] =	sst s0  }
0x9: {  	[smem:$0x3FAA] =	sst s1  }
0xa: {  	[smem:$0x3FAB] =	sst s2  }
0xb: {  	[smem:$0x3FAC] =	sst s3  }
0xc: {  	[smem:$0x3FAD] =	sst s4  }
0xd: {  	[smem:$0x3FAE] =	sst s5  }
0xe: {  	[smem:$0x3FAF] =	sst s6  }
0xf: {  	[smem:$0x3FB0] =	sst s7  }
0x10: {  	[smem:$0x3FB1] =	sst s8  }
0x11: {  	[smem:$0x3FB2] =	sst s9;
	s0 =	simm.s32 @!p0 $0x0  }
0x12: {  	s1 =	sld [smem:$0x3F98];
	s0 =	simm.s32 @p0 $0x1  }
0x13: {  	[smem:$0x3FB3] =	sst s0;
	s0 =	simm.s32 @!p1 $0x0  }
0x14: {  	s2 =	sld [smem:$0x3F97];
	s0 =	simm.s32 @p1 $0x1  }
0x15: {  	[smem:$0x3FB4] =	sst s0;
	s0 =	simm.s32 @!p2 $0x0  }
0x16: {  	s3 =	sld [smem:$0x3FDB];
	s0 =	simm.s32 @p2 $0x1  }
0x17: {  	s4 =	simm.s32 $0x1BF5;
	[smem:$0x3FB6] =	sst s0  }
0x18: {  	s0 =	sld [smem:$0x3F99];
	_ =	swait.ge [sflag:s4], $0x0  }
0x19: {  	s7 =	sld [smem:$0x3F9A]  }
0x1a: {  	s8 =	sadd.s32 $0xFFFFE003, lr  }
0x1b: {  	s9 =	sadd.s32 $0xFFFFFEF7, lr;
	s5 =	simm.s32 $0xFFFFFFFF;
	p2 =	slt.u32 s8, $0xFFFFF086  }
0x1c: {  	p1 =	slt.u32 s9, $0xF7A;
	s5 =	simm.s32 @!p2 $0x0  }
0x1d: {  	s5 =	simm.s32 @p1 $0x1;
	p0 =	seq.s32 s7, s2  }
0x1e: {  	s7 =	smul.u32 @!p0 $0xF7A, s2;
	p2 =	seq.s32 @!p0 s5, $0x0  }
0x1f: {  	s9 =	smul.u32 $0xF7A, s1;
	s8 =	simm.s32 @!p0 $0x1BF5;
	p2 =	por !p2, p0  }
0x20: {  	[sflag:s8] =	ssyncset.s32 @!p0 $0xFFFFF086;
	s6 =	sadd.s32 @!p0 s3, s7;
	s7 =	simm.s32 @!p0 $0x108  }
0x21: {  	s3 =	sadd.s32 s3, s9;
	s6 =	sadd.s32 @!p0 $0x88, s6;
	s7 =	simm.s32 @p2 $0x1082  }
0x22: {  	[simem:s7], [sflag:s8] =	dma.local @!p0 [hbm:s6], $0xF7A  }
0x23: {  	s9 =	sor.u32 $0xD0000000, s2;
	s6 =	simm.s32 $0x108;
	_ =	swait.ge @!p0 [sflag:s8], $0x0  }
0x24: {  	s3 =	sadd.s32 $0x88, s3;
	s6 =	simm.s32 @!p1 $0x1082;
	[sflag:s4] =	ssyncset.s32 $0xFFFFF086  }
0x25: {  	[simem:s6], [sflag:s4] =	dma.local [hbm:s3], $0xF7A  }
0x26: {  	[smem:$0x3F9A] =	sst s1;
	(tag) =	ssettag s2;
	_ =	strace s9  }
0x27: {  	s1 =	sld [smem:$0x3FAA]  }
0x28: {  	s2 =	sld [smem:$0x3FAB]  }
0x29: {  	s4 =	sld [smem:$0x3FAD]  }
0x2a: {  	p0 =	seq.s32 s5, $0x0;
	s5 =	sld [smem:$0x3FAE]  }
0x2b: {  	s6 =	sld [smem:$0x3FAF]  }
0x2c: {  	s7 =	sld [smem:$0x3FB0]  }
0x2d: {  	s3 =	simm.s32 $0x108;
	s8 =	sld [smem:$0x3FB1]  }
0x2e: {  	s3 =	simm.s32 @!p0 $0x1082;
	s9 =	sld [smem:$0x3FB2]  }
0x2f: {  	lr =	sadd.s32 s0, s3;
	s0 =	sld [smem:$0x3FA9]  }
0x30: {  	s3 =	sld [smem:$0x3FAC]  }
0x31: {  	[smem:$0x3FB5] =	sst s10  }
0x32: {  	s10 =	sld [smem:$0x3FB3];
	_ =	sdelay $0x3  }
0x33: {  	p0 =	seq.s32 s10, $0x1;
	s10 =	sld [smem:$0x3FB5];
	_ =	sdelay $0x3  }
0x34: {  	[smem:$0x3FB5] =	sst s10  }
0x35: {  	s10 =	sld [smem:$0x3FB4];
	_ =	sdelay $0x3  }
0x36: {  	p1 =	seq.s32 s10, $0x1;
	s10 =	sld [smem:$0x3FB5];
	_ =	sdelay $0x3  }
0x37: {  	[smem:$0x3FB5] =	sst s10  }
0x38: {  	s10 =	sld [smem:$0x3FB6]  }
0x39: {  	_ = 	snop;
	(pc) =	sbr.ind lr, $3  }
0x3a: {  	_ = 	snop  }
0x3b: {  	_ = 	snop  }
0x3c: {  	p2 =	seq.s32 s10, $0x1;
	s10 =	sld [smem:$0x3FB5]  }
0x3d: {  	_ =	shalt  }
0x3e: {  	_ =	shalt  }
0x3f: {  	_ =	shalt  }
0x40: {  	_ =	shalt  }
0x41: {  	_ =	shalt  }
0x42: {  	_ =	shalt  }
0x43: {  	_ =	shalt  }
0x44: {  	_ =	shalt  }
0x45: {  	_ =	shalt  }
0x46: {  	_ =	shalt  }
0x47: {  	_ =	shalt  }
0x48: {  	_ =	shalt  }
0x49: {  	_ =	shalt  }
0x4a: {  	_ =	shalt  }
0x4b: {  	_ =	shalt  }
0x4c: {  	_ =	shalt  }
0x4d: {  	_ =	shalt  }
0x4e: {  	_ =	shalt  }
0x4f: {  	_ =	shalt  }
0x50: {  	_ =	shalt  }
0x51: {  	_ =	shalt  }
0x52: {  	_ =	shalt  }
0x53: {  	_ =	shalt  }
0x54: {  	_ =	shalt  }
0x55: {  	_ =	shalt  }
0x56: {  	_ =	shalt  }
0x57: {  	_ =	shalt  }
0x58: {  	_ =	shalt  }
0x59: {  	_ =	shalt  }
0x5a: {  	_ =	shalt  }
0x5b: {  	_ =	shalt  }
0x5c: {  	_ =	shalt  }
0x5d: {  	_ =	shalt  }
0x5e: {  	_ =	shalt  }
0x5f: {  	_ =	shalt  }
0x60: {  	_ =	shalt  }
0x61: {  	_ =	shalt  }
0x62: {  	_ =	shalt  }
0x63: {  	_ =	shalt  }
0x64: {  	_ =	shalt  }
0x65: {  	_ =	shalt  }
0x66: {  	_ =	shalt  }
0x67: {  	_ =	shalt  }
0x68: {  	_ =	shalt  }
0x69: {  	_ =	shalt  }
0x6a: {  	_ =	shalt  }
0x6b: {  	_ =	shalt  }
0x6c: {  	_ =	shalt  }
0x6d: {  	_ =	shalt  }
0x6e: {  	_ =	shalt  }
0x6f: {  	_ =	shalt  }
0x70: {  	_ =	shalt  }
0x71: {  	_ =	shalt  }
0x72: {  	_ =	shalt  }
0x73: {  	_ =	shalt  }
0x74: {  	_ =	shalt  }
0x75: {  	_ =	shalt  }
0x76: {  	_ =	shalt  }
0x77: {  	_ =	shalt  }
0x78: {  	_ =	shalt  }
0x79: {  	_ =	shalt  }
0x7a: {  	_ =	shalt  }
0x7b: {  	_ =	shalt  }
0x7c: {  	_ =	shalt  }
0x7d: {  	_ =	shalt  }
0x7e: {  	_ =	shalt  }
0x7f: {  	_ =	shalt  }
0x80: {  	_ =	shalt  }
0x81: {  	_ =	shalt  }
0x82: {  	_ =	shalt  }
0x83: {  	_ =	shalt  }
0x84: {  	_ =	shalt  }
0x85: {  	_ =	shalt  }
0x86: {  	_ =	shalt  }
0x87: {  	_ =	shalt  }
.Lfunc_end0:
.L_simem_size_0:
called_computation.1_lowered:
.L_overlay_start_0:
0x88: {  	s2 =	sld [smem:$0x3FD9]  }
0x89: {  	s3 =	sld [smem:$0x3FFE];
	_ =	sdelay $0x1  }
0x8a: {  	s1 =	srdreg.scid  }
0x8b: {  	s0 =	sand.u32 $0x1, s1  }
0x8c: {  	s17 =	sshll.u32 s0, $0xA;
	s2 =	sadd.s32 s3, s2  }
0x8d: {  	s2 =	sadd.s32 s2, s17  }
0x8e: {  	[smem:$0x3FC1] =	sst s2  }
0x8f: {  	_ = 	snop  }
0x90: {  	s2 =	sld [smem:$0x3FD0];
	(tm) =	ssettm $0x1  }
0x91: {  	s18 =	sld [smem:$0x3FFB];
	_ =	sdelay $0x3  }
0x92: {  	_ =	strace s18  }
0x93: {  	s3 =	sld [smem:$0x3FFC];
	_ =	sdelay $0x3  }
0x94: {  	_ =	strace s3  }
0x95: {  	s3 =	sld [smem:$0x3FFD];
	_ =	sdelay $0x3  }
0x96: {  	_ =	strace s3  }
0x97: {  	_ =	strace $0x8FFFFFFF  }
0x98: {  	s19 =	sld [smem:$0x3FDB];
	_ =	sdelay $0x1  }
0x99: {  	s4 =	simm.s32 $_scs_section_size  }
0x9a: {  	s5 =	simm.s32 $_size__tile_overlayer_lowered;
	s6 =	simm.s32 $_tile_overlayer_lowered  }
0x9b: {  	s22 =	simm.s32 $0x1BFF;
	s21 =	sshll.u32 s6, $0x1;
	s3 =	sadd.s32 s4, s19  }
0x9c: {  	s7 =	simm.s32 $0x0;
	s20 =	sshll.u32 s5, $0x1;
	s5 =	sadd.s32 s21, s3  }
0x9d: {  	[timem:s7], [sflag:s22] =	dma.local [hbm:s5], s20  }
0x9e: {  	_ =	swait.ge [sflag:s22], s20  }
0x9f: {  	s4 =	ssub.s32 $0x0, s20;
	[sflag:s22] =	ssyncset.done $0x0  }
0xa0: {  	[sflag:s22] =	ssyncadd.s32 s4;
	_ =	sdelay $0x1  }
0xa1: {  	s23 =	simm.s32 $0x1B8B  }
0xa2: {  	_ =	swait.ge [sflag:s23], $0x1  }
0xa3: {  	[sflag:s23] =	ssyncset.done $0x0  }
0xa4: {  	s25 =	simm.s32 $0x1B8E;
	s24 =	sld [smem:$0x3FFE];
	[sflag:s23] =	ssyncadd.s32 $0xFFFFFFFF  }
0xa5: {  	s26 =	simm.s32 $execute0_lowered;
	[smem:$0x3FD2] =	sst s25  }
0xa6: {  	s5 =	sshll.u32 s26, $0x1;
	_ =	strace $0x80000049;
	[dreg:$0x1] =	wrdreg $0xFFFFFFFF  }
0xa7: {  	s28 =	simm.s32 $_size_execute0_lowered;
	s3 =	sadd.s32 s3, s5;
	[dreg:$0x0] =	wrdreg $0x0  }
0xa8: {  	s5 =	sshll.u32 s28, $0x1;
	[dreg:$0x2] =	wrdreg s3  }
0xa9: {  	[dreg:$0x3] =	wrdreg s5  }
0xaa: {  	[dreg:$0x4] =	wrdreg $0xC0  }
0xab: {  	_ =	task [dreg:s7], $0x5FFFF  }
0xac: {  	[dreg:$0x1] =	wrdreg $0xFFFFFFFF  }
0xad: {  	[dreg:$0x0] =	wrdreg $0x60  }
0xae: {  	[dreg:$0x2] =	wrdreg s24  }
0xaf: {  	[dreg:$0x3] =	wrdreg s2  }
0xb0: {  	[dreg:$0x4] =	wrdreg $0xA8000  }
0xb1: {  	[dreg:$0x5] =	wrdreg $0x9  }
0xb2: {  	_ =	task.clear_ibuf [dreg:s7], $0x6FFFF;
	_ =	strace $0x90000049  }
0xb3: {  	s29 =	simm.s32 $0x9;
	_ =	strace $0x8000004B  }
0xb4: {  	_ =	swait.ge [sflag:s29], $0x1  }
0xb5: {  	[sflag:s29] =	ssyncadd.s32 $0xFFFFFFFF  }
0xb6: {  	_ =	strace $0x9000004B  }
0xb7: {  	_ =	sfence  }
0xb8: {  	s30 =	sld [smem:$0x0];
	_ =	sdelay $0x2  }
0xb9: {  	s31 =	sshll.u32 s1, $0xD;
	s1 =	sshrl.u32 s1, $0x2  }
0xba: {  	s3 =	sand.u32 $0x4000, s31;
	s1 =	sadd.s32 s1, s30  }
0xbb: {  	s0 =	sor.u32 s3, s0;
	s1 =	sshll.u32 s1, $0x11  }
0xbc: {  	s0 =	sor.u32 s1, s0  }
0xbd: {  	s0 =	sadd.s32 $0x8F2B, s0  }
0xbe: {  	[sflag:s0] =	ssyncadd.remote.s32 $0x1  }
0xbf: {  	_ =	sfence.sel $0xFFFF  }
0xc0: {  	[dreg:$0x0] =	wrdreg $0xFFFFFFFF;
	(pc) =	sbr.abs _section_cstart, $3  }
0xc1: {  	[dreg:$0x1] =	wrdreg $0xFFFFFFFF  }
0xc2: {  	_ =	task.clear_ibuf [dreg:s7], $0x2FFFF;
	_ =	strace $0x9FFFFFFF  }
0xc3: {  	(tm) =	ssettm $0x7FFFFFFF  }
tec
execute0_lowered:
.L_overlay_start_1:
0x0: {  	(tag) =	ssettag $0x1  }
0x1: {  	s4 =	rddreg [dreg:$0x0]  }
0x2: {  	s11 =	rddreg [dreg:$0x1]  }
0x3: {  	s0 =	srdreg.scid;
	s2 =	rddreg [dreg:$0x2]  }
0x4: {  	s1 =	stileid.u32;
	s3 =	simm.s32 $0x0;
	s16 =	simm.s32 $0x80  }
0x5: {  	s17 =	simm.s32 $0x2800;
	s18 =	simm.s32 $0x6800;
	s19 =	simm.s32 $0x1  }
0x6: {  	s20 =	simm.s32 $0x2;
	s21 =	simm.s32 $0x1380;
	s22 =	simm.s32 $0x2700  }
0x7: {  	s23 =	simm.s32 $0x2780;
	s24 =	simm.s32 $0x0;
	s7 =	smul.u32 $0x14000, s1  }
0x8: {  	s5 =	sand.u32 $0x1, s0;
	s0 =	rddreg [dreg:$0x3];
	s9 =	smul.u32 $0x50000, s1  }
0x9: {  	[smem:$0x7FF] =	sst s3;
	s12 =	sadd.s32 $0x2800, s4;
	s6 =	smul.u32 $0x28000, s5  }
0xa: {  	s31 =	sshll.u32 s1, $0x6;
	s8 =	smul.u32 $0x140000, s5;
	s30 =	ssub.s32 $0x2, s5  }
0xb: {  	_ =	strace $0x8000004A;
	s5 =	sshll.u32 s5, $0x4;
	s10 =	sshrl.u32 s30, $0x1  }
0xc: {  	s9 =	sshrl.u32 s9, $0x2;
	s5 =	sor.u32 s1, s5;
	s6 =	sadd.s32 s6, s4  }
0xd: {  	s8 =	sadd.s32 s7, s8;
	s7 =	sshrl.u32 s7, $0x3;
	s10 =	ssub.s32 s30, s10  }
0xe: {  	s13 =	sadd.s32 s9, s2;
	s14 =	smul.u32 $0x500, s5;
	s5 =	sor.u32 $0x1C03, s31  }
0xf: {  	s8 =	sshrl.u32 s8, $0x3;
	s7 =	sadd.s32 s7, s4;
	s6 =	sadd.s32 $0x34800, s6  }
0x10: {  	s13 =	sshrl.u32 s13, $0x3;
	s8 =	sadd.s32 s8, s4;
	s4 =	sadd.s32 $0x84800, s7  }
0x11: {  	s9 =	sadd.s32 s11, s14;
	s15 =	sadd.s32 $0x280, s14;
	s7 =	sadd.s32 $0xAC800, s8  }
0x12: {  	s8 =	smax.u32 s10, $0x1;
	s10 =	sadd.s32 s12, s14;
	s11 =	sadd.s32 s11, s15  }
0x13: {  	s12 =	sadd.s32 s12, s15;
	s14 =	simm.s32 $0x3;
	s15 =	simm.s32 $0x1400  }
.LBB2_1:
0x14: {  	[spmem:s13], [sflag:s5] =	dma.local [hbm:s4], $0x2800  }
0x15: {  	_ =	swait.ge [sflag:s14], $0x2800  }
0x16: {  	[sflag:s14] =	ssyncset.done $0x0  }
0x17: {  	[sflag:s14] =	ssyncadd.s32 $0xFFFFD800  }
0x18: {  	[bflag:$0x0] =	sbarrier.arrive $0xFFFF  }
0x19: {  	[tilespmem:s3], [sflag:$0x3] =	stream.linear.gather [hbm4b:s9+s3], $0x1400, $0x38;
	[tilespmem:$0x1E800] =	vst v63  }
0x1a: {  	_ =	swait.ge [sflag:s14], $0x1400  }
0x1b: {  	[sflag:s14] =	ssyncset.done $0x0  }
0x1c: {  	[sflag:s14] =	ssyncadd.s32 $0xFFFFEC00  }
0x1d: {  	[tilespmem:s15], [sflag:$0x3] =	stream.linear.gather [hbm4b:s10+s3], $0x1400, $0x38;
	[tilespmem:$0x1E800] =	vst v63  }
0x1e: {  	_ =	swait.ge [sflag:s14], $0x1400  }
0x1f: {  	[sflag:s14] =	ssyncset.done $0x0  }
0x20: {  	[sflag:s14] =	ssyncadd.s32 $0xFFFFEC00  }
0x21: {  	[tilespmem:s17], [sflag:$0x1] =	stream.indirect.gather [hbm4b:s6+s16], $0x80, s3, s16, $0xb8;
	[tilespmem:$0x1E800] =	vst v63  }
0x22: {  	s25 =	simm.s32 $0x80  }
0x23: {  	[tilespmem:s18], [sflag:$0x2] =	stream.indirect.gather [hbm4b:s6+s16], $0x80, s25, s16, $0xb8;
	[tilespmem:$0x1E800] =	vst v63  }
0x24: {  	_ =	swait.ge [sflag:s19], $0x4000  }
0x25: {  	[sflag:s19] =	ssyncset.done $0x0  }
0x26: {  	s29 =	simm.s32 $0x1400;
	[sflag:s19] =	ssyncadd.s32 $0xFFFFC000  }
0x27: {  	[spmem:s2] =	stream.indirect.scatter.add.f32 [tilespmem:s17], [sflag:$0x3], $0x80, s29, s16, $0xb8;
	[tilespmem:$0x1E800] =	vst v63  }
0x28: {  	_ =	swait.ge [sflag:s14], $0x4000  }
0x29: {  	[sflag:s14] =	ssyncset.done $0x0  }
0x2a: {  	s30 =	simm.s32 $0x100;
	[sflag:s14] =	ssyncadd.s32 $0xFFFFC000  }
0x2b: {  	[tilespmem:s17], [sflag:$0x1] =	stream.indirect.gather [hbm4b:s6+s16], $0x80, s30, s16, $0xb8;
	[tilespmem:$0x1E800] =	vst v63  }
0x2c: {  	_ =	swait.ge [sflag:s20], $0x4000  }
0x2d: {  	[sflag:s20] =	ssyncset.done $0x0  }
0x2e: {  	s31 =	simm.s32 $0x1480;
	[sflag:s20] =	ssyncadd.s32 $0xFFFFC000  }
0x2f: {  	[spmem:s2] =	stream.indirect.scatter.add.f32 [tilespmem:s18], [sflag:$0x3], $0x80, s31, s16, $0xb8;
	[tilespmem:$0x1E800] =	vst v63  }
0x30: {  	_ =	swait.ge [sflag:s14], $0x4000  }
0x31: {  	s26 =	simm.s32 $0x800;
	s25 =	simm.s32 $0x100;
	[sflag:s14] =	ssyncset.done $0x0  }
.LBB2_2:
0x32: {  	s28 =	sadd.s32 $0x80, s25  }
0x33: {  	[sflag:s14] =	ssyncadd.s32 $0xFFFFC000;
	s29 =	smov.u32 s26;
	s30 =	sadd.s32 $0x400, s26  }
0x34: {  	[tilespmem:s18], [sflag:$0x2] =	stream.indirect.gather [hbm4b:s6+s16], $0x80, s28, s16, $0xb8;
	[tilespmem:$0x1E800] =	vst v63  }
0x35: {  	p0 =	sne.s32 s26, $0x4800;
	_ =	swait.ge [sflag:s19], $0x4000  }
0x36: {  	[sflag:s19] =	ssyncset.done $0x0  }
0x37: {  	s26 =	sadd.s32 $0x1400, s25;
	[sflag:s19] =	ssyncadd.s32 $0xFFFFC000  }
0x38: {  	[spmem:s2] =	stream.indirect.scatter.add.f32 [tilespmem:s17], [sflag:$0x3], $0x80, s26, s16, $0xb8;
	[tilespmem:$0x1E800] =	vst v63  }
0x39: {  	_ =	swait.ge [sflag:s14], $0x4000  }
0x3a: {  	[sflag:s14] =	ssyncset.done $0x0  }
0x3b: {  	s26 =	sadd.s32 $0x100, s25;
	[sflag:s14] =	ssyncadd.s32 $0xFFFFC000  }
0x3c: {  	[tilespmem:s17], [sflag:$0x1] =	stream.indirect.gather [hbm4b:s6+s16], $0x80, s26, s16, $0xb8;
	[tilespmem:$0x1E800] =	vst v63  }
0x3d: {  	_ =	swait.ge [sflag:s20], $0x4000  }
.Ltmp0:
0x3e: {  	[sflag:s20] =	ssyncset.done $0x0;
	(pc) =	sbr.rel @p0 .LBB2_2-.Ltmp0, $4  }
0x3f: {  	s25 =	sadd.s32 $0x1480, s25;
	[sflag:s20] =	ssyncadd.s32 $0xFFFFC000  }
0x40: {  	[spmem:s2] =	stream.indirect.scatter.add.f32 [tilespmem:s18], [sflag:$0x3], $0x80, s25, s16, $0xb8;
	[tilespmem:$0x1E800] =	vst v63  }
0x41: {  	_ =	swait.ge [sflag:s14], $0x4000  }
0x42: {  	s26 =	smov.u32 s30;
	s25 =	sshra.s32 s29, $0x2;
	[sflag:s14] =	ssyncset.done $0x0  }
0x43: {  	s26 =	sadd.s32 $0x80, s25;
	[sflag:s14] =	ssyncadd.s32 $0xFFFFC000  }
0x44: {  	[tilespmem:s18], [sflag:$0x2] =	stream.indirect.gather [hbm4b:s6+s16], $0x80, s26, s16, $0xb8;
	[tilespmem:$0x1E800] =	vst v63  }
0x45: {  	_ =	swait.ge [sflag:s19], $0x4000  }
0x46: {  	[sflag:s19] =	ssyncset.done $0x0  }
0x47: {  	s29 =	sadd.s32 $0x1400, s25;
	[sflag:s19] =	ssyncadd.s32 $0xFFFFC000  }
0x48: {  	[spmem:s2] =	stream.indirect.scatter.add.f32 [tilespmem:s17], [sflag:$0x3], $0x80, s29, s16, $0xb8;
	[tilespmem:$0x1E800] =	vst v63  }
0x49: {  	_ =	swait.ge [sflag:s14], $0x4000  }
0x4a: {  	[sflag:s14] =	ssyncset.done $0x0  }
0x4b: {  	s30 =	sadd.s32 $0x100, s25;
	[sflag:s14] =	ssyncadd.s32 $0xFFFFC000  }
0x4c: {  	[tilespmem:s17], [sflag:$0x1] =	stream.indirect.gather [hbm4b:s6+s16], $0x80, s30, s16, $0xb8;
	[tilespmem:$0x1E800] =	vst v63  }
0x4d: {  	_ =	swait.ge [sflag:s20], $0x4000  }
0x4e: {  	[sflag:s20] =	ssyncset.done $0x0  }
0x4f: {  	s31 =	sadd.s32 $0x1480, s25;
	[sflag:s20] =	ssyncadd.s32 $0xFFFFC000  }
0x50: {  	[spmem:s2] =	stream.indirect.scatter.add.f32 [tilespmem:s18], [sflag:$0x3], $0x80, s31, s16, $0xb8;
	[tilespmem:$0x1E800] =	vst v63  }
0x51: {  	_ =	swait.ge [sflag:s14], $0x4000  }
0x52: {  	[sflag:s14] =	ssyncset.done $0x0  }
0x53: {  	[sflag:s14] =	ssyncadd.s32 $0xFFFFC000  }
0x54: {  	[tilespmem:s18], [sflag:$0x2] =	stream.indirect.gather [hbm4b:s6+s16], $0x80, s21, s16, $0xb8;
	[tilespmem:$0x1E800] =	vst v63  }
0x55: {  	_ =	swait.ge [sflag:s19], $0x4000  }
0x56: {  	[sflag:s19] =	ssyncset.done $0x0  }
0x57: {  	[sflag:s19] =	ssyncadd.s32 $0xFFFFC000  }
0x58: {  	[spmem:s2] =	stream.indirect.scatter.add.f32 [tilespmem:s17], [sflag:$0x3], $0x80, s22, s16, $0xb8;
	[tilespmem:$0x1E800] =	vst v63  }
0x59: {  	_ =	swait.ge [sflag:s14], $0x4000  }
0x5a: {  	[sflag:s14] =	ssyncset.done $0x0  }
0x5b: {  	[sflag:s14] =	ssyncadd.s32 $0xFFFFC000  }
0x5c: {  	_ =	swait.ge [sflag:s20], $0x4000  }
0x5d: {  	[sflag:s20] =	ssyncset.done $0x0  }
0x5e: {  	[sflag:s20] =	ssyncadd.s32 $0xFFFFC000  }
0x5f: {  	[spmem:s2] =	stream.indirect.scatter.add.f32 [tilespmem:s18], [sflag:$0x3], $0x80, s23, s16, $0xb8;
	[tilespmem:$0x1E800] =	vst v63  }
0x60: {  	_ =	swait.ge [sflag:s14], $0x4000  }
0x61: {  	[sflag:s14] =	ssyncset.done $0x0  }
0x62: {  	s26 =	simm.s32 $0x0;
	[sflag:s14] =	ssyncadd.s32 $0xFFFFC000  }
0x63: {  	[tilespmem:s26], [sflag:$0x3] =	stream.linear.gather [hbm4b:s11+s26], $0x1400, $0x38;
	[tilespmem:$0x1E800] =	vst v63  }
0x64: {  	_ =	swait.ge [sflag:s14], $0x1400  }
0x65: {  	[sflag:s14] =	ssyncset.done $0x0  }
0x66: {  	[sflag:s14] =	ssyncadd.s32 $0xFFFFEC00  }
0x67: {  	[tilespmem:s15], [sflag:$0x3] =	stream.linear.gather [hbm4b:s12+s26], $0x1400, $0x38;
	[tilespmem:$0x1E800] =	vst v63  }
0x68: {  	_ =	swait.ge [sflag:s14], $0x1400  }
0x69: {  	[sflag:s14] =	ssyncset.done $0x0  }
0x6a: {  	[sflag:s14] =	ssyncadd.s32 $0xFFFFEC00  }
0x6b: {  	[tilespmem:s17], [sflag:$0x1] =	stream.indirect.gather [hbm4b:s6+s16], $0x80, s26, s16, $0xb8;
	[tilespmem:$0x1E800] =	vst v63  }
0x6c: {  	s28 =	simm.s32 $0x80  }
0x6d: {  	[tilespmem:s18], [sflag:$0x2] =	stream.indirect.gather [hbm4b:s6+s16], $0x80, s28, s16, $0xb8;
	[tilespmem:$0x1E800] =	vst v63  }
0x6e: {  	_ =	swait.ge [sflag:s19], $0x4000  }
0x6f: {  	[sflag:s19] =	ssyncset.done $0x0  }
0x70: {  	s29 =	simm.s32 $0x1400;
	[sflag:s19] =	ssyncadd.s32 $0xFFFFC000  }
0x71: {  	[spmem:s2] =	stream.indirect.scatter.add.f32 [tilespmem:s17], [sflag:$0x3], $0x80, s29, s16, $0xb8;
	[tilespmem:$0x1E800] =	vst v63  }
0x72: {  	_ =	swait.ge [sflag:s14], $0x4000  }
0x73: {  	[sflag:s14] =	ssyncset.done $0x0  }
0x74: {  	s30 =	simm.s32 $0x100;
	[sflag:s14] =	ssyncadd.s32 $0xFFFFC000  }
0x75: {  	[tilespmem:s17], [sflag:$0x1] =	stream.indirect.gather [hbm4b:s6+s16], $0x80, s30, s16, $0xb8;
	[tilespmem:$0x1E800] =	vst v63  }
0x76: {  	_ =	swait.ge [sflag:s20], $0x4000  }
0x77: {  	[sflag:s20] =	ssyncset.done $0x0  }
0x78: {  	s31 =	simm.s32 $0x1480;
	[sflag:s20] =	ssyncadd.s32 $0xFFFFC000  }
0x79: {  	[spmem:s2] =	stream.indirect.scatter.add.f32 [tilespmem:s18], [sflag:$0x3], $0x80, s31, s16, $0xb8;
	[tilespmem:$0x1E800] =	vst v63  }
0x7a: {  	_ =	swait.ge [sflag:s14], $0x4000  }
0x7b: {  	s25 =	simm.s32 $0x100;
	s26 =	simm.s32 $0x800;
	[sflag:s14] =	ssyncset.done $0x0  }
.LBB2_4:
0x7c: {  	s28 =	sadd.s32 $0x80, s25  }
0x7d: {  	[sflag:s14] =	ssyncadd.s32 $0xFFFFC000;
	s29 =	smov.u32 s26;
	s30 =	sadd.s32 $0x400, s26  }
0x7e: {  	[tilespmem:s18], [sflag:$0x2] =	stream.indirect.gather [hbm4b:s6+s16], $0x80, s28, s16, $0xb8;
	[tilespmem:$0x1E800] =	vst v63  }
0x7f: {  	p0 =	sne.s32 s26, $0x4800;
	_ =	swait.ge [sflag:s19], $0x4000  }
0x80: {  	[sflag:s19] =	ssyncset.done $0x0  }
0x81: {  	s26 =	sadd.s32 $0x1400, s25;
	[sflag:s19] =	ssyncadd.s32 $0xFFFFC000  }
0x82: {  	[spmem:s2] =	stream.indirect.scatter.add.f32 [tilespmem:s17], [sflag:$0x3], $0x80, s26, s16, $0xb8;
	[tilespmem:$0x1E800] =	vst v63  }
0x83: {  	_ =	swait.ge [sflag:s14], $0x4000  }
0x84: {  	[sflag:s14] =	ssyncset.done $0x0  }
0x85: {  	s26 =	sadd.s32 $0x100, s25;
	[sflag:s14] =	ssyncadd.s32 $0xFFFFC000  }
0x86: {  	[tilespmem:s17], [sflag:$0x1] =	stream.indirect.gather [hbm4b:s6+s16], $0x80, s26, s16, $0xb8;
	[tilespmem:$0x1E800] =	vst v63  }
0x87: {  	_ =	swait.ge [sflag:s20], $0x4000  }
.Ltmp1:
0x88: {  	[sflag:s20] =	ssyncset.done $0x0;
	(pc) =	sbr.rel @p0 .LBB2_4-.Ltmp1, $4  }
0x89: {  	s25 =	sadd.s32 $0x1480, s25;
	[sflag:s20] =	ssyncadd.s32 $0xFFFFC000  }
0x8a: {  	[spmem:s2] =	stream.indirect.scatter.add.f32 [tilespmem:s18], [sflag:$0x3], $0x80, s25, s16, $0xb8;
	[tilespmem:$0x1E800] =	vst v63  }
0x8b: {  	_ =	swait.ge [sflag:s14], $0x4000  }
0x8c: {  	s26 =	smov.u32 s30;
	s25 =	sshra.s32 s29, $0x2;
	[sflag:s14] =	ssyncset.done $0x0  }
0x8d: {  	s26 =	sadd.s32 $0x80, s25;
	[sflag:s14] =	ssyncadd.s32 $0xFFFFC000  }
0x8e: {  	[tilespmem:s18], [sflag:$0x2] =	stream.indirect.gather [hbm4b:s6+s16], $0x80, s26, s16, $0xb8;
	[tilespmem:$0x1E800] =	vst v63  }
0x8f: {  	_ =	swait.ge [sflag:s19], $0x4000  }
0x90: {  	[sflag:s19] =	ssyncset.done $0x0  }
0x91: {  	s29 =	sadd.s32 $0x1400, s25;
	[sflag:s19] =	ssyncadd.s32 $0xFFFFC000  }
0x92: {  	[spmem:s2] =	stream.indirect.scatter.add.f32 [tilespmem:s17], [sflag:$0x3], $0x80, s29, s16, $0xb8;
	[tilespmem:$0x1E800] =	vst v63  }
0x93: {  	_ =	swait.ge [sflag:s14], $0x4000  }
0x94: {  	[sflag:s14] =	ssyncset.done $0x0  }
0x95: {  	s30 =	sadd.s32 $0x100, s25;
	[sflag:s14] =	ssyncadd.s32 $0xFFFFC000  }
0x96: {  	[tilespmem:s17], [sflag:$0x1] =	stream.indirect.gather [hbm4b:s6+s16], $0x80, s30, s16, $0xb8;
	[tilespmem:$0x1E800] =	vst v63  }
0x97: {  	_ =	swait.ge [sflag:s20], $0x4000  }
0x98: {  	[sflag:s20] =	ssyncset.done $0x0  }
0x99: {  	s31 =	sadd.s32 $0x1480, s25;
	[sflag:s20] =	ssyncadd.s32 $0xFFFFC000  }
0x9a: {  	[spmem:s2] =	stream.indirect.scatter.add.f32 [tilespmem:s18], [sflag:$0x3], $0x80, s31, s16, $0xb8;
	[tilespmem:$0x1E800] =	vst v63  }
0x9b: {  	_ =	swait.ge [sflag:s14], $0x4000  }
0x9c: {  	[sflag:s14] =	ssyncset.done $0x0  }
0x9d: {  	[sflag:s14] =	ssyncadd.s32 $0xFFFFC000  }
0x9e: {  	[tilespmem:s18], [sflag:$0x2] =	stream.indirect.gather [hbm4b:s6+s16], $0x80, s21, s16, $0xb8;
	[tilespmem:$0x1E800] =	vst v63  }
0x9f: {  	_ =	swait.ge [sflag:s19], $0x4000  }
0xa0: {  	[sflag:s19] =	ssyncset.done $0x0  }
0xa1: {  	[sflag:s19] =	ssyncadd.s32 $0xFFFFC000  }
0xa2: {  	[spmem:s2] =	stream.indirect.scatter.add.f32 [tilespmem:s17], [sflag:$0x3], $0x80, s22, s16, $0xb8;
	[tilespmem:$0x1E800] =	vst v63  }
0xa3: {  	_ =	swait.ge [sflag:s14], $0x4000  }
0xa4: {  	[sflag:s14] =	ssyncset.done $0x0  }
0xa5: {  	[sflag:s14] =	ssyncadd.s32 $0xFFFFC000  }
0xa6: {  	_ =	swait.ge [sflag:s20], $0x4000  }
0xa7: {  	[sflag:s20] =	ssyncset.done $0x0  }
0xa8: {  	[sflag:s20] =	ssyncadd.s32 $0xFFFFC000  }
0xa9: {  	[spmem:s2] =	stream.indirect.scatter.add.f32 [tilespmem:s18], [sflag:$0x3], $0x80, s23, s16, $0xb8;
	[tilespmem:$0x1E800] =	vst v63  }
0xaa: {  	_ =	swait.ge [sflag:s14], $0x4000  }
0xab: {  	s24 =	sadd.s32 $0x1, s24;
	[sflag:s14] =	ssyncset.done $0x0  }
0xac: {  	p0 =	sne.s32 s24, s8;
	[sflag:s14] =	ssyncadd.s32 $0xFFFFC000  }
.Ltmp2:
0xad: {  	[bflag:$0x0] =	sbarrier.arrive $0xFFFF;
	(pc) =	sbr.rel @p0 .LBB2_1-.Ltmp2, $4  }
0xae: {  	[hbm:s7], [sflag:s5] =	dma.local [spmem:s13], $0x2800  }
0xaf: {  	_ =	swait.ge [sflag:s14], $0x2800  }
0xb0: {  	[sflag:s14] =	ssyncset.done $0x0  }
0xb1: {  	[sflag:s14] =	ssyncadd.s32 $0xFFFFD800  }
0xb2: {  	_ =	sfence.sel $0x180000  }
0xb3: {  	[bflag:$0x0] =	sbarrier.arrive $0xFFFF  }
0xb4: {  	p0 =	sne.s32 s1, $0x0;
	_ =	strace $0x9000004A  }
0xb5: {  	s0 =	sadd.s32 @!p0 $0x100000, s0;
	[bflag:$0x2] =	sbarrier.arrive $0xFFFF  }
0xb6: {  	[sflag:s0] =	ssyncadd.tile.s32 @!p0 $0x1;
	_ =	shalt  }
.Lfunc_end2:
_tile_overlayer_lowered:
.L_overlay_start_2:
0xb7: {  	(tag) =	ssettag $0x2  }
0xb8: {  	s0 =	rddreg [dreg:$0x0];
	s2 =	stileid.u32  }
0xb9: {  	s1 =	rddreg [dreg:$0x1];
	p0 =	sne.s32 s2, $0x0  }
0xba: {  	s3 =	rddreg [dreg:$0x2];
	[bflag:$0x3] =	sbarrier.arrive $0xFFFF;
	s2 =	simm.s32 @!p0 $0x1C03  }
0xbb: {  	[timem:s3], [sflag:s2] =	dma.local @!p0 [hbm:s0], s1  }
0xbc: {  	s0 =	simm.s32 @!p0 $0x3  }
0xbd: {  	_ =	swait.ge @!p0 [sflag:s0], s1  }
0xbe: {  	s1 =	ssub.s32 @!p0 $0x0, s1;
	[sflag:s0] =	ssyncset.done @!p0 $0x0  }
0xbf: {  	[sflag:s0] =	ssyncadd.s32 @!p0 s1  }
0xc0: {  	[bflag:$0x3] =	sbarrier.arrive $0xFFFF  }
0xc1: {  	_ =	shalt  }

// kernel: kernel.14.cloned.1.call-start
scs
__scs_entry_jumppad:
0x0: {  	(pc) =	sbr.rel $0x88, $3  }
0x1: {  	(tag) =	ssettag $0x0;
	lr =	simm.s32 $0x1  }
0x2: {  	[smem:$0x3F9A] =	sst lr;
	_ =	strace $0xD0000000  }
0x3: {  	_ = 	snop  }
0x4: {  	_ = 	snop  }
0x5: {  	_ = 	snop  }
0x6: {  	_ = 	snop  }
0x7: {  	_ = 	snop  }
__scs_overlays_trampoline_lowered:
0x8: {  	[smem:$0x3FA9] =	sst s0  }
0x9: {  	[smem:$0x3FAA] =	sst s1  }
0xa: {  	[smem:$0x3FAB] =	sst s2  }
0xb: {  	[smem:$0x3FAC] =	sst s3  }
0xc: {  	[smem:$0x3FAD] =	sst s4  }
0xd: {  	[smem:$0x3FAE] =	sst s5  }
0xe: {  	[smem:$0x3FAF] =	sst s6  }
0xf: {  	[smem:$0x3FB0] =	sst s7  }
0x10: {  	[smem:$0x3FB1] =	sst s8  }
0x11: {  	[smem:$0x3FB2] =	sst s9;
	s0 =	simm.s32 @!p0 $0x0  }
0x12: {  	s1 =	sld [smem:$0x3F98];
	s0 =	simm.s32 @p0 $0x1  }
0x13: {  	[smem:$0x3FB3] =	sst s0;
	s0 =	simm.s32 @!p1 $0x0  }
0x14: {  	s2 =	sld [smem:$0x3F97];
	s0 =	simm.s32 @p1 $0x1  }
0x15: {  	[smem:$0x3FB4] =	sst s0;
	s0 =	simm.s32 @!p2 $0x0  }
0x16: {  	s3 =	sld [smem:$0x3FDB];
	s0 =	simm.s32 @p2 $0x1  }
0x17: {  	s4 =	simm.s32 $0x1BF5;
	[smem:$0x3FB6] =	sst s0  }
0x18: {  	s0 =	sld [smem:$0x3F99];
	_ =	swait.ge [sflag:s4], $0x0  }
0x19: {  	s7 =	sld [smem:$0x3F9A]  }
0x1a: {  	s8 =	sadd.s32 $0xFFFFE003, lr  }
0x1b: {  	s9 =	sadd.s32 $0xFFFFFEF7, lr;
	s5 =	simm.s32 $0xFFFFFFFF;
	p2 =	slt.u32 s8, $0xFFFFF086  }
0x1c: {  	p1 =	slt.u32 s9, $0xF7A;
	s5 =	simm.s32 @!p2 $0x0  }
0x1d: {  	s5 =	simm.s32 @p1 $0x1;
	p0 =	seq.s32 s7, s2  }
0x1e: {  	s7 =	smul.u32 @!p0 $0xF7A, s2;
	p2 =	seq.s32 @!p0 s5, $0x0  }
0x1f: {  	s9 =	smul.u32 $0xF7A, s1;
	s8 =	simm.s32 @!p0 $0x1BF5;
	p2 =	por !p2, p0  }
0x20: {  	[sflag:s8] =	ssyncset.s32 @!p0 $0xFFFFF086;
	s6 =	sadd.s32 @!p0 s3, s7;
	s7 =	simm.s32 @!p0 $0x108  }
0x21: {  	s3 =	sadd.s32 s3, s9;
	s6 =	sadd.s32 @!p0 $0x88, s6;
	s7 =	simm.s32 @p2 $0x1082  }
0x22: {  	[simem:s7], [sflag:s8] =	dma.local @!p0 [hbm:s6], $0xF7A  }
0x23: {  	s9 =	sor.u32 $0xD0000000, s2;
	s6 =	simm.s32 $0x108;
	_ =	swait.ge @!p0 [sflag:s8], $0x0  }
0x24: {  	s3 =	sadd.s32 $0x88, s3;
	s6 =	simm.s32 @!p1 $0x1082;
	[sflag:s4] =	ssyncset.s32 $0xFFFFF086  }
0x25: {  	[simem:s6], [sflag:s4] =	dma.local [hbm:s3], $0xF7A  }
0x26: {  	[smem:$0x3F9A] =	sst s1;
	(tag) =	ssettag s2;
	_ =	strace s9  }
0x27: {  	s1 =	sld [smem:$0x3FAA]  }
0x28: {  	s2 =	sld [smem:$0x3FAB]  }
0x29: {  	s4 =	sld [smem:$0x3FAD]  }
0x2a: {  	p0 =	seq.s32 s5, $0x0;
	s5 =	sld [smem:$0x3FAE]  }
0x2b: {  	s6 =	sld [smem:$0x3FAF]  }
0x2c: {  	s7 =	sld [smem:$0x3FB0]  }
0x2d: {  	s3 =	simm.s32 $0x108;
	s8 =	sld [smem:$0x3FB1]  }
0x2e: {  	s3 =	simm.s32 @!p0 $0x1082;
	s9 =	sld [smem:$0x3FB2]  }
0x2f: {  	lr =	sadd.s32 s0, s3;
	s0 =	sld [smem:$0x3FA9]  }
0x30: {  	s3 =	sld [smem:$0x3FAC]  }
0x31: {  	[smem:$0x3FB5] =	sst s10  }
0x32: {  	s10 =	sld [smem:$0x3FB3];
	_ =	sdelay $0x3  }
0x33: {  	p0 =	seq.s32 s10, $0x1;
	s10 =	sld [smem:$0x3FB5];
	_ =	sdelay $0x3  }
0x34: {  	[smem:$0x3FB5] =	sst s10  }
0x35: {  	s10 =	sld [smem:$0x3FB4];
	_ =	sdelay $0x3  }
0x36: {  	p1 =	seq.s32 s10, $0x1;
	s10 =	sld [smem:$0x3FB5];
	_ =	sdelay $0x3  }
0x37: {  	[smem:$0x3FB5] =	sst s10  }
0x38: {  	s10 =	sld [smem:$0x3FB6]  }
0x39: {  	_ = 	snop;
	(pc) =	sbr.ind lr, $3  }
0x3a: {  	_ = 	snop  }
0x3b: {  	_ = 	snop  }
0x3c: {  	p2 =	seq.s32 s10, $0x1;
	s10 =	sld [smem:$0x3FB5]  }
0x3d: {  	_ =	shalt  }
0x3e: {  	_ =	shalt  }
0x3f: {  	_ =	shalt  }
0x40: {  	_ =	shalt  }
0x41: {  	_ =	shalt  }
0x42: {  	_ =	shalt  }
0x43: {  	_ =	shalt  }
0x44: {  	_ =	shalt  }
0x45: {  	_ =	shalt  }
0x46: {  	_ =	shalt  }
0x47: {  	_ =	shalt  }
0x48: {  	_ =	shalt  }
0x49: {  	_ =	shalt  }
0x4a: {  	_ =	shalt  }
0x4b: {  	_ =	shalt  }
0x4c: {  	_ =	shalt  }
0x4d: {  	_ =	shalt  }
0x4e: {  	_ =	shalt  }
0x4f: {  	_ =	shalt  }
0x50: {  	_ =	shalt  }
0x51: {  	_ =	shalt  }
0x52: {  	_ =	shalt  }
0x53: {  	_ =	shalt  }
0x54: {  	_ =	shalt  }
0x55: {  	_ =	shalt  }
0x56: {  	_ =	shalt  }
0x57: {  	_ =	shalt  }
0x58: {  	_ =	shalt  }
0x59: {  	_ =	shalt  }
0x5a: {  	_ =	shalt  }
0x5b: {  	_ =	shalt  }
0x5c: {  	_ =	shalt  }
0x5d: {  	_ =	shalt  }
0x5e: {  	_ =	shalt  }
0x5f: {  	_ =	shalt  }
0x60: {  	_ =	shalt  }
0x61: {  	_ =	shalt  }
0x62: {  	_ =	shalt  }
0x63: {  	_ =	shalt  }
0x64: {  	_ =	shalt  }
0x65: {  	_ =	shalt  }
0x66: {  	_ =	shalt  }
0x67: {  	_ =	shalt  }
0x68: {  	_ =	shalt  }
0x69: {  	_ =	shalt  }
0x6a: {  	_ =	shalt  }
0x6b: {  	_ =	shalt  }
0x6c: {  	_ =	shalt  }
0x6d: {  	_ =	shalt  }
0x6e: {  	_ =	shalt  }
0x6f: {  	_ =	shalt  }
0x70: {  	_ =	shalt  }
0x71: {  	_ =	shalt  }
0x72: {  	_ =	shalt  }
0x73: {  	_ =	shalt  }
0x74: {  	_ =	shalt  }
0x75: {  	_ =	shalt  }
0x76: {  	_ =	shalt  }
0x77: {  	_ =	shalt  }
0x78: {  	_ =	shalt  }
0x79: {  	_ =	shalt  }
0x7a: {  	_ =	shalt  }
0x7b: {  	_ =	shalt  }
0x7c: {  	_ =	shalt  }
0x7d: {  	_ =	shalt  }
0x7e: {  	_ =	shalt  }
0x7f: {  	_ =	shalt  }
0x80: {  	_ =	shalt  }
0x81: {  	_ =	shalt  }
0x82: {  	_ =	shalt  }
0x83: {  	_ =	shalt  }
0x84: {  	_ =	shalt  }
0x85: {  	_ =	shalt  }
0x86: {  	_ =	shalt  }
0x87: {  	_ =	shalt  }
.Lfunc_end0:
.L_simem_size_0:
called_computation.2_lowered:
.L_overlay_start_0:
0x88: {  	s2 =	sld [smem:$0x3FD9]  }
0x89: {  	s3 =	sld [smem:$0x3FFE];
	_ =	sdelay $0x1  }
0x8a: {  	s1 =	srdreg.scid  }
0x8b: {  	s0 =	sand.u32 $0x1, s1  }
0x8c: {  	s17 =	sshll.u32 s0, $0xA;
	s2 =	sadd.s32 s3, s2  }
0x8d: {  	s2 =	sadd.s32 s2, s17  }
0x8e: {  	[smem:$0x3FC1] =	sst s2  }
0x8f: {  	_ = 	snop  }
0x90: {  	s2 =	sld [smem:$0x3FD0];
	(tm) =	ssettm $0x1  }
0x91: {  	s18 =	sld [smem:$0x3FFB];
	_ =	sdelay $0x3  }
0x92: {  	_ =	strace s18  }
0x93: {  	s3 =	sld [smem:$0x3FFC];
	_ =	sdelay $0x3  }
0x94: {  	_ =	strace s3  }
0x95: {  	s3 =	sld [smem:$0x3FFD];
	_ =	sdelay $0x3  }
0x96: {  	_ =	strace s3  }
0x97: {  	_ =	strace $0x8FFFFFFF  }
0x98: {  	s19 =	sld [smem:$0x3FDB];
	_ =	sdelay $0x1  }
0x99: {  	s4 =	simm.s32 $_scs_section_size  }
0x9a: {  	s5 =	simm.s32 $_size__tile_overlayer_lowered;
	s6 =	simm.s32 $_tile_overlayer_lowered  }
0x9b: {  	s22 =	simm.s32 $0x1BFF;
	s21 =	sshll.u32 s6, $0x1;
	s3 =	sadd.s32 s4, s19  }
0x9c: {  	s7 =	simm.s32 $0x0;
	s20 =	sshll.u32 s5, $0x1;
	s5 =	sadd.s32 s21, s3  }
0x9d: {  	[timem:s7], [sflag:s22] =	dma.local [hbm:s5], s20  }
0x9e: {  	_ =	swait.ge [sflag:s22], s20  }
0x9f: {  	s4 =	ssub.s32 $0x0, s20;
	[sflag:s22] =	ssyncset.done $0x0  }
0xa0: {  	[sflag:s22] =	ssyncadd.s32 s4;
	_ =	sdelay $0x1  }
0xa1: {  	s23 =	simm.s32 $0x1B8B  }
0xa2: {  	_ =	swait.ge [sflag:s23], $0x1  }
0xa3: {  	[sflag:s23] =	ssyncset.done $0x0  }
0xa4: {  	s25 =	simm.s32 $0x1B8E;
	s24 =	sld [smem:$0x3FFE];
	[sflag:s23] =	ssyncadd.s32 $0xFFFFFFFF  }
0xa5: {  	s26 =	simm.s32 $execute0_lowered;
	[smem:$0x3FD2] =	sst s25  }
0xa6: {  	s5 =	sshll.u32 s26, $0x1;
	_ =	strace $0x8000004C;
	[dreg:$0x1] =	wrdreg $0xFFFFFFFF  }
0xa7: {  	s28 =	simm.s32 $_size_execute0_lowered;
	s3 =	sadd.s32 s3, s5;
	[dreg:$0x0] =	wrdreg $0x0  }
0xa8: {  	s5 =	sshll.u32 s28, $0x1;
	[dreg:$0x2] =	wrdreg s3  }
0xa9: {  	[dreg:$0x3] =	wrdreg s5  }
0xaa: {  	[dreg:$0x4] =	wrdreg $0xC0  }
0xab: {  	_ =	task [dreg:s7], $0x5FFFF  }
0xac: {  	[dreg:$0x1] =	wrdreg $0xFFFFFFFF  }
0xad: {  	[dreg:$0x0] =	wrdreg $0x60  }
0xae: {  	[dreg:$0x2] =	wrdreg s24  }
0xaf: {  	[dreg:$0x3] =	wrdreg s2  }
0xb0: {  	[dreg:$0x4] =	wrdreg $0xA8000  }
0xb1: {  	[dreg:$0x5] =	wrdreg $0x9  }
0xb2: {  	_ =	task.clear_ibuf [dreg:s7], $0x6FFFF;
	_ =	strace $0x9000004C  }
0xb3: {  	s29 =	simm.s32 $0x9;
	_ =	strace $0x8000004E  }
0xb4: {  	_ =	swait.ge [sflag:s29], $0x1  }
0xb5: {  	[sflag:s29] =	ssyncadd.s32 $0xFFFFFFFF  }
0xb6: {  	_ =	strace $0x9000004E  }
0xb7: {  	_ =	sfence  }
0xb8: {  	s30 =	sld [smem:$0x0];
	_ =	sdelay $0x2  }
0xb9: {  	s31 =	sshll.u32 s1, $0xD;
	s1 =	sshrl.u32 s1, $0x2  }
0xba: {  	s3 =	sand.u32 $0x4000, s31;
	s1 =	sadd.s32 s1, s30  }
0xbb: {  	s0 =	sor.u32 s3, s0;
	s1 =	sshll.u32 s1, $0x11  }
0xbc: {  	s0 =	sor.u32 s1, s0  }
0xbd: {  	s0 =	sadd.s32 $0x8F2B, s0  }
0xbe: {  	[sflag:s0] =	ssyncadd.remote.s32 $0x1  }
0xbf: {  	_ =	sfence.sel $0xFFFF  }
0xc0: {  	[dreg:$0x0] =	wrdreg $0xFFFFFFFF;
	(pc) =	sbr.abs _section_cstart, $3  }
0xc1: {  	[dreg:$0x1] =	wrdreg $0xFFFFFFFF  }
0xc2: {  	_ =	task.clear_ibuf [dreg:s7], $0x2FFFF;
	_ =	strace $0x9FFFFFFF  }
0xc3: {  	(tm) =	ssettm $0x7FFFFFFF  }
tec
execute0_lowered:
.L_overlay_start_1:
0x0: {  	(tag) =	ssettag $0x1  }
0x1: {  	s8 =	rddreg [dreg:$0x0]  }
0x2: {  	s2 =	rddreg [dreg:$0x1]  }
0x3: {  	s3 =	rddreg [dreg:$0x2]  }
0x4: {  	s0 =	rddreg [dreg:$0x3]  }
0x5: {  	s1 =	stileid.u32;
	s5 =	srdreg.scid  }
0x6: {  	s4 =	simm.s32 $0x0;
	s16 =	simm.s32 $0x80;
	s17 =	simm.s32 $0x2800  }
0x7: {  	s18 =	simm.s32 $0x6800;
	s19 =	simm.s32 $0x1;
	s20 =	simm.s32 $0x2  }
0x8: {  	s21 =	simm.s32 $0x1380;
	s22 =	simm.s32 $0x2700;
	s23 =	simm.s32 $0x2780  }
0x9: {  	s9 =	smul.u32 $0x14000, s1;
	s10 =	sand.u32 $0x1, s5;
	[smem:$0x7FF] =	sst s4  }
0xa: {  	s5 =	sadd.s32 $0x34800, s8;
	s6 =	sadd.s32 $0xC800, s8;
	s13 =	smul.u32 $0x50000, s1  }
0xb: {  	s7 =	sadd.s32 $0x2800, s8;
	s31 =	sshll.u32 s1, $0x6;
	s11 =	smul.u32 $0x140000, s10  }
0xc: {  	_ =	strace $0x8000004D;
	s28 =	ssub.s32 $0x2, s10;
	p0 =	seq.s32 s10, $0x1  }
0xd: {  	s10 =	smul.u32 $0xA0, s1;
	s12 =	sshrl.u32 s9, $0x3;
	s29 =	sshrl.u32 s28, $0x1  }
.Ltmp0:
0xe: {  	s30 =	sshrl.u32 s13, $0x2;
	s9 =	sadd.s32 s9, s11;
	(pc) =	sbr.rel .LBB2_1-.Ltmp0, $4  }
0xf: {  	s12 =	sadd.s32 s12, s8;
	s13 =	sadd.s32 s30, s3;
	s9 =	sshrl.u32 s9, $0x3  }
0x10: {  	s15 =	ssub.s32 s28, s29;
	s13 =	sshrl.u32 s13, $0x3;
	s14 =	sadd.s32 s9, s8  }
0x11: {  	s8 =	sadd.s32 $0x84800, s12;
	s9 =	sor.u32 $0x1C03, s31;
	s12 =	smax.u32 s15, $0x1  }
0x12: {  	s15 =	simm.s32 $0x1400;
	s11 =	sadd.s32 $0xAC800, s14;
	s14 =	simm.s32 $0x3  }
.LBB2_8:
0x13: {  	s4 =	sadd.s32 $0x1, s4  }
0x14: {  	p1 =	sne.s32 s4, s12  }
.Ltmp1:
0x15: {  	[bflag:$0x0] =	sbarrier.arrive $0xFFFF;
	(pc) =	sbr.rel @!p1 .LBB2_9-.Ltmp1, $4  }
0x16: {  	[hbm:s11], [sflag:s9] =	dma.local [spmem:s13], $0x2800  }
0x17: {  	_ =	swait.ge [sflag:s14], $0x2800  }
0x18: {  	[sflag:s14] =	ssyncset.done $0x0  }
0x19: {  	[sflag:s14] =	ssyncadd.s32 $0xFFFFD800  }
.LBB2_1:
0x1a: {  	[spmem:s13], [sflag:s9] =	dma.local [hbm:s8], $0x2800  }
.Ltmp2:
0x1b: {  	_ =	swait.ge [sflag:s14], $0x2800;
	(pc) =	sbr.rel @!p0 .LBB2_2-.Ltmp2, $4  }
0x1c: {  	[sflag:s14] =	ssyncset.done $0x0  }
0x1d: {  	[sflag:s14] =	ssyncadd.s32 $0xFFFFD800  }
0x1e: {  	[bflag:$0x0] =	sbarrier.arrive $0xFFFF  }
0x1f: {  	s24 =	simm.s32 $0x0;
	s25 =	simm.s32 $0x0  }
.LBB2_5:
0x20: {  	s24 =	smul.u32 $0x28, s25;
	_ =	sdelay $0x1  }
0x21: {  	s24 =	sadd.s32 s10, s24  }
0x22: {  	s24 =	sshll.u32 s24, $0x4  }
0x23: {  	s28 =	simm.s32 $0x0;
	s26 =	sadd.s32 s2, s24  }
0x24: {  	[tilespmem:s28], [sflag:$0x3] =	stream.linear.gather [hbm4b:s26+s28], $0x1400, $0x38;
	[tilespmem:$0x1E800] =	vst v63  }
0x25: {  	_ =	swait.ge [sflag:s14], $0x1400  }
0x26: {  	[sflag:s14] =	ssyncset.done $0x0  }
0x27: {  	s24 =	sadd.s32 s7, s24;
	[sflag:s14] =	ssyncadd.s32 $0xFFFFEC00  }
0x28: {  	[tilespmem:s15], [sflag:$0x3] =	stream.linear.gather [hbm4b:s24+s28], $0x1400, $0x38;
	[tilespmem:$0x1E800] =	vst v63  }
0x29: {  	_ =	swait.ge [sflag:s14], $0x1400  }
0x2a: {  	[sflag:s14] =	ssyncset.done $0x0  }
0x2b: {  	[sflag:s14] =	ssyncadd.s32 $0xFFFFEC00  }
0x2c: {  	[tilespmem:s17], [sflag:$0x1] =	stream.indirect.gather [hbm4b:s6+s16], $0x80, s28, s16, $0xb8;
	[tilespmem:$0x1E800] =	vst v63  }
0x2d: {  	s28 =	simm.s32 $0x80  }
0x2e: {  	[tilespmem:s18], [sflag:$0x2] =	stream.indirect.gather [hbm4b:s6+s16], $0x80, s28, s16, $0xb8;
	[tilespmem:$0x1E800] =	vst v63  }
0x2f: {  	_ =	swait.ge [sflag:s19], $0x4000  }
0x30: {  	[sflag:s19] =	ssyncset.done $0x0  }
0x31: {  	s29 =	simm.s32 $0x1400;
	[sflag:s19] =	ssyncadd.s32 $0xFFFFC000  }
0x32: {  	[spmem:s3] =	stream.indirect.scatter.add.f32 [tilespmem:s17], [sflag:$0x3], $0x80, s29, s16, $0xb8;
	[tilespmem:$0x1E800] =	vst v63  }
0x33: {  	_ =	swait.ge [sflag:s14], $0x4000  }
0x34: {  	[sflag:s14] =	ssyncset.done $0x0  }
0x35: {  	s30 =	simm.s32 $0x100;
	[sflag:s14] =	ssyncadd.s32 $0xFFFFC000  }
0x36: {  	[tilespmem:s17], [sflag:$0x1] =	stream.indirect.gather [hbm4b:s6+s16], $0x80, s30, s16, $0xb8;
	[tilespmem:$0x1E800] =	vst v63  }
0x37: {  	_ =	swait.ge [sflag:s20], $0x4000  }
0x38: {  	[sflag:s20] =	ssyncset.done $0x0  }
0x39: {  	s31 =	simm.s32 $0x1480;
	[sflag:s20] =	ssyncadd.s32 $0xFFFFC000  }
0x3a: {  	[spmem:s3] =	stream.indirect.scatter.add.f32 [tilespmem:s18], [sflag:$0x3], $0x80, s31, s16, $0xb8;
	[tilespmem:$0x1E800] =	vst v63  }
0x3b: {  	_ =	swait.ge [sflag:s14], $0x4000  }
0x3c: {  	s26 =	simm.s32 $0x800;
	s24 =	simm.s32 $0x100;
	[sflag:s14] =	ssyncset.done $0x0  }
.LBB2_6:
0x3d: {  	s28 =	sadd.s32 $0x80, s24  }
0x3e: {  	[sflag:s14] =	ssyncadd.s32 $0xFFFFC000;
	s29 =	smov.u32 s26;
	s30 =	sadd.s32 $0x400, s26  }
0x3f: {  	[tilespmem:s18], [sflag:$0x2] =	stream.indirect.gather [hbm4b:s6+s16], $0x80, s28, s16, $0xb8;
	[tilespmem:$0x1E800] =	vst v63  }
0x40: {  	p1 =	sne.s32 s26, $0x4800;
	_ =	swait.ge [sflag:s19], $0x4000  }
0x41: {  	[sflag:s19] =	ssyncset.done $0x0  }
0x42: {  	s26 =	sadd.s32 $0x1400, s24;
	[sflag:s19] =	ssyncadd.s32 $0xFFFFC000  }
0x43: {  	[spmem:s3] =	stream.indirect.scatter.add.f32 [tilespmem:s17], [sflag:$0x3], $0x80, s26, s16, $0xb8;
	[tilespmem:$0x1E800] =	vst v63  }
0x44: {  	_ =	swait.ge [sflag:s14], $0x4000  }
0x45: {  	[sflag:s14] =	ssyncset.done $0x0  }
0x46: {  	s26 =	sadd.s32 $0x100, s24;
	[sflag:s14] =	ssyncadd.s32 $0xFFFFC000  }
0x47: {  	[tilespmem:s17], [sflag:$0x1] =	stream.indirect.gather [hbm4b:s6+s16], $0x80, s26, s16, $0xb8;
	[tilespmem:$0x1E800] =	vst v63  }
0x48: {  	_ =	swait.ge [sflag:s20], $0x4000  }
.Ltmp3:
0x49: {  	[sflag:s20] =	ssyncset.done $0x0;
	(pc) =	sbr.rel @p1 .LBB2_6-.Ltmp3, $4  }
0x4a: {  	s24 =	sadd.s32 $0x1480, s24;
	[sflag:s20] =	ssyncadd.s32 $0xFFFFC000  }
0x4b: {  	[spmem:s3] =	stream.indirect.scatter.add.f32 [tilespmem:s18], [sflag:$0x3], $0x80, s24, s16, $0xb8;
	[tilespmem:$0x1E800] =	vst v63  }
0x4c: {  	_ =	swait.ge [sflag:s14], $0x4000  }
0x4d: {  	s26 =	smov.u32 s30;
	s24 =	sshra.s32 s29, $0x2;
	[sflag:s14] =	ssyncset.done $0x0  }
0x4e: {  	s26 =	sadd.s32 $0x80, s24;
	[sflag:s14] =	ssyncadd.s32 $0xFFFFC000  }
0x4f: {  	[tilespmem:s18], [sflag:$0x2] =	stream.indirect.gather [hbm4b:s6+s16], $0x80, s26, s16, $0xb8;
	[tilespmem:$0x1E800] =	vst v63  }
0x50: {  	_ =	swait.ge [sflag:s19], $0x4000  }
0x51: {  	[sflag:s19] =	ssyncset.done $0x0  }
0x52: {  	s29 =	sadd.s32 $0x1400, s24;
	[sflag:s19] =	ssyncadd.s32 $0xFFFFC000  }
0x53: {  	[spmem:s3] =	stream.indirect.scatter.add.f32 [tilespmem:s17], [sflag:$0x3], $0x80, s29, s16, $0xb8;
	[tilespmem:$0x1E800] =	vst v63  }
0x54: {  	_ =	swait.ge [sflag:s14], $0x4000  }
0x55: {  	[sflag:s14] =	ssyncset.done $0x0  }
0x56: {  	s30 =	sadd.s32 $0x100, s24;
	[sflag:s14] =	ssyncadd.s32 $0xFFFFC000  }
0x57: {  	[tilespmem:s17], [sflag:$0x1] =	stream.indirect.gather [hbm4b:s6+s16], $0x80, s30, s16, $0xb8;
	[tilespmem:$0x1E800] =	vst v63  }
0x58: {  	_ =	swait.ge [sflag:s20], $0x4000  }
0x59: {  	[sflag:s20] =	ssyncset.done $0x0  }
0x5a: {  	s31 =	sadd.s32 $0x1480, s24;
	[sflag:s20] =	ssyncadd.s32 $0xFFFFC000  }
0x5b: {  	[spmem:s3] =	stream.indirect.scatter.add.f32 [tilespmem:s18], [sflag:$0x3], $0x80, s31, s16, $0xb8;
	[tilespmem:$0x1E800] =	vst v63  }
0x5c: {  	_ =	swait.ge [sflag:s14], $0x4000  }
0x5d: {  	[sflag:s14] =	ssyncset.done $0x0  }
0x5e: {  	[sflag:s14] =	ssyncadd.s32 $0xFFFFC000  }
0x5f: {  	[tilespmem:s18], [sflag:$0x2] =	stream.indirect.gather [hbm4b:s6+s16], $0x80, s21, s16, $0xb8;
	[tilespmem:$0x1E800] =	vst v63  }
0x60: {  	_ =	swait.ge [sflag:s19], $0x4000  }
0x61: {  	[sflag:s19] =	ssyncset.done $0x0  }
0x62: {  	[sflag:s19] =	ssyncadd.s32 $0xFFFFC000  }
0x63: {  	[spmem:s3] =	stream.indirect.scatter.add.f32 [tilespmem:s17], [sflag:$0x3], $0x80, s22, s16, $0xb8;
	[tilespmem:$0x1E800] =	vst v63  }
0x64: {  	_ =	swait.ge [sflag:s14], $0x4000  }
0x65: {  	[sflag:s14] =	ssyncset.done $0x0  }
0x66: {  	[sflag:s14] =	ssyncadd.s32 $0xFFFFC000  }
0x67: {  	_ =	swait.ge [sflag:s20], $0x4000  }
0x68: {  	s25 =	sadd.s32 $0x1, s25;
	[sflag:s20] =	ssyncset.done $0x0  }
0x69: {  	p1 =	sne.s32 s25, $0x4;
	[sflag:s20] =	ssyncadd.s32 $0xFFFFC000  }
0x6a: {  	[spmem:s3] =	stream.indirect.scatter.add.f32 [tilespmem:s18], [sflag:$0x3], $0x80, s23, s16, $0xb8;
	[tilespmem:$0x1E800] =	vst v63  }
.Ltmp4:
0x6b: {  	_ = 	snop;
	(pc) =	sbr.rel @p1 .LBB2_5-.Ltmp4, $4  }
.Ltmp5:
0x6c: {  	_ = 	snop;
	(pc) =	sbr.rel @!p1 .LBB2_8-.Ltmp5, $4  }
0x6d: {  	_ =	swait.ge [sflag:s14], $0x4000  }
0x6e: {  	[sflag:s14] =	ssyncset.done $0x0  }
0x6f: {  	[sflag:s14] =	ssyncadd.s32 $0xFFFFC000  }
0x70: {  	_ = 	snop  }
.LBB2_2:
0x71: {  	s25 =	smul.u32 $0x28, s24;
	_ =	sdelay $0x1  }
0x72: {  	s25 =	sadd.s32 s10, s25  }
0x73: {  	s25 =	sshll.u32 s25, $0x4  }
0x74: {  	s28 =	simm.s32 $0x0;
	s26 =	sadd.s32 s2, s25  }
0x75: {  	[tilespmem:s28], [sflag:$0x3] =	stream.linear.gather [hbm4b:s26+s28], $0x1400, $0x38;
	[tilespmem:$0x1E800] =	vst v63  }
0x76: {  	_ =	swait.ge [sflag:s14], $0x1400  }
0x77: {  	[sflag:s14] =	ssyncset.done $0x0  }
0x78: {  	s25 =	sadd.s32 s7, s25;
	[sflag:s14] =	ssyncadd.s32 $0xFFFFEC00  }
0x79: {  	[tilespmem:s15], [sflag:$0x3] =	stream.linear.gather [hbm4b:s25+s28], $0x1400, $0x38;
	[tilespmem:$0x1E800] =	vst v63  }
0x7a: {  	_ =	swait.ge [sflag:s14], $0x1400  }
0x7b: {  	[sflag:s14] =	ssyncset.done $0x0  }
0x7c: {  	[sflag:s14] =	ssyncadd.s32 $0xFFFFEC00  }
0x7d: {  	[tilespmem:s17], [sflag:$0x1] =	stream.indirect.gather [hbm4b:s5+s16], $0x80, s28, s16, $0xb8;
	[tilespmem:$0x1E800] =	vst v63  }
0x7e: {  	s28 =	simm.s32 $0x80  }
0x7f: {  	[tilespmem:s18], [sflag:$0x2] =	stream.indirect.gather [hbm4b:s5+s16], $0x80, s28, s16, $0xb8;
	[tilespmem:$0x1E800] =	vst v63  }
0x80: {  	_ =	swait.ge [sflag:s19], $0x4000  }
0x81: {  	[sflag:s19] =	ssyncset.done $0x0  }
0x82: {  	s29 =	simm.s32 $0x1400;
	[sflag:s19] =	ssyncadd.s32 $0xFFFFC000  }
0x83: {  	[spmem:s3] =	stream.indirect.scatter.add.f32 [tilespmem:s17], [sflag:$0x3], $0x80, s29, s16, $0xb8;
	[tilespmem:$0x1E800] =	vst v63  }
0x84: {  	_ =	swait.ge [sflag:s14], $0x4000  }
0x85: {  	[sflag:s14] =	ssyncset.done $0x0  }
0x86: {  	s30 =	simm.s32 $0x100;
	[sflag:s14] =	ssyncadd.s32 $0xFFFFC000  }
0x87: {  	[tilespmem:s17], [sflag:$0x1] =	stream.indirect.gather [hbm4b:s5+s16], $0x80, s30, s16, $0xb8;
	[tilespmem:$0x1E800] =	vst v63  }
0x88: {  	_ =	swait.ge [sflag:s20], $0x4000  }
0x89: {  	[sflag:s20] =	ssyncset.done $0x0  }
0x8a: {  	s31 =	simm.s32 $0x1480;
	[sflag:s20] =	ssyncadd.s32 $0xFFFFC000  }
0x8b: {  	[spmem:s3] =	stream.indirect.scatter.add.f32 [tilespmem:s18], [sflag:$0x3], $0x80, s31, s16, $0xb8;
	[tilespmem:$0x1E800] =	vst v63  }
0x8c: {  	_ =	swait.ge [sflag:s14], $0x4000  }
0x8d: {  	s26 =	simm.s32 $0x800;
	s25 =	simm.s32 $0x100;
	[sflag:s14] =	ssyncset.done $0x0  }
.LBB2_3:
0x8e: {  	s28 =	sadd.s32 $0x80, s25  }
0x8f: {  	[sflag:s14] =	ssyncadd.s32 $0xFFFFC000;
	s29 =	smov.u32 s26;
	s30 =	sadd.s32 $0x400, s26  }
0x90: {  	[tilespmem:s18], [sflag:$0x2] =	stream.indirect.gather [hbm4b:s5+s16], $0x80, s28, s16, $0xb8;
	[tilespmem:$0x1E800] =	vst v63  }
0x91: {  	p1 =	sne.s32 s26, $0x4800;
	_ =	swait.ge [sflag:s19], $0x4000  }
0x92: {  	[sflag:s19] =	ssyncset.done $0x0  }
0x93: {  	s26 =	sadd.s32 $0x1400, s25;
	[sflag:s19] =	ssyncadd.s32 $0xFFFFC000  }
0x94: {  	[spmem:s3] =	stream.indirect.scatter.add.f32 [tilespmem:s17], [sflag:$0x3], $0x80, s26, s16, $0xb8;
	[tilespmem:$0x1E800] =	vst v63  }
0x95: {  	_ =	swait.ge [sflag:s14], $0x4000  }
0x96: {  	[sflag:s14] =	ssyncset.done $0x0  }
0x97: {  	s26 =	sadd.s32 $0x100, s25;
	[sflag:s14] =	ssyncadd.s32 $0xFFFFC000  }
0x98: {  	[tilespmem:s17], [sflag:$0x1] =	stream.indirect.gather [hbm4b:s5+s16], $0x80, s26, s16, $0xb8;
	[tilespmem:$0x1E800] =	vst v63  }
0x99: {  	_ =	swait.ge [sflag:s20], $0x4000  }
.Ltmp6:
0x9a: {  	[sflag:s20] =	ssyncset.done $0x0;
	(pc) =	sbr.rel @p1 .LBB2_3-.Ltmp6, $4  }
0x9b: {  	s25 =	sadd.s32 $0x1480, s25;
	[sflag:s20] =	ssyncadd.s32 $0xFFFFC000  }
0x9c: {  	[spmem:s3] =	stream.indirect.scatter.add.f32 [tilespmem:s18], [sflag:$0x3], $0x80, s25, s16, $0xb8;
	[tilespmem:$0x1E800] =	vst v63  }
0x9d: {  	_ =	swait.ge [sflag:s14], $0x4000  }
0x9e: {  	s26 =	smov.u32 s30;
	s25 =	sshra.s32 s29, $0x2;
	[sflag:s14] =	ssyncset.done $0x0  }
0x9f: {  	s26 =	sadd.s32 $0x80, s25;
	[sflag:s14] =	ssyncadd.s32 $0xFFFFC000  }
0xa0: {  	[tilespmem:s18], [sflag:$0x2] =	stream.indirect.gather [hbm4b:s5+s16], $0x80, s26, s16, $0xb8;
	[tilespmem:$0x1E800] =	vst v63  }
0xa1: {  	_ =	swait.ge [sflag:s19], $0x4000  }
0xa2: {  	[sflag:s19] =	ssyncset.done $0x0  }
0xa3: {  	s29 =	sadd.s32 $0x1400, s25;
	[sflag:s19] =	ssyncadd.s32 $0xFFFFC000  }
0xa4: {  	[spmem:s3] =	stream.indirect.scatter.add.f32 [tilespmem:s17], [sflag:$0x3], $0x80, s29, s16, $0xb8;
	[tilespmem:$0x1E800] =	vst v63  }
0xa5: {  	_ =	swait.ge [sflag:s14], $0x4000  }
0xa6: {  	[sflag:s14] =	ssyncset.done $0x0  }
0xa7: {  	s30 =	sadd.s32 $0x100, s25;
	[sflag:s14] =	ssyncadd.s32 $0xFFFFC000  }
0xa8: {  	[tilespmem:s17], [sflag:$0x1] =	stream.indirect.gather [hbm4b:s5+s16], $0x80, s30, s16, $0xb8;
	[tilespmem:$0x1E800] =	vst v63  }
0xa9: {  	_ =	swait.ge [sflag:s20], $0x4000  }
0xaa: {  	[sflag:s20] =	ssyncset.done $0x0  }
0xab: {  	s31 =	sadd.s32 $0x1480, s25;
	[sflag:s20] =	ssyncadd.s32 $0xFFFFC000  }
0xac: {  	[spmem:s3] =	stream.indirect.scatter.add.f32 [tilespmem:s18], [sflag:$0x3], $0x80, s31, s16, $0xb8;
	[tilespmem:$0x1E800] =	vst v63  }
0xad: {  	_ =	swait.ge [sflag:s14], $0x4000  }
0xae: {  	[sflag:s14] =	ssyncset.done $0x0  }
0xaf: {  	[sflag:s14] =	ssyncadd.s32 $0xFFFFC000  }
0xb0: {  	[tilespmem:s18], [sflag:$0x2] =	stream.indirect.gather [hbm4b:s5+s16], $0x80, s21, s16, $0xb8;
	[tilespmem:$0x1E800] =	vst v63  }
0xb1: {  	_ =	swait.ge [sflag:s19], $0x4000  }
0xb2: {  	[sflag:s19] =	ssyncset.done $0x0  }
0xb3: {  	[sflag:s19] =	ssyncadd.s32 $0xFFFFC000  }
0xb4: {  	[spmem:s3] =	stream.indirect.scatter.add.f32 [tilespmem:s17], [sflag:$0x3], $0x80, s22, s16, $0xb8;
	[tilespmem:$0x1E800] =	vst v63  }
0xb5: {  	_ =	swait.ge [sflag:s14], $0x4000  }
0xb6: {  	[sflag:s14] =	ssyncset.done $0x0  }
0xb7: {  	[sflag:s14] =	ssyncadd.s32 $0xFFFFC000  }
0xb8: {  	_ =	swait.ge [sflag:s20], $0x4000  }
0xb9: {  	s24 =	sadd.s32 $0x1, s24;
	[sflag:s20] =	ssyncset.done $0x0  }
0xba: {  	p1 =	seq.s32 s24, $0x4;
	[sflag:s20] =	ssyncadd.s32 $0xFFFFC000  }
0xbb: {  	[spmem:s3] =	stream.indirect.scatter.add.f32 [tilespmem:s18], [sflag:$0x3], $0x80, s23, s16, $0xb8;
	[tilespmem:$0x1E800] =	vst v63  }
.Ltmp7:
0xbc: {  	_ = 	snop;
	(pc) =	sbr.rel @!p1 .LBB2_2-.Ltmp7, $4  }
.Ltmp8:
0xbd: {  	_ = 	snop;
	(pc) =	sbr.rel @p1 .LBB2_8-.Ltmp8, $4  }
0xbe: {  	_ =	swait.ge [sflag:s14], $0x4000  }
0xbf: {  	[sflag:s14] =	ssyncset.done $0x0  }
0xc0: {  	[sflag:s14] =	ssyncadd.s32 $0xFFFFC000  }
0xc1: {  	_ = 	snop  }
.LBB2_9:
0xc2: {  	_ =	sfence.sel $0x180000  }
0xc3: {  	[bflag:$0x0] =	sbarrier.arrive $0xFFFF  }
0xc4: {  	p0 =	sne.s32 s1, $0x0;
	_ =	strace $0x9000004D  }
0xc5: {  	s0 =	sadd.s32 @!p0 $0x100000, s0;
	[bflag:$0x2] =	sbarrier.arrive $0xFFFF  }
0xc6: {  	[sflag:s0] =	ssyncadd.tile.s32 @!p0 $0x1;
	_ =	shalt  }
.Lfunc_end2:
_tile_overlayer_lowered:
.L_overlay_start_2:
0xc7: {  	(tag) =	ssettag $0x2  }
0xc8: {  	s0 =	rddreg [dreg:$0x0];
	s2 =	stileid.u32  }
0xc9: {  	s1 =	rddreg [dreg:$0x1];
	p0 =	sne.s32 s2, $0x0  }
0xca: {  	s3 =	rddreg [dreg:$0x2];
	[bflag:$0x3] =	sbarrier.arrive $0xFFFF;
	s2 =	simm.s32 @!p0 $0x1C03  }
0xcb: {  	[timem:s3], [sflag:s2] =	dma.local @!p0 [hbm:s0], s1  }
0xcc: {  	s0 =	simm.s32 @!p0 $0x3  }
0xcd: {  	_ =	swait.ge @!p0 [sflag:s0], s1  }
0xce: {  	s1 =	ssub.s32 @!p0 $0x0, s1;
	[sflag:s0] =	ssyncset.done @!p0 $0x0  }
0xcf: {  	[sflag:s0] =	ssyncadd.s32 @!p0 s1  }
0xd0: {  	[bflag:$0x3] =	sbarrier.arrive $0xFFFF  }
0xd1: {  	_ =	shalt  }

// kernel: kernel.8.cloned.1.call-start
scs
__scs_entry_jumppad:
0x0: {  	(pc) =	sbr.rel $0x88, $3  }
0x1: {  	(tag) =	ssettag $0x0;
	lr =	simm.s32 $0x1  }
0x2: {  	[smem:$0x3F9A] =	sst lr;
	_ =	strace $0xD0000000  }
0x3: {  	_ = 	snop  }
0x4: {  	_ = 	snop  }
0x5: {  	_ = 	snop  }
0x6: {  	_ = 	snop  }
0x7: {  	_ = 	snop  }
__scs_overlays_trampoline_lowered:
0x8: {  	[smem:$0x3FA9] =	sst s0  }
0x9: {  	[smem:$0x3FAA] =	sst s1  }
0xa: {  	[smem:$0x3FAB] =	sst s2  }
0xb: {  	[smem:$0x3FAC] =	sst s3  }
0xc: {  	[smem:$0x3FAD] =	sst s4  }
0xd: {  	[smem:$0x3FAE] =	sst s5  }
0xe: {  	[smem:$0x3FAF] =	sst s6  }
0xf: {  	[smem:$0x3FB0] =	sst s7  }
0x10: {  	[smem:$0x3FB1] =	sst s8  }
0x11: {  	[smem:$0x3FB2] =	sst s9;
	s0 =	simm.s32 @!p0 $0x0  }
0x12: {  	s1 =	sld [smem:$0x3F98];
	s0 =	simm.s32 @p0 $0x1  }
0x13: {  	[smem:$0x3FB3] =	sst s0;
	s0 =	simm.s32 @!p1 $0x0  }
0x14: {  	s2 =	sld [smem:$0x3F97];
	s0 =	simm.s32 @p1 $0x1  }
0x15: {  	[smem:$0x3FB4] =	sst s0;
	s0 =	simm.s32 @!p2 $0x0  }
0x16: {  	s3 =	sld [smem:$0x3FDB];
	s0 =	simm.s32 @p2 $0x1  }
0x17: {  	s4 =	simm.s32 $0x1BF5;
	[smem:$0x3FB6] =	sst s0  }
0x18: {  	s0 =	sld [smem:$0x3F99];
	_ =	swait.ge [sflag:s4], $0x0  }
0x19: {  	s7 =	sld [smem:$0x3F9A]  }
0x1a: {  	s8 =	sadd.s32 $0xFFFFE003, lr  }
0x1b: {  	s9 =	sadd.s32 $0xFFFFFEF7, lr;
	s5 =	simm.s32 $0xFFFFFFFF;
	p2 =	slt.u32 s8, $0xFFFFF086  }
0x1c: {  	p1 =	slt.u32 s9, $0xF7A;
	s5 =	simm.s32 @!p2 $0x0  }
0x1d: {  	s5 =	simm.s32 @p1 $0x1;
	p0 =	seq.s32 s7, s2  }
0x1e: {  	s7 =	smul.u32 @!p0 $0xF7A, s2;
	p2 =	seq.s32 @!p0 s5, $0x0  }
0x1f: {  	s9 =	smul.u32 $0xF7A, s1;
	s8 =	simm.s32 @!p0 $0x1BF5;
	p2 =	por !p2, p0  }
0x20: {  	[sflag:s8] =	ssyncset.s32 @!p0 $0xFFFFF086;
	s6 =	sadd.s32 @!p0 s3, s7;
	s7 =	simm.s32 @!p0 $0x108  }
0x21: {  	s3 =	sadd.s32 s3, s9;
	s6 =	sadd.s32 @!p0 $0x88, s6;
	s7 =	simm.s32 @p2 $0x1082  }
0x22: {  	[simem:s7], [sflag:s8] =	dma.local @!p0 [hbm:s6], $0xF7A  }
0x23: {  	s9 =	sor.u32 $0xD0000000, s2;
	s6 =	simm.s32 $0x108;
	_ =	swait.ge @!p0 [sflag:s8], $0x0  }
0x24: {  	s3 =	sadd.s32 $0x88, s3;
	s6 =	simm.s32 @!p1 $0x1082;
	[sflag:s4] =	ssyncset.s32 $0xFFFFF086  }
0x25: {  	[simem:s6], [sflag:s4] =	dma.local [hbm:s3], $0xF7A  }
0x26: {  	[smem:$0x3F9A] =	sst s1;
	(tag) =	ssettag s2;
	_ =	strace s9  }
0x27: {  	s1 =	sld [smem:$0x3FAA]  }
0x28: {  	s2 =	sld [smem:$0x3FAB]  }
0x29: {  	s4 =	sld [smem:$0x3FAD]  }
0x2a: {  	p0 =	seq.s32 s5, $0x0;
	s5 =	sld [smem:$0x3FAE]  }
0x2b: {  	s6 =	sld [smem:$0x3FAF]  }
0x2c: {  	s7 =	sld [smem:$0x3FB0]  }
0x2d: {  	s3 =	simm.s32 $0x108;
	s8 =	sld [smem:$0x3FB1]  }
0x2e: {  	s3 =	simm.s32 @!p0 $0x1082;
	s9 =	sld [smem:$0x3FB2]  }
0x2f: {  	lr =	sadd.s32 s0, s3;
	s0 =	sld [smem:$0x3FA9]  }
0x30: {  	s3 =	sld [smem:$0x3FAC]  }
0x31: {  	[smem:$0x3FB5] =	sst s10  }
0x32: {  	s10 =	sld [smem:$0x3FB3];
	_ =	sdelay $0x3  }
0x33: {  	p0 =	seq.s32 s10, $0x1;
	s10 =	sld [smem:$0x3FB5];
	_ =	sdelay $0x3  }
0x34: {  	[smem:$0x3FB5] =	sst s10  }
0x35: {  	s10 =	sld [smem:$0x3FB4];
	_ =	sdelay $0x3  }
0x36: {  	p1 =	seq.s32 s10, $0x1;
	s10 =	sld [smem:$0x3FB5];
	_ =	sdelay $0x3  }
0x37: {  	[smem:$0x3FB5] =	sst s10  }
0x38: {  	s10 =	sld [smem:$0x3FB6]  }
0x39: {  	_ = 	snop;
	(pc) =	sbr.ind lr, $3  }
0x3a: {  	_ = 	snop  }
0x3b: {  	_ = 	snop  }
0x3c: {  	p2 =	seq.s32 s10, $0x1;
	s10 =	sld [smem:$0x3FB5]  }
0x3d: {  	_ =	shalt  }
0x3e: {  	_ =	shalt  }
0x3f: {  	_ =	shalt  }
0x40: {  	_ =	shalt  }
0x41: {  	_ =	shalt  }
0x42: {  	_ =	shalt  }
0x43: {  	_ =	shalt  }
0x44: {  	_ =	shalt  }
0x45: {  	_ =	shalt  }
0x46: {  	_ =	shalt  }
0x47: {  	_ =	shalt  }
0x48: {  	_ =	shalt  }
0x49: {  	_ =	shalt  }
0x4a: {  	_ =	shalt  }
0x4b: {  	_ =	shalt  }
0x4c: {  	_ =	shalt  }
0x4d: {  	_ =	shalt  }
0x4e: {  	_ =	shalt  }
0x4f: {  	_ =	shalt  }
0x50: {  	_ =	shalt  }
0x51: {  	_ =	shalt  }
0x52: {  	_ =	shalt  }
0x53: {  	_ =	shalt  }
0x54: {  	_ =	shalt  }
0x55: {  	_ =	shalt  }
0x56: {  	_ =	shalt  }
0x57: {  	_ =	shalt  }
0x58: {  	_ =	shalt  }
0x59: {  	_ =	shalt  }
0x5a: {  	_ =	shalt  }
0x5b: {  	_ =	shalt  }
0x5c: {  	_ =	shalt  }
0x5d: {  	_ =	shalt  }
0x5e: {  	_ =	shalt  }
0x5f: {  	_ =	shalt  }
0x60: {  	_ =	shalt  }
0x61: {  	_ =	shalt  }
0x62: {  	_ =	shalt  }
0x63: {  	_ =	shalt  }
0x64: {  	_ =	shalt  }
0x65: {  	_ =	shalt  }
0x66: {  	_ =	shalt  }
0x67: {  	_ =	shalt  }
0x68: {  	_ =	shalt  }
0x69: {  	_ =	shalt  }
0x6a: {  	_ =	shalt  }
0x6b: {  	_ =	shalt  }
0x6c: {  	_ =	shalt  }
0x6d: {  	_ =	shalt  }
0x6e: {  	_ =	shalt  }
0x6f: {  	_ =	shalt  }
0x70: {  	_ =	shalt  }
0x71: {  	_ =	shalt  }
0x72: {  	_ =	shalt  }
0x73: {  	_ =	shalt  }
0x74: {  	_ =	shalt  }
0x75: {  	_ =	shalt  }
0x76: {  	_ =	shalt  }
0x77: {  	_ =	shalt  }
0x78: {  	_ =	shalt  }
0x79: {  	_ =	shalt  }
0x7a: {  	_ =	shalt  }
0x7b: {  	_ =	shalt  }
0x7c: {  	_ =	shalt  }
0x7d: {  	_ =	shalt  }
0x7e: {  	_ =	shalt  }
0x7f: {  	_ =	shalt  }
0x80: {  	_ =	shalt  }
0x81: {  	_ =	shalt  }
0x82: {  	_ =	shalt  }
0x83: {  	_ =	shalt  }
0x84: {  	_ =	shalt  }
0x85: {  	_ =	shalt  }
0x86: {  	_ =	shalt  }
0x87: {  	_ =	shalt  }
.Lfunc_end0:
.L_simem_size_0:
called_computation_lowered:
.L_overlay_start_0:
0x88: {  	s2 =	sld [smem:$0x3FD9]  }
0x89: {  	s3 =	sld [smem:$0x3FFE];
	_ =	sdelay $0x1  }
0x8a: {  	s1 =	srdreg.scid  }
0x8b: {  	s0 =	sand.u32 $0x1, s1  }
0x8c: {  	s17 =	sshll.u32 s0, $0xA;
	s2 =	sadd.s32 s3, s2  }
0x8d: {  	s2 =	sadd.s32 s2, s17  }
0x8e: {  	[smem:$0x3FC1] =	sst s2  }
0x8f: {  	_ = 	snop  }
0x90: {  	s2 =	sld [smem:$0x3FD0];
	(tm) =	ssettm $0x1  }
0x91: {  	s18 =	sld [smem:$0x3FFB];
	_ =	sdelay $0x3  }
0x92: {  	_ =	strace s18  }
0x93: {  	s3 =	sld [smem:$0x3FFC];
	_ =	sdelay $0x3  }
0x94: {  	_ =	strace s3  }
0x95: {  	s3 =	sld [smem:$0x3FFD];
	_ =	sdelay $0x3  }
0x96: {  	_ =	strace s3  }
0x97: {  	_ =	strace $0x8FFFFFFF  }
0x98: {  	s19 =	sld [smem:$0x3FDB];
	_ =	sdelay $0x1  }
0x99: {  	s4 =	simm.s32 $_scs_section_size  }
0x9a: {  	s5 =	simm.s32 $_size__tile_overlayer_lowered;
	s6 =	simm.s32 $_tile_overlayer_lowered  }
0x9b: {  	s22 =	simm.s32 $0x1BFF;
	s21 =	sshll.u32 s6, $0x1;
	s3 =	sadd.s32 s4, s19  }
0x9c: {  	s7 =	simm.s32 $0x0;
	s20 =	sshll.u32 s5, $0x1;
	s5 =	sadd.s32 s21, s3  }
0x9d: {  	[timem:s7], [sflag:s22] =	dma.local [hbm:s5], s20  }
0x9e: {  	_ =	swait.ge [sflag:s22], s20  }
0x9f: {  	s4 =	ssub.s32 $0x0, s20;
	[sflag:s22] =	ssyncset.done $0x0  }
0xa0: {  	[sflag:s22] =	ssyncadd.s32 s4;
	_ =	sdelay $0x1  }
0xa1: {  	s23 =	simm.s32 $0x1B8B  }
0xa2: {  	_ =	swait.ge [sflag:s23], $0x1  }
0xa3: {  	[sflag:s23] =	ssyncset.done $0x0  }
0xa4: {  	s25 =	simm.s32 $0x1B8E;
	s24 =	sld [smem:$0x3FFE];
	[sflag:s23] =	ssyncadd.s32 $0xFFFFFFFF  }
0xa5: {  	s26 =	simm.s32 $execute0_lowered;
	[smem:$0x3FD2] =	sst s25  }
0xa6: {  	s5 =	sshll.u32 s26, $0x1;
	_ =	strace $0x80000046;
	[dreg:$0x1] =	wrdreg $0xFFFFFFFF  }
0xa7: {  	s28 =	simm.s32 $_size_execute0_lowered;
	s3 =	sadd.s32 s3, s5;
	[dreg:$0x0] =	wrdreg $0x0  }
0xa8: {  	s5 =	sshll.u32 s28, $0x1;
	[dreg:$0x2] =	wrdreg s3  }
0xa9: {  	[dreg:$0x3] =	wrdreg s5  }
0xaa: {  	[dreg:$0x4] =	wrdreg $0xC0  }
0xab: {  	_ =	task [dreg:s7], $0x5FFFF  }
0xac: {  	[dreg:$0x1] =	wrdreg $0xFFFFFFFF  }
0xad: {  	[dreg:$0x0] =	wrdreg $0x60  }
0xae: {  	[dreg:$0x2] =	wrdreg s24  }
0xaf: {  	[dreg:$0x3] =	wrdreg s2  }
0xb0: {  	[dreg:$0x4] =	wrdreg $0x50800  }
0xb1: {  	[dreg:$0x5] =	wrdreg $0x9  }
0xb2: {  	_ =	task.clear_ibuf [dreg:s7], $0x6FFFF;
	_ =	strace $0x90000046  }
0xb3: {  	s29 =	simm.s32 $0x9;
	_ =	strace $0x80000048  }
0xb4: {  	_ =	swait.ge [sflag:s29], $0x1  }
0xb5: {  	[sflag:s29] =	ssyncadd.s32 $0xFFFFFFFF  }
0xb6: {  	_ =	strace $0x90000048  }
0xb7: {  	_ =	sfence  }
0xb8: {  	s30 =	sld [smem:$0x0];
	_ =	sdelay $0x2  }
0xb9: {  	s31 =	sshll.u32 s1, $0xD;
	s1 =	sshrl.u32 s1, $0x2  }
0xba: {  	s3 =	sand.u32 $0x4000, s31;
	s1 =	sadd.s32 s1, s30  }
0xbb: {  	s0 =	sor.u32 s3, s0;
	s1 =	sshll.u32 s1, $0x11  }
0xbc: {  	s0 =	sor.u32 s1, s0  }
0xbd: {  	s0 =	sadd.s32 $0x8F2B, s0  }
0xbe: {  	[sflag:s0] =	ssyncadd.remote.s32 $0x1  }
0xbf: {  	_ =	sfence.sel $0xFFFF  }
0xc0: {  	[dreg:$0x0] =	wrdreg $0xFFFFFFFF;
	(pc) =	sbr.abs _section_cstart, $3  }
0xc1: {  	[dreg:$0x1] =	wrdreg $0xFFFFFFFF  }
0xc2: {  	_ =	task.clear_ibuf [dreg:s7], $0x2FFFF;
	_ =	strace $0x9FFFFFFF  }
0xc3: {  	(tm) =	ssettm $0x7FFFFFFF  }
tec
execute0_lowered:
.L_overlay_start_1:
0x0: {  	(tag) =	ssettag $0x1  }
0x1: {  	s4 =	rddreg [dreg:$0x0]  }
0x2: {  	s7 =	rddreg [dreg:$0x1]  }
0x3: {  	s2 =	rddreg [dreg:$0x2]  }
0x4: {  	s0 =	rddreg [dreg:$0x3]  }
0x5: {  	s1 =	stileid.u32;
	s5 =	srdreg.scid  }
0x6: {  	s3 =	simm.s32 $0x0;
	s13 =	simm.s32 $0x20;
	s14 =	simm.s32 $0x10  }
0x7: {  	s15 =	simm.s32 $0x0;
	s5 =	sand.u32 $0x1, s5;
	s6 =	smul.u32 $0x500, s1  }
0x8: {  	[smem:$0x7FF] =	sst s3;
	s8 =	smul.u32 $0x280, s1;
	s10 =	sadd.s32 $0x2800, s4  }
0x9: {  	s30 =	sshll.u32 s1, $0x6;
	s31 =	smul.u32 $0xA00, s1;
	s9 =	sshll.u32 s5, $0x7  }
0xa: {  	_ =	strace $0x80000047;
	s11 =	ssub.s32 $0x2, s5;
	p0 =	seq.s32 s5, $0x1  }
0xb: {  	s5 =	sor.u32 $0x1C01, s30;
	s6 =	sor.u32 s9, s6;
	s28 =	sshrl.u32 s8, $0x3  }
0xc: {  	s29 =	sshrl.u32 s11, $0x1;
	s12 =	sadd.s32 s8, s2;
	s10 =	smov.u32 @p0 s7  }
0xd: {  	s6 =	sshrl.u32 s6, $0x3;
	s9 =	sadd.s32 s28, s4;
	s11 =	ssub.s32 s11, s29  }
0xe: {  	s8 =	sadd.s32 s10, s31;
	s10 =	simm.s32 $0x1;
	s6 =	sadd.s32 s6, s4  }
0xf: {  	s4 =	sadd.s32 $0xC800, s9;
	s7 =	smax.u32 s11, $0x1;
	s9 =	sshrl.u32 s12, $0x3  }
0x10: {  	v0 =	vimm.f32 $1.000000000e+00;
	s11 =	simm.s32 $0x80;
	s12 =	simm.s32 $0x5000;
	s6 =	sadd.s32 $0xCE00, s6  }
.LBB2_1:
0x11: {  	[tilespmem:$0x5000] =	vst v0  }
0x12: {  	[tilespmem:$0x5010] =	vst v0  }
0x13: {  	[tilespmem:$0x5020] =	vst v0  }
0x14: {  	[tilespmem:$0x5030] =	vst v0  }
0x15: {  	[tilespmem:$0x5040] =	vst v0  }
0x16: {  	[tilespmem:$0x5050] =	vst v0  }
0x17: {  	[tilespmem:$0x5060] =	vst v0  }
0x18: {  	[tilespmem:$0x5070] =	vst v0  }
0x19: {  	[spmem:s9], [sflag:s5] =	dma.local [hbm:s4], $0x50  }
0x1a: {  	_ =	swait.ge [sflag:s10], $0x50  }
0x1b: {  	[sflag:s10] =	ssyncset.done $0x0  }
0x1c: {  	[sflag:s10] =	ssyncadd.s32 $0xFFFFFFB0  }
0x1d: {  	[tilespmem:s3], [sflag:$0x1] =	stream.linear.gather [hbm4b:s8+s3], $0x5000, $0x38;
	[tilespmem:$0x5300] =	vst v63  }
0x1e: {  	_ =	swait.ge [sflag:s10], $0x5000  }
0x1f: {  	[sflag:s10] =	ssyncset.done $0x0  }
0x20: {  	[sflag:s10] =	ssyncadd.s32 $0xFFFFB000  }
0x21: {  	s16 =	simm.s32 $0x0;
	[bflag:$0x0] =	sbarrier.arrive $0xFFFF  }
0x22: {  	[spmem:s2] =	stream.indirect.scatter.add.f32 [tilespmem:s12], [sflag:$0x1], $0x1, s16, s11, $0xb8;
	[tilespmem:$0x5300] =	vst v63  }
0x23: {  	_ =	swait.ge [sflag:s10], $0x80  }
0x24: {  	s16 =	simm.s32 $0x200;
	[sflag:s10] =	ssyncset.done $0x0  }
.LBB2_2:
0x25: {  	s17 =	sshra.s32 s16, $0x2;
	[sflag:s10] =	ssyncadd.s32 $0xFFFFFF80;
	p0 =	sne.s32 s16, $0x13E00  }
0x26: {  	[spmem:s2] =	stream.indirect.scatter.add.f32 [tilespmem:s12], [sflag:$0x1], $0x1, s17, s11, $0xb8;
	[tilespmem:$0x5300] =	vst v63  }
.Ltmp0:
0x27: {  	_ = 	snop;
	(pc) =	sbr.rel @p0 .LBB2_2-.Ltmp0, $4  }
0x28: {  	_ = 	snop  }
0x29: {  	s16 =	sadd.s32 $0x200, s16  }
0x2a: {  	_ =	swait.ge [sflag:s10], $0x80  }
0x2b: {  	[sflag:s10] =	ssyncset.done $0x0  }
0x2c: {  	s15 =	sadd.s32 $0x1, s15  }
0x2d: {  	[sflag:s10] =	ssyncadd.s32 $0xFFFFFF80;
	p0 =	sne.s32 s15, s7  }
.Ltmp1:
0x2e: {  	[bflag:$0x0] =	sbarrier.arrive $0xFFFF;
	(pc) =	sbr.rel @p0 .LBB2_1-.Ltmp1, $4  }
0x2f: {  	[hbm:s6@s13], [sflag:s5] =	dma.strided [spmem:s9@s14], $0x50, s10, $0x10   }
0x30: {  	_ =	swait.ge [sflag:s10], $0x50  }
0x31: {  	[sflag:s10] =	ssyncset.done $0x0  }
0x32: {  	[sflag:s10] =	ssyncadd.s32 $0xFFFFFFB0  }
0x33: {  	_ =	sfence.sel $0x180000  }
0x34: {  	[bflag:$0x0] =	sbarrier.arrive $0xFFFF  }
0x35: {  	p0 =	sne.s32 s1, $0x0;
	_ =	strace $0x90000047  }
0x36: {  	s0 =	sadd.s32 @!p0 $0x100000, s0;
	[bflag:$0x2] =	sbarrier.arrive $0xFFFF  }
0x37: {  	[sflag:s0] =	ssyncadd.tile.s32 @!p0 $0x1;
	_ =	shalt  }
.Lfunc_end2:
_tile_overlayer_lowered:
.L_overlay_start_2:
0x38: {  	(tag) =	ssettag $0x2  }
0x39: {  	s0 =	rddreg [dreg:$0x0];
	s2 =	stileid.u32  }
0x3a: {  	s1 =	rddreg [dreg:$0x1];
	p0 =	sne.s32 s2, $0x0  }
0x3b: {  	s3 =	rddreg [dreg:$0x2];
	[bflag:$0x3] =	sbarrier.arrive $0xFFFF;
	s2 =	simm.s32 @!p0 $0x1C01  }
0x3c: {  	[timem:s3], [sflag:s2] =	dma.local @!p0 [hbm:s0], s1  }
0x3d: {  	s0 =	simm.s32 @!p0 $0x1  }
0x3e: {  	_ =	swait.ge @!p0 [sflag:s0], s1  }
0x3f: {  	s1 =	ssub.s32 @!p0 $0x0, s1;
	[sflag:s0] =	ssyncset.done @!p0 $0x0  }
0x40: {  	[sflag:s0] =	ssyncadd.s32 @!p0 s1  }
0x41: {  	[bflag:$0x3] =	sbarrier.arrive $0xFFFF  }
0x42: {  	_ =	shalt  }

</sc_bundles>
